<compile_context>
chip_gen: v7x
topology: tpu7x:2x2x1
jax: 0.10.2.dev20260603
libtpu: 0.0.44.dev20260713+nightly
codegen_flags: <defaults>
</compile_context>

<pallas_src>
import functools

import jax
import jax.numpy as jnp
from jax.experimental import pallas as pl
from jax.experimental.pallas import tpu as pltpu

_N = 50000
_E = 800000
_G = 64
_BR = 512
_NPAD = 50176

_BN = 256
_NB = _NPAD // _BN
_C = 1024
_EF = _E + _N
_NCH = -(-_EF // _C) + _NB + 1
_T = _NCH * _C


def _mm_kernel(x_ref, w_ref, o_ref):
    o_ref[...] = jnp.dot(x_ref[...], w_ref[...],
                         preferred_element_type=jnp.float32)


def _mm(x, w):
    m, k = x.shape
    n = w.shape[1]
    grid = (m // _BR,)
    return pl.pallas_call(
        _mm_kernel,
        grid=grid,
        in_specs=[
            pl.BlockSpec((_BR, k), lambda i: (i, 0)),
            pl.BlockSpec((k, n), lambda i: (0, 0)),
        ],
        out_specs=pl.BlockSpec((_BR, n), lambda i: (i, 0)),
        out_shape=jax.ShapeDtypeStruct((m, n), jnp.float32),
    )(x, w)


def _fused_kernel(a_ref, b_ref, w_ref, o_ref):
    h = jnp.maximum(a_ref[...] + b_ref[0:1, :], 0.0)
    o_ref[...] = jnp.dot(h, w_ref[...], preferred_element_type=jnp.float32)


def _fused_mm(agg, b, w):
    m, k = agg.shape
    n = w.shape[1]
    b2 = jnp.broadcast_to(b[None, :], (8, k))
    return pl.pallas_call(
        _fused_kernel,
        grid=(m // _BR,),
        in_specs=[
            pl.BlockSpec((_BR, k), lambda i: (i, 0)),
            pl.BlockSpec((8, k), lambda i: (0, 0)),
            pl.BlockSpec((k, n), lambda i: (0, 0)),
        ],
        out_specs=pl.BlockSpec((_BR, n), lambda i: (i, 0)),
        out_shape=jax.ShapeDtypeStruct((m, n), jnp.float32),
    )(agg, b2, w)


def _pool_kernel(a_ref, b_ref, ids_ref, wfc_ref, bfc_ref, o_ref,
                 sums_ref, cnt_ref):
    step = pl.program_id(0)
    nsteps = pl.num_programs(0)

    @pl.when(step == 0)
    def _init():
        sums_ref[...] = jnp.zeros_like(sums_ref)
        cnt_ref[...] = jnp.zeros_like(cnt_ref)

    h3 = jnp.maximum(a_ref[...] + b_ref[0:1, :], 0.0)
    ids = ids_ref[0]
    rows = jax.lax.broadcasted_iota(jnp.int32, (_G, _BR), 0)
    onehot = (ids == rows).astype(jnp.float32)
    sums_ref[...] += jnp.dot(onehot, h3, preferred_element_type=jnp.float32)
    cnt_ref[...] += jnp.broadcast_to(
        jnp.sum(onehot, axis=1, keepdims=True), (_G, 128))

    @pl.when(step == nsteps - 1)
    def _fin():
        h4 = sums_ref[...] / jnp.maximum(cnt_ref[:, 0:1], 1.0)
        logits = jnp.dot(h4, wfc_ref[...],
                         preferred_element_type=jnp.float32) + bfc_ref[0:1, :]
        o_ref[...] = jax.nn.sigmoid(logits)


def _pool_fc(agg3, b3, batch_p, wfc, bfc):
    m, h3 = agg3.shape
    ids3d = batch_p.reshape(m // _BR, 1, _BR)
    b2 = jnp.broadcast_to(b3[None, :], (8, h3))
    wfc_p = jnp.pad(wfc, ((0, 0), (0, 127)))
    bfc_p = jnp.broadcast_to(bfc[0], (8, 128))
    out = pl.pallas_call(
        _pool_kernel,
        grid=(m // _BR,),
        in_specs=[
            pl.BlockSpec((_BR, h3), lambda i: (i, 0)),
            pl.BlockSpec((8, h3), lambda i: (0, 0)),
            pl.BlockSpec((1, 1, _BR), lambda i: (i, 0, 0)),
            pl.BlockSpec((h3, 128), lambda i: (0, 0)),
            pl.BlockSpec((8, 128), lambda i: (0, 0)),
        ],
        out_specs=pl.BlockSpec((_G, 128), lambda i: (0, 0)),
        out_shape=jax.ShapeDtypeStruct((_G, 128), jnp.float32),
        scratch_shapes=[
            pltpu.VMEM((_G, h3), jnp.float32),
            pltpu.VMEM((_G, 128), jnp.float32),
        ],
    )(agg3, b2, ids3d, wfc_p, bfc_p)
    return out[:, :1]


def _seg_kernel(wj_ref, dst_ref, msg_ref, o_ref):
    j = pl.program_id(0)
    w = wj_ref[j]
    wprev = wj_ref[jnp.maximum(j - 1, 0)]
    first = jnp.logical_or(j == 0, w != wprev)
    ids = dst_ref[0]
    rows = jax.lax.broadcasted_iota(jnp.int32, (_BN, _C), 0)
    onehot = (ids == rows).astype(jnp.float32)
    contrib = jnp.dot(onehot, msg_ref[...],
                      preferred_element_type=jnp.float32)

    @pl.when(first)
    def _():
        o_ref[...] = contrib

    @pl.when(jnp.logical_not(first))
    def _():
        o_ref[...] += contrib


def _seg_reduce(wj, pdst3, msg):
    h = msg.shape[1]
    grid_spec = pltpu.PrefetchScalarGridSpec(
        num_scalar_prefetch=1,
        grid=(_NCH,),
        in_specs=[
            pl.BlockSpec((1, 1, _C), lambda j, wj_r: (j, 0, 0)),
            pl.BlockSpec((_C, h), lambda j, wj_r: (j, 0)),
        ],
        out_specs=pl.BlockSpec((_BN, h), lambda j, wj_r: (wj_r[j], 0)),
    )
    return pl.pallas_call(
        _seg_kernel,
        grid_spec=grid_spec,
        out_shape=jax.ShapeDtypeStruct((_NPAD, h), jnp.float32),
    )(wj, pdst3, msg)


def kernel(x, edge_index, edge_attr, batch, W1, b1, W2, b2, W3, b3, Wfc, bfc):
    src = edge_index[0]
    dst = edge_index[1]
    loop = jnp.arange(_N, dtype=src.dtype)
    src_f = jnp.concatenate([src, loop])
    dst_f = jnp.concatenate([dst, loop])
    ew = jnp.concatenate([edge_attr, jnp.ones((_N,), edge_attr.dtype)])

    deg = jax.ops.segment_sum(ew, dst_f, num_segments=_N)
    dinv = jnp.where(deg > 0, 1.0 / jnp.sqrt(deg), 0.0)
    norm = dinv[src_f] * ew * dinv[dst_f]

    x_p = jnp.pad(x, ((0, _NPAD - _N), (0, 0)))

    perm = jnp.argsort(dst_f)
    dst_s = dst_f[perm]
    src_s = src_f[perm]
    norm_s = norm[perm]
    bounds = (jnp.arange(_NB + 1, dtype=jnp.int32) * _BN)
    rp = jnp.searchsorted(dst_s, bounds).astype(jnp.int32)
    cnt = rp[1:] - rp[:-1]
    nch = jnp.maximum(1, -(-cnt // _C))
    firstc = jnp.concatenate([jnp.zeros((1,), jnp.int32),
                              jnp.cumsum(nch).astype(jnp.int32)])
    wj = jnp.repeat(jnp.arange(_NB, dtype=jnp.int32), nch,
                    total_repeat_length=_NCH)
    rj = jnp.arange(_NCH, dtype=jnp.int32) - firstc[wj]
    sj = rp[wj] + rj * _C
    endw = rp[wj + 1]
    eid = sj[:, None] + jnp.arange(_C, dtype=jnp.int32)[None, :]
    valid = eid < endw[:, None]
    eidc = jnp.clip(eid, 0, _EF - 1).reshape(_T)
    psrc = src_s[eidc]
    pnorm = jnp.where(valid.reshape(_T), norm_s[eidc], 0.0)
    pdst3 = jnp.where(valid, dst_s[eidc].reshape(_NCH, _C) - wj[:, None] * _BN,
                      -1).reshape(_NCH, 1, _C)

    def conv_agg(hw):
        msg = hw[psrc] * pnorm[:, None]
        return _seg_reduce(wj, pdst3, msg)

    hw1 = _mm(x_p, W1)
    agg1 = conv_agg(hw1)
    hw2 = _fused_mm(agg1, b1, W2)
    agg2 = conv_agg(hw2)
    hw3 = _fused_mm(agg2, b2, W3)
    agg3 = conv_agg(hw3)

    batch_p = jnp.pad(batch, (0, _NPAD - _N), constant_values=_G)
    return _pool_fc(agg3, b3, batch_p, Wfc, bfc)

# --- scband reference (transcript-rebuilt; emitter-appended) ---
"""Pipeline reference for scband-net-22101901705285 (READ-ONLY COPY).

The authoritative reference and input builder live on the scoring server;
editing this copy changes nothing except your own understanding.
"""

import jax, jax.numpy as jnp
import numpy as np

N = 50000
E = 800000
G = 64
H0, H1, H2, H3 = 8, 128, 256, 512


def setup_inputs(seed: int = 0) -> dict:
    key = jax.random.key(seed)
    ks = jax.random.split(key, 14)
    x = jax.random.normal(ks[0], (N, H0), dtype=jnp.float32)
    edge_index = jax.random.randint(ks[1], (2, E), 0, N, dtype=jnp.int32)
    edge_attr = jax.random.uniform(ks[2], (E,), dtype=jnp.float32)
    batch = jnp.sort(jax.random.randint(ks[3], (N,), 0, G, dtype=jnp.int32))
    def glorot(k, fan_in, fan_out):
        lim = float(np.sqrt(6.0 / (fan_in + fan_out)))
        return jax.random.uniform(k, (fan_in, fan_out), dtype=jnp.float32, minval=-lim, maxval=lim)
    W1 = glorot(ks[4], H0, H1); b1 = jnp.zeros((H1,), jnp.float32)
    W2 = glorot(ks[5], H1, H2); b2 = jnp.zeros((H2,), jnp.float32)
    W3 = glorot(ks[6], H2, H3); b3 = jnp.zeros((H3,), jnp.float32)
    Wfc = glorot(ks[7], H3, 1); bfc = jnp.zeros((1,), jnp.float32)
    return {"x": x, "edge_index": edge_index, "edge_attr": edge_attr, "batch": batch,
            "W1": W1, "b1": b1, "W2": W2, "b2": b2, "W3": W3, "b3": b3,
            "Wfc": Wfc, "bfc": bfc}


def reference(x, edge_index, edge_attr, batch, W1, b1, W2, b2, W3, b3, Wfc, bfc):
    src = edge_index[0]
    dst = edge_index[1]
    loop = jnp.arange(N, dtype=src.dtype)
    src_f = jnp.concatenate([src, loop])
    dst_f = jnp.concatenate([dst, loop])
    ew = jnp.concatenate([edge_attr, jnp.ones((N,), edge_attr.dtype)])
    # GCN symmetric normalization with self-loops (edge weight 1 on loops)
    deg = jax.ops.segment_sum(ew, dst_f, num_segments=N)
    dinv = jnp.where(deg > 0, 1.0 / jnp.sqrt(deg), 0.0)
    norm = dinv[src_f] * ew * dinv[dst_f]

    def gcn_conv(h, W, b):
        hw = h @ W
        msg = hw[src_f] * norm[:, None]
        out = jax.ops.segment_sum(msg, dst_f, num_segments=N)
        return out + b

    h1 = jax.nn.relu(gcn_conv(x, W1, b1))
    h2 = jax.nn.relu(gcn_conv(h1, W2, b2))
    a3 = gcn_conv(h2, W3, b3)
    h3 = jax.nn.relu(a3)
    # global mean pool over batch segment ids
    sums = jax.ops.segment_sum(h3, batch, num_segments=G)
    cnt = jax.ops.segment_sum(jnp.ones((N,), h3.dtype), batch, num_segments=G)
    h4 = sums / jnp.maximum(cnt, 1.0)[:, None]
    out = jax.nn.sigmoid(h4 @ Wfc + bfc)
    return out

if __name__ == "__main__":
    import jax
    _d = setup_inputs()
    print(jax.jit(kernel)(*tuple(_d.values())))

</pallas_src>

<mosaic_0001>
module attributes {stable_mosaic.version = 14 : i64} {
  func.func @_mm_kernel(%arg0: i32, %arg1: memref<512x8xf32, #tpu.memory_space<vmem>>, %arg2: memref<8x128xf32, #tpu.memory_space<vmem>>, %arg3: memref<512x128xf32, #tpu.memory_space<vmem>>) attributes {dimension_semantics = [#tpu.dimension_semantics<arbitrary>], iteration_bounds = array<i64: 98>, scalar_prefetch = 0 : i64, scratch_operands = 0 : i64, tpu.core_type = #tpu.core_type<tc>, window_params = [{transform_indices = @transform_0, window_bounds = array<i64: 512, 8>}, {pipeline_mode = #tpu.pipeline_mode<synchronous>, transform_indices = @transform_1, window_bounds = array<i64: 8, 128>}, {transform_indices = @transform_2, window_bounds = array<i64: 512, 128>}]} {
    %get3A = arith.constant 0 : index
    %get3A_0 = arith.constant 0 : index
    %get3A_1 = vector.load %arg1[%get3A, %get3A_0] : memref<512x8xf32, #tpu.memory_space<vmem>>, vector<512x8xf32>
    %get3A_2 = arith.constant 0 : index
    %get3A_3 = arith.constant 0 : index
    %get3A_4 = vector.load %arg2[%get3A_2, %get3A_3] : memref<8x128xf32, #tpu.memory_space<vmem>>, vector<8x128xf32>
    %dot_general3A = arith.constant dense<0.000000e+00> : vector<512x128xf32>
    %dot_general3A_5 = tpu.matmul %get3A_1, %get3A_4, %dot_general3A {dimension_numbers = #tpu.dot_dimension_numbers<[1], [0], [0], [1], [0, 0, 1, 1], [], []>, transpose_lhs_hint = false} : vector<512x8xf32>, vector<8x128xf32>, vector<512x128xf32> -> vector<512x128xf32>
    %swap3A = arith.constant 0 : index
    %swap3A_6 = arith.constant 0 : index
    %swap3A_7 = vector.load %arg3[%swap3A, %swap3A_6] : memref<512x128xf32, #tpu.memory_space<vmem>>, vector<512x128xf32>
    tpu.vector_store %arg3[%swap3A, %swap3A_6], %dot_general3A_5 {strides = array<i32>} : memref<512x128xf32, #tpu.memory_space<vmem>>, vector<512x128xf32>,
    return
  }
  func.func @transform_0(%arg0: i32) -> (i32, i32) {
    %c0_i32 = arith.constant 0 : i32
    %c0_i32_0 = arith.constant 0 : i32
    return %arg0, %c0_i32 : i32, i32
  }
  func.func @transform_1(%arg0: i32) -> (i32, i32) {
    %c0_i32 = arith.constant 0 : i32
    %c0_i32_0 = arith.constant 0 : i32
    %c0_i32_1 = arith.constant 0 : i32
    return %c0_i32, %c0_i32_0 : i32, i32
  }
  func.func @transform_2(%arg0: i32) -> (i32, i32) {
    %c0_i32 = arith.constant 0 : i32
    %c0_i32_0 = arith.constant 0 : i32
    return %arg0, %c0_i32 : i32, i32
  }
}

module attributes {stable_mosaic.version = 14 : i64} {
  func.func @_seg_kernel(%arg0: i32, %arg1: memref<1028xi32, #tpu.memory_space<smem>>, %arg2: memref<1x1x1024xi32, #tpu.memory_space<vmem>>, %arg3: memref<1024x128xf32, #tpu.memory_space<vmem>>, %arg4: memref<256x128xf32, #tpu.memory_space<vmem>>) attributes {dimension_semantics = [#tpu.dimension_semantics<arbitrary>], iteration_bounds = array<i64: 1028>, scalar_prefetch = 1 : i64, scratch_operands = 0 : i64, tpu.core_type = #tpu.core_type<tc>, window_params = [{transform_indices = @transform_0, window_bounds = array<i64: 1, 1, 1024>}, {transform_indices = @transform_1, window_bounds = array<i64: 1024, 128>}, {transform_indices = @transform_2, window_bounds = array<i64: 256, 128>}]} {
    %get3A = arith.index_cast %arg0 : i32 to index
    %get3A_0 = memref.load %arg1[%get3A] : memref<1028xi32, #tpu.memory_space<smem>>
    %sub3A = arith.constant 1 : i32
    %sub3A_1 = arith.subi %arg0, %sub3A : i32
    %max3A = arith.constant 0 : i32
    %max3A_2 = arith.maxsi %sub3A_1, %max3A : i32
    %get3A_3 = arith.index_cast %max3A_2 : i32 to index
    %get3A_4 = memref.load %arg1[%get3A_3] : memref<1028xi32, #tpu.memory_space<smem>>
    %eq3A = arith.constant 0 : i32
    %eq3A_5 = arith.cmpi eq, %arg0, %eq3A : i32
    %ne3A = arith.cmpi ne, %get3A_0, %get3A_4 : i32
    %or3A = arith.ori %eq3A_5, %ne3A : i1
    %get3A_6 = arith.constant 0 : index
    %get3A_7 = arith.constant 0 : index
    %get3A_8 = arith.constant 0 : index
    %get3A_9 = vector.load %arg2[%get3A_6, %get3A_7, %get3A_8] : memref<1x1x1024xi32, #tpu.memory_space<vmem>>, vector<1x1x1024xi32>
    %get3A_10 = vector.shape_cast %get3A_9 : vector<1x1x1024xi32> to vector<1x1024xi32>
    %iota3A = tpu.iota {dimensions = array<i32: 0>} : vector<256x1024xi32>
    %eq3A_11 = vector.broadcast %get3A_10 : vector<1x1024xi32> to vector<256x1024xi32>
    %eq3A_12 = arith.cmpi eq, %eq3A_11, %iota3A : vector<256x1024xi32>
    %convert_element_type3A = arith.extui %eq3A_12 : vector<256x1024xi1> to vector<256x1024xi32>
    %convert_element_type3A_13 = arith.sitofp %convert_element_type3A : vector<256x1024xi32> to vector<256x1024xf32>
    %get3A_14 = arith.constant 0 : index
    %get3A_15 = arith.constant 0 : index
    %get3A_16 = vector.load %arg3[%get3A_14, %get3A_15] : memref<1024x128xf32, #tpu.memory_space<vmem>>, vector<1024x128xf32>
    %dot_general3A = arith.constant dense<0.000000e+00> : vector<256x128xf32>
    %dot_general3A_17 = tpu.matmul %convert_element_type3A_13, %get3A_16, %dot_general3A {dimension_numbers = #tpu.dot_dimension_numbers<[1], [0], [0], [1], [0, 0, 1, 1], [], []>, transpose_lhs_hint = false} : vector<256x1024xf32>, vector<1024x128xf32>, vector<256x128xf32> -> vector<256x128xf32>
    %convert_element_type3A_18 = arith.extui %or3A : i1 to i32
    %cond3A = arith.constant 0 : i32
    %cond3A_19 = arith.cmpi ne, %convert_element_type3A_18, %cond3A : i32
    scf.if %cond3A_19 {
      %swap3A = arith.constant 0 : index
      %swap3A_24 = arith.constant 0 : index
      %swap3A_25 = vector.load %arg4[%swap3A, %swap3A_24] : memref<256x128xf32, #tpu.memory_space<vmem>>, vector<256x128xf32>
      tpu.vector_store %arg4[%swap3A, %swap3A_24], %dot_general3A_17 {strides = array<i32>} : memref<256x128xf32, #tpu.memory_space<vmem>>, vector<256x128xf32>,
    } else {
    }
    %not3A = arith.constant true
    %not3A_20 = arith.xori %or3A, %not3A : i1
    %convert_element_type3A_21 = arith.extui %not3A_20 : i1 to i32
    %cond3A_22 = arith.constant 0 : i32
    %cond3A_23 = arith.cmpi ne, %convert_element_type3A_21, %cond3A_22 : i32
    scf.if %cond3A_23 {
      %get3A_24 = arith.constant 0 : index
      %get3A_25 = arith.constant 0 : index
      %get3A_26 = vector.load %arg4[%get3A_24, %get3A_25] : memref<256x128xf32, #tpu.memory_space<vmem>>, vector<256x128xf32>
      %add3A = arith.addf %get3A_26, %dot_general3A_17 : vector<256x128xf32>
      %swap3A = arith.constant 0 : index
      %swap3A_27 = arith.constant 0 : index
      %swap3A_28 = vector.load %arg4[%swap3A, %swap3A_27] : memref<256x128xf32, #tpu.memory_space<vmem>>, vector<256x128xf32>
      tpu.vector_store %arg4[%swap3A, %swap3A_27], %add3A {strides = array<i32>} : memref<256x128xf32, #tpu.memory_space<vmem>>, vector<256x128xf32>,
    } else {
    }
    return
  }
  func.func @transform_0(%arg0: i32, %arg1: memref<1028xi32, #tpu.memory_space<smem>>) -> (i32, i32, i32) {
    %c0_i32 = arith.constant 0 : i32
    %c0_i32_0 = arith.constant 0 : i32
    %c0_i32_1 = arith.constant 0 : i32
    return %arg0, %c0_i32, %c0_i32_0 : i32, i32, i32
  }
  func.func @transform_1(%arg0: i32, %arg1: memref<1028xi32, #tpu.memory_space<smem>>) -> (i32, i32) {
    %c0_i32 = arith.constant 0 : i32
    %c0_i32_0 = arith.constant 0 : i32
    return %arg0, %c0_i32 : i32, i32
  }
  func.func @transform_2(%arg0: i32, %arg1: memref<1028xi32, #tpu.memory_space<smem>>) -> (i32, i32) {
    %get3A = arith.index_cast %arg0 : i32 to index
    %get3A_0 = memref.load %arg1[%get3A] : memref<1028xi32, #tpu.memory_space<smem>>
    %c0_i32 = arith.constant 0 : i32
    %c0_i32_1 = arith.constant 0 : i32
    return %get3A_0, %c0_i32 : i32, i32
  }
}

module attributes {stable_mosaic.version = 14 : i64} {
  func.func @_fused_kernel(%arg0: i32, %arg1: memref<512x128xf32, #tpu.memory_space<vmem>>, %arg2: memref<8x128xf32, #tpu.memory_space<vmem>>, %arg3: memref<128x256xf32, #tpu.memory_space<vmem>>, %arg4: memref<512x256xf32, #tpu.memory_space<vmem>>) attributes {dimension_semantics = [#tpu.dimension_semantics<arbitrary>], iteration_bounds = array<i64: 98>, scalar_prefetch = 0 : i64, scratch_operands = 0 : i64, tpu.core_type = #tpu.core_type<tc>, window_params = [{transform_indices = @transform_0, window_bounds = array<i64: 512, 128>}, {pipeline_mode = #tpu.pipeline_mode<synchronous>, transform_indices = @transform_1, window_bounds = array<i64: 8, 128>}, {pipeline_mode = #tpu.pipeline_mode<synchronous>, transform_indices = @transform_2, window_bounds = array<i64: 128, 256>}, {transform_indices = @transform_3, window_bounds = array<i64: 512, 256>}]} {
    %get3A = arith.constant 0 : index
    %get3A_0 = arith.constant 0 : index
    %get3A_1 = vector.load %arg1[%get3A, %get3A_0] : memref<512x128xf32, #tpu.memory_space<vmem>>, vector<512x128xf32>
    %get3A_2 = arith.constant 0 : index
    %get3A_3 = arith.constant 0 : index
    %get3A_4 = vector.load %arg2[%get3A_2, %get3A_3] : memref<8x128xf32, #tpu.memory_space<vmem>>, vector<1x128xf32>
    %add3A = vector.broadcast %get3A_4 : vector<1x128xf32> to vector<512x128xf32>
    %add3A_5 = arith.addf %get3A_1, %add3A : vector<512x128xf32>
    %max3A = arith.constant 0.000000e+00 : f32
    %max3A_6 = vector.broadcast %max3A : f32 to vector<512x128xf32>
    %max3A_7 = arith.maximumf %add3A_5, %max3A_6 : vector<512x128xf32>
    %get3A_8 = arith.constant 0 : index
    %get3A_9 = arith.constant 0 : index
    %get3A_10 = vector.load %arg3[%get3A_8, %get3A_9] : memref<128x256xf32, #tpu.memory_space<vmem>>, vector<128x256xf32>
    %dot_general3A = arith.constant dense<0.000000e+00> : vector<512x256xf32>
    %dot_general3A_11 = tpu.matmul %max3A_7, %get3A_10, %dot_general3A {dimension_numbers = #tpu.dot_dimension_numbers<[1], [0], [0], [1], [0, 0, 1, 1], [], []>, transpose_lhs_hint = false} : vector<512x128xf32>, vector<128x256xf32>, vector<512x256xf32> -> vector<512x256xf32>
    %swap3A = arith.constant 0 : index
    %swap3A_12 = arith.constant 0 : index
    %swap3A_13 = vector.load %arg4[%swap3A, %swap3A_12] : memref<512x256xf32, #tpu.memory_space<vmem>>, vector<512x256xf32>
    tpu.vector_store %arg4[%swap3A, %swap3A_12], %dot_general3A_11 {strides = array<i32>} : memref<512x256xf32, #tpu.memory_space<vmem>>, vector<512x256xf32>,
    return
  }
  func.func @transform_0(%arg0: i32) -> (i32, i32) {
    %c0_i32 = arith.constant 0 : i32
    %c0_i32_0 = arith.constant 0 : i32
    return %arg0, %c0_i32 : i32, i32
  }
  func.func @transform_1(%arg0: i32) -> (i32, i32) {
    %c0_i32 = arith.constant 0 : i32
    %c0_i32_0 = arith.constant 0 : i32
    %c0_i32_1 = arith.constant 0 : i32
    return %c0_i32, %c0_i32_0 : i32, i32
  }
  func.func @transform_2(%arg0: i32) -> (i32, i32) {
    %c0_i32 = arith.constant 0 : i32
    %c0_i32_0 = arith.constant 0 : i32
    %c0_i32_1 = arith.constant 0 : i32
    return %c0_i32, %c0_i32_0 : i32, i32
  }
  func.func @transform_3(%arg0: i32) -> (i32, i32) {
    %c0_i32 = arith.constant 0 : i32
    %c0_i32_0 = arith.constant 0 : i32
    return %arg0, %c0_i32 : i32, i32
  }
}

module attributes {stable_mosaic.version = 14 : i64} {
  func.func @_seg_kernel(%arg0: i32, %arg1: memref<1028xi32, #tpu.memory_space<smem>>, %arg2: memref<1x1x1024xi32, #tpu.memory_space<vmem>>, %arg3: memref<1024x256xf32, #tpu.memory_space<vmem>>, %arg4: memref<256x256xf32, #tpu.memory_space<vmem>>) attributes {dimension_semantics = [#tpu.dimension_semantics<arbitrary>], iteration_bounds = array<i64: 1028>, scalar_prefetch = 1 : i64, scratch_operands = 0 : i64, tpu.core_type = #tpu.core_type<tc>, window_params = [{transform_indices = @transform_0, window_bounds = array<i64: 1, 1, 1024>}, {transform_indices = @transform_1, window_bounds = array<i64: 1024, 256>}, {transform_indices = @transform_2, window_bounds = array<i64: 256, 256>}]} {
    %get3A = arith.index_cast %arg0 : i32 to index
    %get3A_0 = memref.load %arg1[%get3A] : memref<1028xi32, #tpu.memory_space<smem>>
    %sub3A = arith.constant 1 : i32
    %sub3A_1 = arith.subi %arg0, %sub3A : i32
    %max3A = arith.constant 0 : i32
    %max3A_2 = arith.maxsi %sub3A_1, %max3A : i32
    %get3A_3 = arith.index_cast %max3A_2 : i32 to index
    %get3A_4 = memref.load %arg1[%get3A_3] : memref<1028xi32, #tpu.memory_space<smem>>
    %eq3A = arith.constant 0 : i32
    %eq3A_5 = arith.cmpi eq, %arg0, %eq3A : i32
    %ne3A = arith.cmpi ne, %get3A_0, %get3A_4 : i32
    %or3A = arith.ori %eq3A_5, %ne3A : i1
    %get3A_6 = arith.constant 0 : index
    %get3A_7 = arith.constant 0 : index
    %get3A_8 = arith.constant 0 : index
    %get3A_9 = vector.load %arg2[%get3A_6, %get3A_7, %get3A_8] : memref<1x1x1024xi32, #tpu.memory_space<vmem>>, vector<1x1x1024xi32>
    %get3A_10 = vector.shape_cast %get3A_9 : vector<1x1x1024xi32> to vector<1x1024xi32>
    %iota3A = tpu.iota {dimensions = array<i32: 0>} : vector<256x1024xi32>
    %eq3A_11 = vector.broadcast %get3A_10 : vector<1x1024xi32> to vector<256x1024xi32>
    %eq3A_12 = arith.cmpi eq, %eq3A_11, %iota3A : vector<256x1024xi32>
    %convert_element_type3A = arith.extui %eq3A_12 : vector<256x1024xi1> to vector<256x1024xi32>
    %convert_element_type3A_13 = arith.sitofp %convert_element_type3A : vector<256x1024xi32> to vector<256x1024xf32>
    %get3A_14 = arith.constant 0 : index
    %get3A_15 = arith.constant 0 : index
    %get3A_16 = vector.load %arg3[%get3A_14, %get3A_15] : memref<1024x256xf32, #tpu.memory_space<vmem>>, vector<1024x256xf32>
    %dot_general3A = arith.constant dense<0.000000e+00> : vector<256x256xf32>
    %dot_general3A_17 = tpu.matmul %convert_element_type3A_13, %get3A_16, %dot_general3A {dimension_numbers = #tpu.dot_dimension_numbers<[1], [0], [0], [1], [0, 0, 1, 1], [], []>, transpose_lhs_hint = false} : vector<256x1024xf32>, vector<1024x256xf32>, vector<256x256xf32> -> vector<256x256xf32>
    %convert_element_type3A_18 = arith.extui %or3A : i1 to i32
    %cond3A = arith.constant 0 : i32
    %cond3A_19 = arith.cmpi ne, %convert_element_type3A_18, %cond3A : i32
    scf.if %cond3A_19 {
      %swap3A = arith.constant 0 : index
      %swap3A_24 = arith.constant 0 : index
      %swap3A_25 = vector.load %arg4[%swap3A, %swap3A_24] : memref<256x256xf32, #tpu.memory_space<vmem>>, vector<256x256xf32>
      tpu.vector_store %arg4[%swap3A, %swap3A_24], %dot_general3A_17 {strides = array<i32>} : memref<256x256xf32, #tpu.memory_space<vmem>>, vector<256x256xf32>,
    } else {
    }
    %not3A = arith.constant true
    %not3A_20 = arith.xori %or3A, %not3A : i1
    %convert_element_type3A_21 = arith.extui %not3A_20 : i1 to i32
    %cond3A_22 = arith.constant 0 : i32
    %cond3A_23 = arith.cmpi ne, %convert_element_type3A_21, %cond3A_22 : i32
    scf.if %cond3A_23 {
      %get3A_24 = arith.constant 0 : index
      %get3A_25 = arith.constant 0 : index
      %get3A_26 = vector.load %arg4[%get3A_24, %get3A_25] : memref<256x256xf32, #tpu.memory_space<vmem>>, vector<256x256xf32>
      %add3A = arith.addf %get3A_26, %dot_general3A_17 : vector<256x256xf32>
      %swap3A = arith.constant 0 : index
      %swap3A_27 = arith.constant 0 : index
      %swap3A_28 = vector.load %arg4[%swap3A, %swap3A_27] : memref<256x256xf32, #tpu.memory_space<vmem>>, vector<256x256xf32>
      tpu.vector_store %arg4[%swap3A, %swap3A_27], %add3A {strides = array<i32>} : memref<256x256xf32, #tpu.memory_space<vmem>>, vector<256x256xf32>,
    } else {
    }
    return
  }
  func.func @transform_0(%arg0: i32, %arg1: memref<1028xi32, #tpu.memory_space<smem>>) -> (i32, i32, i32) {
    %c0_i32 = arith.constant 0 : i32
    %c0_i32_0 = arith.constant 0 : i32
    %c0_i32_1 = arith.constant 0 : i32
    return %arg0, %c0_i32, %c0_i32_0 : i32, i32, i32
  }
  func.func @transform_1(%arg0: i32, %arg1: memref<1028xi32, #tpu.memory_space<smem>>) -> (i32, i32) {
    %c0_i32 = arith.constant 0 : i32
    %c0_i32_0 = arith.constant 0 : i32
    return %arg0, %c0_i32 : i32, i32
  }
  func.func @transform_2(%arg0: i32, %arg1: memref<1028xi32, #tpu.memory_space<smem>>) -> (i32, i32) {
    %get3A = arith.index_cast %arg0 : i32 to index
    %get3A_0 = memref.load %arg1[%get3A] : memref<1028xi32, #tpu.memory_space<smem>>
    %c0_i32 = arith.constant 0 : i32
    %c0_i32_1 = arith.constant 0 : i32
    return %get3A_0, %c0_i32 : i32, i32
  }
}

module attributes {stable_mosaic.version = 14 : i64} {
  func.func @_fused_kernel(%arg0: i32, %arg1: memref<512x256xf32, #tpu.memory_space<vmem>>, %arg2: memref<8x256xf32, #tpu.memory_space<vmem>>, %arg3: memref<256x512xf32, #tpu.memory_space<vmem>>, %arg4: memref<512x512xf32, #tpu.memory_space<vmem>>) attributes {dimension_semantics = [#tpu.dimension_semantics<arbitrary>], iteration_bounds = array<i64: 98>, scalar_prefetch = 0 : i64, scratch_operands = 0 : i64, tpu.core_type = #tpu.core_type<tc>, window_params = [{transform_indices = @transform_0, window_bounds = array<i64: 512, 256>}, {pipeline_mode = #tpu.pipeline_mode<synchronous>, transform_indices = @transform_1, window_bounds = array<i64: 8, 256>}, {pipeline_mode = #tpu.pipeline_mode<synchronous>, transform_indices = @transform_2, window_bounds = array<i64: 256, 512>}, {transform_indices = @transform_3, window_bounds = array<i64: 512, 512>}]} {
    %get3A = arith.constant 0 : index
    %get3A_0 = arith.constant 0 : index
    %get3A_1 = vector.load %arg1[%get3A, %get3A_0] : memref<512x256xf32, #tpu.memory_space<vmem>>, vector<512x256xf32>
    %get3A_2 = arith.constant 0 : index
    %get3A_3 = arith.constant 0 : index
    %get3A_4 = vector.load %arg2[%get3A_2, %get3A_3] : memref<8x256xf32, #tpu.memory_space<vmem>>, vector<1x256xf32>
    %add3A = vector.broadcast %get3A_4 : vector<1x256xf32> to vector<512x256xf32>
    %add3A_5 = arith.addf %get3A_1, %add3A : vector<512x256xf32>
    %max3A = arith.constant 0.000000e+00 : f32
    %max3A_6 = vector.broadcast %max3A : f32 to vector<512x256xf32>
    %max3A_7 = arith.maximumf %add3A_5, %max3A_6 : vector<512x256xf32>
    %get3A_8 = arith.constant 0 : index
    %get3A_9 = arith.constant 0 : index
    %get3A_10 = vector.load %arg3[%get3A_8, %get3A_9] : memref<256x512xf32, #tpu.memory_space<vmem>>, vector<256x512xf32>
    %dot_general3A = arith.constant dense<0.000000e+00> : vector<512x512xf32>
    %dot_general3A_11 = tpu.matmul %max3A_7, %get3A_10, %dot_general3A {dimension_numbers = #tpu.dot_dimension_numbers<[1], [0], [0], [1], [0, 0, 1, 1], [], []>, transpose_lhs_hint = false} : vector<512x256xf32>, vector<256x512xf32>, vector<512x512xf32> -> vector<512x512xf32>
    %swap3A = arith.constant 0 : index
    %swap3A_12 = arith.constant 0 : index
    %swap3A_13 = vector.load %arg4[%swap3A, %swap3A_12] : memref<512x512xf32, #tpu.memory_space<vmem>>, vector<512x512xf32>
    tpu.vector_store %arg4[%swap3A, %swap3A_12], %dot_general3A_11 {strides = array<i32>} : memref<512x512xf32, #tpu.memory_space<vmem>>, vector<512x512xf32>,
    return
  }
  func.func @transform_0(%arg0: i32) -> (i32, i32) {
    %c0_i32 = arith.constant 0 : i32
    %c0_i32_0 = arith.constant 0 : i32
    return %arg0, %c0_i32 : i32, i32
  }
  func.func @transform_1(%arg0: i32) -> (i32, i32) {
    %c0_i32 = arith.constant 0 : i32
    %c0_i32_0 = arith.constant 0 : i32
    %c0_i32_1 = arith.constant 0 : i32
    return %c0_i32, %c0_i32_0 : i32, i32
  }
  func.func @transform_2(%arg0: i32) -> (i32, i32) {
    %c0_i32 = arith.constant 0 : i32
    %c0_i32_0 = arith.constant 0 : i32
    %c0_i32_1 = arith.constant 0 : i32
    return %c0_i32, %c0_i32_0 : i32, i32
  }
  func.func @transform_3(%arg0: i32) -> (i32, i32) {
    %c0_i32 = arith.constant 0 : i32
    %c0_i32_0 = arith.constant 0 : i32
    return %arg0, %c0_i32 : i32, i32
  }
}

module attributes {stable_mosaic.version = 14 : i64} {
  func.func @_seg_kernel(%arg0: i32, %arg1: memref<1028xi32, #tpu.memory_space<smem>>, %arg2: memref<1x1x1024xi32, #tpu.memory_space<vmem>>, %arg3: memref<1024x512xf32, #tpu.memory_space<vmem>>, %arg4: memref<256x512xf32, #tpu.memory_space<vmem>>) attributes {dimension_semantics = [#tpu.dimension_semantics<arbitrary>], iteration_bounds = array<i64: 1028>, scalar_prefetch = 1 : i64, scratch_operands = 0 : i64, tpu.core_type = #tpu.core_type<tc>, window_params = [{transform_indices = @transform_0, window_bounds = array<i64: 1, 1, 1024>}, {transform_indices = @transform_1, window_bounds = array<i64: 1024, 512>}, {transform_indices = @transform_2, window_bounds = array<i64: 256, 512>}]} {
    %get3A = arith.index_cast %arg0 : i32 to index
    %get3A_0 = memref.load %arg1[%get3A] : memref<1028xi32, #tpu.memory_space<smem>>
    %sub3A = arith.constant 1 : i32
    %sub3A_1 = arith.subi %arg0, %sub3A : i32
    %max3A = arith.constant 0 : i32
    %max3A_2 = arith.maxsi %sub3A_1, %max3A : i32
    %get3A_3 = arith.index_cast %max3A_2 : i32 to index
    %get3A_4 = memref.load %arg1[%get3A_3] : memref<1028xi32, #tpu.memory_space<smem>>
    %eq3A = arith.constant 0 : i32
    %eq3A_5 = arith.cmpi eq, %arg0, %eq3A : i32
    %ne3A = arith.cmpi ne, %get3A_0, %get3A_4 : i32
    %or3A = arith.ori %eq3A_5, %ne3A : i1
    %get3A_6 = arith.constant 0 : index
    %get3A_7 = arith.constant 0 : index
    %get3A_8 = arith.constant 0 : index
    %get3A_9 = vector.load %arg2[%get3A_6, %get3A_7, %get3A_8] : memref<1x1x1024xi32, #tpu.memory_space<vmem>>, vector<1x1x1024xi32>
    %get3A_10 = vector.shape_cast %get3A_9 : vector<1x1x1024xi32> to vector<1x1024xi32>
    %iota3A = tpu.iota {dimensions = array<i32: 0>} : vector<256x1024xi32>
    %eq3A_11 = vector.broadcast %get3A_10 : vector<1x1024xi32> to vector<256x1024xi32>
    %eq3A_12 = arith.cmpi eq, %eq3A_11, %iota3A : vector<256x1024xi32>
    %convert_element_type3A = arith.extui %eq3A_12 : vector<256x1024xi1> to vector<256x1024xi32>
    %convert_element_type3A_13 = arith.sitofp %convert_element_type3A : vector<256x1024xi32> to vector<256x1024xf32>
    %get3A_14 = arith.constant 0 : index
    %get3A_15 = arith.constant 0 : index
    %get3A_16 = vector.load %arg3[%get3A_14, %get3A_15] : memref<1024x512xf32, #tpu.memory_space<vmem>>, vector<1024x512xf32>
    %dot_general3A = arith.constant dense<0.000000e+00> : vector<256x512xf32>
    %dot_general3A_17 = tpu.matmul %convert_element_type3A_13, %get3A_16, %dot_general3A {dimension_numbers = #tpu.dot_dimension_numbers<[1], [0], [0], [1], [0, 0, 1, 1], [], []>, transpose_lhs_hint = false} : vector<256x1024xf32>, vector<1024x512xf32>, vector<256x512xf32> -> vector<256x512xf32>
    %convert_element_type3A_18 = arith.extui %or3A : i1 to i32
    %cond3A = arith.constant 0 : i32
    %cond3A_19 = arith.cmpi ne, %convert_element_type3A_18, %cond3A : i32
    scf.if %cond3A_19 {
      %swap3A = arith.constant 0 : index
      %swap3A_24 = arith.constant 0 : index
      %swap3A_25 = vector.load %arg4[%swap3A, %swap3A_24] : memref<256x512xf32, #tpu.memory_space<vmem>>, vector<256x512xf32>
      tpu.vector_store %arg4[%swap3A, %swap3A_24], %dot_general3A_17 {strides = array<i32>} : memref<256x512xf32, #tpu.memory_space<vmem>>, vector<256x512xf32>,
    } else {
    }
    %not3A = arith.constant true
    %not3A_20 = arith.xori %or3A, %not3A : i1
    %convert_element_type3A_21 = arith.extui %not3A_20 : i1 to i32
    %cond3A_22 = arith.constant 0 : i32
    %cond3A_23 = arith.cmpi ne, %convert_element_type3A_21, %cond3A_22 : i32
    scf.if %cond3A_23 {
      %get3A_24 = arith.constant 0 : index
      %get3A_25 = arith.constant 0 : index
      %get3A_26 = vector.load %arg4[%get3A_24, %get3A_25] : memref<256x512xf32, #tpu.memory_space<vmem>>, vector<256x512xf32>
      %add3A = arith.addf %get3A_26, %dot_general3A_17 : vector<256x512xf32>
      %swap3A = arith.constant 0 : index
      %swap3A_27 = arith.constant 0 : index
      %swap3A_28 = vector.load %arg4[%swap3A, %swap3A_27] : memref<256x512xf32, #tpu.memory_space<vmem>>, vector<256x512xf32>
      tpu.vector_store %arg4[%swap3A, %swap3A_27], %add3A {strides = array<i32>} : memref<256x512xf32, #tpu.memory_space<vmem>>, vector<256x512xf32>,
    } else {
    }
    return
  }
  func.func @transform_0(%arg0: i32, %arg1: memref<1028xi32, #tpu.memory_space<smem>>) -> (i32, i32, i32) {
    %c0_i32 = arith.constant 0 : i32
    %c0_i32_0 = arith.constant 0 : i32
    %c0_i32_1 = arith.constant 0 : i32
    return %arg0, %c0_i32, %c0_i32_0 : i32, i32, i32
  }
  func.func @transform_1(%arg0: i32, %arg1: memref<1028xi32, #tpu.memory_space<smem>>) -> (i32, i32) {
    %c0_i32 = arith.constant 0 : i32
    %c0_i32_0 = arith.constant 0 : i32
    return %arg0, %c0_i32 : i32, i32
  }
  func.func @transform_2(%arg0: i32, %arg1: memref<1028xi32, #tpu.memory_space<smem>>) -> (i32, i32) {
    %get3A = arith.index_cast %arg0 : i32 to index
    %get3A_0 = memref.load %arg1[%get3A] : memref<1028xi32, #tpu.memory_space<smem>>
    %c0_i32 = arith.constant 0 : i32
    %c0_i32_1 = arith.constant 0 : i32
    return %get3A_0, %c0_i32 : i32, i32
  }
}

module attributes {stable_mosaic.version = 14 : i64} {
  func.func @_pool_kernel(%arg0: i32, %arg1: memref<512x512xf32, #tpu.memory_space<vmem>>, %arg2: memref<8x512xf32, #tpu.memory_space<vmem>>, %arg3: memref<1x1x512xi32, #tpu.memory_space<vmem>>, %arg4: memref<512x128xf32, #tpu.memory_space<vmem>>, %arg5: memref<8x128xf32, #tpu.memory_space<vmem>>, %arg6: memref<64x128xf32, #tpu.memory_space<vmem>>, %arg7: memref<64x512xf32, #tpu.memory_space<vmem>>, %arg8: memref<64x128xf32, #tpu.memory_space<vmem>>) attributes {dimension_semantics = [#tpu.dimension_semantics<arbitrary>], iteration_bounds = array<i64: 98>, scalar_prefetch = 0 : i64, scratch_operands = 2 : i64, tpu.core_type = #tpu.core_type<tc>, window_params = [{transform_indices = @transform_0, window_bounds = array<i64: 512, 512>}, {pipeline_mode = #tpu.pipeline_mode<synchronous>, transform_indices = @transform_1, window_bounds = array<i64: 8, 512>}, {transform_indices = @transform_2, window_bounds = array<i64: 1, 1, 512>}, {pipeline_mode = #tpu.pipeline_mode<synchronous>, transform_indices = @transform_3, window_bounds = array<i64: 512, 128>}, {pipeline_mode = #tpu.pipeline_mode<synchronous>, transform_indices = @transform_4, window_bounds = array<i64: 8, 128>}, {pipeline_mode = #tpu.pipeline_mode<synchronous>, transform_indices = @transform_5, window_bounds = array<i64: 64, 128>}]} {
    %eq3A = arith.constant 0 : i32
    %eq3A_0 = arith.cmpi eq, %arg0, %eq3A : i32
    %convert_element_type3A = arith.extui %eq3A_0 : i1 to i32
    %cond3A = arith.constant 0 : i32
    %cond3A_1 = arith.cmpi ne, %convert_element_type3A, %cond3A : i32
    scf.if %cond3A_1 {
      %broadcast_in_dim3A_41 = arith.constant 0.000000e+00 : f32
      %broadcast_in_dim3A_42 = vector.broadcast %broadcast_in_dim3A_41 : f32 to vector<64x512xf32>
      %swap3A_43 = arith.constant 0 : index
      %swap3A_44 = arith.constant 0 : index
      %swap3A_45 = vector.load %arg7[%swap3A_43, %swap3A_44] : memref<64x512xf32, #tpu.memory_space<vmem>>, vector<64x512xf32>
      tpu.vector_store %arg7[%swap3A_43, %swap3A_44], %broadcast_in_dim3A_42 {strides = array<i32>} : memref<64x512xf32, #tpu.memory_space<vmem>>, vector<64x512xf32>,
      %broadcast_in_dim3A_46 = arith.constant 0.000000e+00 : f32
      %broadcast_in_dim3A_47 = vector.broadcast %broadcast_in_dim3A_46 : f32 to vector<64x128xf32>
      %swap3A_48 = arith.constant 0 : index
      %swap3A_49 = arith.constant 0 : index
      %swap3A_50 = vector.load %arg8[%swap3A_48, %swap3A_49] : memref<64x128xf32, #tpu.memory_space<vmem>>, vector<64x128xf32>
      tpu.vector_store %arg8[%swap3A_48, %swap3A_49], %broadcast_in_dim3A_47 {strides = array<i32>} : memref<64x128xf32, #tpu.memory_space<vmem>>, vector<64x128xf32>,
    } else {
    }
    %get3A = arith.constant 0 : index
    %get3A_2 = arith.constant 0 : index
    %get3A_3 = vector.load %arg1[%get3A, %get3A_2] : memref<512x512xf32, #tpu.memory_space<vmem>>, vector<512x512xf32>
    %get3A_4 = arith.constant 0 : index
    %get3A_5 = arith.constant 0 : index
    %get3A_6 = vector.load %arg2[%get3A_4, %get3A_5] : memref<8x512xf32, #tpu.memory_space<vmem>>, vector<1x512xf32>
    %add3A = vector.broadcast %get3A_6 : vector<1x512xf32> to vector<512x512xf32>
    %add3A_7 = arith.addf %get3A_3, %add3A : vector<512x512xf32>
    %max3A = arith.constant 0.000000e+00 : f32
    %max3A_8 = vector.broadcast %max3A : f32 to vector<512x512xf32>
    %max3A_9 = arith.maximumf %add3A_7, %max3A_8 : vector<512x512xf32>
    %get3A_10 = arith.constant 0 : index
    %get3A_11 = arith.constant 0 : index
    %get3A_12 = arith.constant 0 : index
    %get3A_13 = vector.load %arg3[%get3A_10, %get3A_11, %get3A_12] : memref<1x1x512xi32, #tpu.memory_space<vmem>>, vector<1x1x512xi32>
    %get3A_14 = vector.shape_cast %get3A_13 : vector<1x1x512xi32> to vector<1x512xi32>
    %iota3A = tpu.iota {dimensions = array<i32: 0>} : vector<64x512xi32>
    %eq3A_15 = vector.broadcast %get3A_14 : vector<1x512xi32> to vector<64x512xi32>
    %eq3A_16 = arith.cmpi eq, %eq3A_15, %iota3A : vector<64x512xi32>
    %convert_element_type3A_17 = arith.extui %eq3A_16 : vector<64x512xi1> to vector<64x512xi32>
    %convert_element_type3A_18 = arith.sitofp %convert_element_type3A_17 : vector<64x512xi32> to vector<64x512xf32>
    %get3A_19 = arith.constant 0 : index
    %get3A_20 = arith.constant 0 : index
    %get3A_21 = vector.load %arg7[%get3A_19, %get3A_20] : memref<64x512xf32, #tpu.memory_space<vmem>>, vector<64x512xf32>
    %dot_general3A = arith.constant dense<0.000000e+00> : vector<64x512xf32>
    %dot_general3A_22 = tpu.matmul %convert_element_type3A_18, %max3A_9, %dot_general3A {dimension_numbers = #tpu.dot_dimension_numbers<[1], [0], [0], [1], [0, 0, 1, 1], [], []>, transpose_lhs_hint = false} : vector<64x512xf32>, vector<512x512xf32>, vector<64x512xf32> -> vector<64x512xf32>
    %add3A_23 = arith.addf %get3A_21, %dot_general3A_22 : vector<64x512xf32>
    %swap3A = arith.constant 0 : index
    %swap3A_24 = arith.constant 0 : index
    %swap3A_25 = vector.load %arg7[%swap3A, %swap3A_24] : memref<64x512xf32, #tpu.memory_space<vmem>>, vector<64x512xf32>
    tpu.vector_store %arg7[%swap3A, %swap3A_24], %add3A_23 {strides = array<i32>} : memref<64x512xf32, #tpu.memory_space<vmem>>, vector<64x512xf32>,
    %get3A_26 = arith.constant 0 : index
    %get3A_27 = arith.constant 0 : index
    %get3A_28 = vector.load %arg8[%get3A_26, %get3A_27] : memref<64x128xf32, #tpu.memory_space<vmem>>, vector<64x128xf32>
    %reduce_sum3A = arith.constant dense<0.000000e+00> : vector<64xf32>
    %reduce_sum3A_29 = vector.multi_reduction <add>, %convert_element_type3A_18, %reduce_sum3A [1] : vector<64x512xf32> to vector<64xf32>
    %broadcast_in_dim3A = vector.shape_cast %reduce_sum3A_29 : vector<64xf32> to vector<64x1xf32>
    %broadcast_in_dim3A_30 = vector.shape_cast %broadcast_in_dim3A : vector<64x1xf32> to vector<64x1xf32>
    %broadcast_in_dim3A_31 = vector.broadcast %broadcast_in_dim3A_30 : vector<64x1xf32> to vector<64x128xf32>
    %add3A_32 = arith.addf %get3A_28, %broadcast_in_dim3A_31 : vector<64x128xf32>
    %swap3A_33 = arith.constant 0 : index
    %swap3A_34 = arith.constant 0 : index
    %swap3A_35 = vector.load %arg8[%swap3A_33, %swap3A_34] : memref<64x128xf32, #tpu.memory_space<vmem>>, vector<64x128xf32>
    tpu.vector_store %arg8[%swap3A_33, %swap3A_34], %add3A_32 {strides = array<i32>} : memref<64x128xf32, #tpu.memory_space<vmem>>, vector<64x128xf32>,
    %eq3A_36 = arith.constant 97 : i32
    %eq3A_37 = arith.cmpi eq, %arg0, %eq3A_36 : i32
    %convert_element_type3A_38 = arith.extui %eq3A_37 : i1 to i32
    %cond3A_39 = arith.constant 0 : i32
    %cond3A_40 = arith.cmpi ne, %convert_element_type3A_38, %cond3A_39 : i32
    scf.if %cond3A_40 {
      %get3A_41 = arith.constant 0 : index
      %get3A_42 = arith.constant 0 : index
      %get3A_43 = vector.load %arg7[%get3A_41, %get3A_42] : memref<64x512xf32, #tpu.memory_space<vmem>>, vector<64x512xf32>
      %get3A_44 = arith.constant 0 : index
      %get3A_45 = arith.constant 0 : index
      %get3A_46 = vector.load %arg8[%get3A_44, %get3A_45] : memref<64x128xf32, #tpu.memory_space<vmem>>, vector<64x1xf32>
      %max3A_47 = arith.constant 1.000000e+00 : f32
      %max3A_48 = vector.broadcast %max3A_47 : f32 to vector<64x1xf32>
      %max3A_49 = arith.maximumf %get3A_46, %max3A_48 : vector<64x1xf32>
      %div3A = vector.broadcast %max3A_49 : vector<64x1xf32> to vector<64x512xf32>
      %div3A_50 = arith.divf %get3A_43, %div3A : vector<64x512xf32>
      %get3A_51 = arith.constant 0 : index
      %get3A_52 = arith.constant 0 : index
      %get3A_53 = vector.load %arg4[%get3A_51, %get3A_52] : memref<512x128xf32, #tpu.memory_space<vmem>>, vector<512x128xf32>
      %dot_general3A_54 = arith.constant dense<0.000000e+00> : vector<64x128xf32>
      %dot_general3A_55 = tpu.matmul %div3A_50, %get3A_53, %dot_general3A_54 {dimension_numbers = #tpu.dot_dimension_numbers<[1], [0], [0], [1], [0, 0, 1, 1], [], []>, transpose_lhs_hint = false} : vector<64x512xf32>, vector<512x128xf32>, vector<64x128xf32> -> vector<64x128xf32>
      %get3A_56 = arith.constant 0 : index
      %get3A_57 = arith.constant 0 : index
      %get3A_58 = vector.load %arg5[%get3A_56, %get3A_57] : memref<8x128xf32, #tpu.memory_space<vmem>>, vector<1x128xf32>
      %add3A_59 = vector.broadcast %get3A_58 : vector<1x128xf32> to vector<64x128xf32>
      %add3A_60 = arith.addf %dot_general3A_55, %add3A_59 : vector<64x128xf32>
      %logistic3A = arith.negf %add3A_60 : vector<64x128xf32>
      %logistic3A_61 = math.exp %logistic3A : vector<64x128xf32>
      %logistic3A_62 = arith.constant 1.000000e+00 : f32
      %logistic3A_63 = vector.broadcast %logistic3A_62 : f32 to vector<64x128xf32>
      %logistic3A_64 = arith.addf %logistic3A_63, %logistic3A_61 : vector<64x128xf32>
      %logistic3A_65 = arith.divf %logistic3A_63, %logistic3A_64 : vector<64x128xf32>
      %swap3A_66 = arith.constant 0 : index
      %swap3A_67 = arith.constant 0 : index
      %swap3A_68 = vector.load %arg6[%swap3A_66, %swap3A_67] : memref<64x128xf32, #tpu.memory_space<vmem>>, vector<64x128xf32>
      tpu.vector_store %arg6[%swap3A_66, %swap3A_67], %logistic3A_65 {strides = array<i32>} : memref<64x128xf32, #tpu.memory_space<vmem>>, vector<64x128xf32>,
    } else {
    }
    return
  }
  func.func @transform_0(%arg0: i32) -> (i32, i32) {
    %c0_i32 = arith.constant 0 : i32
    %c0_i32_0 = arith.constant 0 : i32
    return %arg0, %c0_i32 : i32, i32
  }
  func.func @transform_1(%arg0: i32) -> (i32, i32) {
    %c0_i32 = arith.constant 0 : i32
    %c0_i32_0 = arith.constant 0 : i32
    %c0_i32_1 = arith.constant 0 : i32
    return %c0_i32, %c0_i32_0 : i32, i32
  }
  func.func @transform_2(%arg0: i32) -> (i32, i32, i32) {
    %c0_i32 = arith.constant 0 : i32
    %c0_i32_0 = arith.constant 0 : i32
    %c0_i32_1 = arith.constant 0 : i32
    return %arg0, %c0_i32, %c0_i32_0 : i32, i32, i32
  }
  func.func @transform_3(%arg0: i32) -> (i32, i32) {
    %c0_i32 = arith.constant 0 : i32
    %c0_i32_0 = arith.constant 0 : i32
    %c0_i32_1 = arith.constant 0 : i32
    return %c0_i32, %c0_i32_0 : i32, i32
  }
  func.func @transform_4(%arg0: i32) -> (i32, i32) {
    %c0_i32 = arith.constant 0 : i32
    %c0_i32_0 = arith.constant 0 : i32
    %c0_i32_1 = arith.constant 0 : i32
    return %c0_i32, %c0_i32_0 : i32, i32
  }
  func.func @transform_5(%arg0: i32) -> (i32, i32) {
    %c0_i32 = arith.constant 0 : i32
    %c0_i32_0 = arith.constant 0 : i32
    %c0_i32_1 = arith.constant 0 : i32
    return %c0_i32, %c0_i32_0 : i32, i32
  }
}

</mosaic_0001>

<sc_bundles>
// kernel: gather_offload_async_start.1
scs
__scs_entry_jumppad:
0x0: {  	(pc) =	sbr.rel $0x88, $3  }
0x1: {  	(tag) =	ssettag $0x0;
	lr =	simm.s32 $0x1  }
0x2: {  	[smem:$0x3F95] =	sst lr;
	_ =	strace $0xD0000000  }
0x3: {  	_ = 	snop  }
0x4: {  	_ = 	snop  }
0x5: {  	_ = 	snop  }
0x6: {  	_ = 	snop  }
0x7: {  	_ = 	snop  }
__scs_overlays_trampoline_lowered:
0x8: {  	[smem:$0x3FA4] =	sst s0  }
0x9: {  	[smem:$0x3FA5] =	sst s1  }
0xa: {  	[smem:$0x3FA6] =	sst s2  }
0xb: {  	[smem:$0x3FA7] =	sst s3  }
0xc: {  	[smem:$0x3FA8] =	sst s4  }
0xd: {  	[smem:$0x3FA9] =	sst s5  }
0xe: {  	[smem:$0x3FAA] =	sst s6  }
0xf: {  	[smem:$0x3FAB] =	sst s7  }
0x10: {  	[smem:$0x3FAC] =	sst s8  }
0x11: {  	[smem:$0x3FAD] =	sst s9;
	s0 =	simm.s32 @!p0 $0x0  }
0x12: {  	s1 =	sld [smem:$0x3F93];
	s0 =	simm.s32 @p0 $0x1  }
0x13: {  	[smem:$0x3FAE] =	sst s0;
	s0 =	simm.s32 @!p1 $0x0  }
0x14: {  	s2 =	sld [smem:$0x3F92];
	s0 =	simm.s32 @p1 $0x1  }
0x15: {  	[smem:$0x3FAF] =	sst s0;
	s0 =	simm.s32 @!p2 $0x0  }
0x16: {  	s3 =	sld [smem:$0x3FDB];
	s0 =	simm.s32 @p2 $0x1  }
0x17: {  	s4 =	simm.s32 $0x1BF5;
	[smem:$0x3FB1] =	sst s0  }
0x18: {  	s0 =	sld [smem:$0x3F94];
	_ =	swait.ge [sflag:s4], $0x0  }
0x19: {  	s7 =	sld [smem:$0x3F95]  }
0x1a: {  	s8 =	sadd.s32 $0xFFFFE003, lr  }
0x1b: {  	s9 =	sadd.s32 $0xFFFFFEF7, lr;
	s5 =	simm.s32 $0xFFFFFFFF;
	p2 =	slt.u32 s8, $0xFFFFF086  }
0x1c: {  	p1 =	slt.u32 s9, $0xF7A;
	s5 =	simm.s32 @!p2 $0x0  }
0x1d: {  	s5 =	simm.s32 @p1 $0x1;
	p0 =	seq.s32 s7, s2  }
0x1e: {  	s7 =	smul.u32 @!p0 $0xF7A, s2;
	p2 =	seq.s32 @!p0 s5, $0x0  }
0x1f: {  	s9 =	smul.u32 $0xF7A, s1;
	s8 =	simm.s32 @!p0 $0x1BF5;
	p2 =	por !p2, p0  }
0x20: {  	[sflag:s8] =	ssyncset.s32 @!p0 $0xFFFFF086;
	s6 =	sadd.s32 @!p0 s3, s7;
	s7 =	simm.s32 @!p0 $0x108  }
0x21: {  	s3 =	sadd.s32 s3, s9;
	s6 =	sadd.s32 @!p0 $0x88, s6;
	s7 =	simm.s32 @p2 $0x1082  }
0x22: {  	[simem:s7], [sflag:s8] =	dma.local @!p0 [hbm:s6], $0xF7A  }
0x23: {  	s9 =	sor.u32 $0xD0000000, s2;
	s6 =	simm.s32 $0x108;
	_ =	swait.ge @!p0 [sflag:s8], $0x0  }
0x24: {  	s3 =	sadd.s32 $0x88, s3;
	s6 =	simm.s32 @!p1 $0x1082;
	[sflag:s4] =	ssyncset.s32 $0xFFFFF086  }
0x25: {  	[simem:s6], [sflag:s4] =	dma.local [hbm:s3], $0xF7A  }
0x26: {  	[smem:$0x3F95] =	sst s1;
	(tag) =	ssettag s2;
	_ =	strace s9  }
0x27: {  	s1 =	sld [smem:$0x3FA5]  }
0x28: {  	s2 =	sld [smem:$0x3FA6]  }
0x29: {  	s4 =	sld [smem:$0x3FA8]  }
0x2a: {  	p0 =	seq.s32 s5, $0x0;
	s5 =	sld [smem:$0x3FA9]  }
0x2b: {  	s6 =	sld [smem:$0x3FAA]  }
0x2c: {  	s7 =	sld [smem:$0x3FAB]  }
0x2d: {  	s3 =	simm.s32 $0x108;
	s8 =	sld [smem:$0x3FAC]  }
0x2e: {  	s3 =	simm.s32 @!p0 $0x1082;
	s9 =	sld [smem:$0x3FAD]  }
0x2f: {  	lr =	sadd.s32 s0, s3;
	s0 =	sld [smem:$0x3FA4]  }
0x30: {  	s3 =	sld [smem:$0x3FA7]  }
0x31: {  	[smem:$0x3FB0] =	sst s10  }
0x32: {  	s10 =	sld [smem:$0x3FAE];
	_ =	sdelay $0x3  }
0x33: {  	p0 =	seq.s32 s10, $0x1;
	s10 =	sld [smem:$0x3FB0];
	_ =	sdelay $0x3  }
0x34: {  	[smem:$0x3FB0] =	sst s10  }
0x35: {  	s10 =	sld [smem:$0x3FAF];
	_ =	sdelay $0x3  }
0x36: {  	p1 =	seq.s32 s10, $0x1;
	s10 =	sld [smem:$0x3FB0];
	_ =	sdelay $0x3  }
0x37: {  	[smem:$0x3FB0] =	sst s10  }
0x38: {  	s10 =	sld [smem:$0x3FB1]  }
0x39: {  	_ = 	snop;
	(pc) =	sbr.ind lr, $3  }
0x3a: {  	_ = 	snop  }
0x3b: {  	_ = 	snop  }
0x3c: {  	p2 =	seq.s32 s10, $0x1;
	s10 =	sld [smem:$0x3FB0]  }
0x3d: {  	_ =	shalt  }
0x3e: {  	_ =	shalt  }
0x3f: {  	_ =	shalt  }
0x40: {  	_ =	shalt  }
0x41: {  	_ =	shalt  }
0x42: {  	_ =	shalt  }
0x43: {  	_ =	shalt  }
0x44: {  	_ =	shalt  }
0x45: {  	_ =	shalt  }
0x46: {  	_ =	shalt  }
0x47: {  	_ =	shalt  }
0x48: {  	_ =	shalt  }
0x49: {  	_ =	shalt  }
0x4a: {  	_ =	shalt  }
0x4b: {  	_ =	shalt  }
0x4c: {  	_ =	shalt  }
0x4d: {  	_ =	shalt  }
0x4e: {  	_ =	shalt  }
0x4f: {  	_ =	shalt  }
0x50: {  	_ =	shalt  }
0x51: {  	_ =	shalt  }
0x52: {  	_ =	shalt  }
0x53: {  	_ =	shalt  }
0x54: {  	_ =	shalt  }
0x55: {  	_ =	shalt  }
0x56: {  	_ =	shalt  }
0x57: {  	_ =	shalt  }
0x58: {  	_ =	shalt  }
0x59: {  	_ =	shalt  }
0x5a: {  	_ =	shalt  }
0x5b: {  	_ =	shalt  }
0x5c: {  	_ =	shalt  }
0x5d: {  	_ =	shalt  }
0x5e: {  	_ =	shalt  }
0x5f: {  	_ =	shalt  }
0x60: {  	_ =	shalt  }
0x61: {  	_ =	shalt  }
0x62: {  	_ =	shalt  }
0x63: {  	_ =	shalt  }
0x64: {  	_ =	shalt  }
0x65: {  	_ =	shalt  }
0x66: {  	_ =	shalt  }
0x67: {  	_ =	shalt  }
0x68: {  	_ =	shalt  }
0x69: {  	_ =	shalt  }
0x6a: {  	_ =	shalt  }
0x6b: {  	_ =	shalt  }
0x6c: {  	_ =	shalt  }
0x6d: {  	_ =	shalt  }
0x6e: {  	_ =	shalt  }
0x6f: {  	_ =	shalt  }
0x70: {  	_ =	shalt  }
0x71: {  	_ =	shalt  }
0x72: {  	_ =	shalt  }
0x73: {  	_ =	shalt  }
0x74: {  	_ =	shalt  }
0x75: {  	_ =	shalt  }
0x76: {  	_ =	shalt  }
0x77: {  	_ =	shalt  }
0x78: {  	_ =	shalt  }
0x79: {  	_ =	shalt  }
0x7a: {  	_ =	shalt  }
0x7b: {  	_ =	shalt  }
0x7c: {  	_ =	shalt  }
0x7d: {  	_ =	shalt  }
0x7e: {  	_ =	shalt  }
0x7f: {  	_ =	shalt  }
0x80: {  	_ =	shalt  }
0x81: {  	_ =	shalt  }
0x82: {  	_ =	shalt  }
0x83: {  	_ =	shalt  }
0x84: {  	_ =	shalt  }
0x85: {  	_ =	shalt  }
0x86: {  	_ =	shalt  }
0x87: {  	_ =	shalt  }
.Lfunc_end0:
.L_simem_size_0:
called_computation.2_lowered:
.L_overlay_start_0:
0x88: {  	s0 =	sld [smem:$0x3FD9]  }
0x89: {  	s1 =	sld [smem:$0x3FFE];
	_ =	sdelay $0x3  }
0x8a: {  	s0 =	sadd.s32 s1, s0  }
0x8b: {  	[smem:$0x3FBC] =	sst s0  }
0x8c: {  	_ = 	snop  }
0x8d: {  	(tm) =	ssettm $0x1  }
0x8e: {  	s15 =	sld [smem:$0x3FFB];
	_ =	sdelay $0x3  }
0x8f: {  	_ =	strace s15  }
0x90: {  	s0 =	sld [smem:$0x3FFC];
	_ =	sdelay $0x3  }
0x91: {  	_ =	strace s0  }
0x92: {  	s0 =	sld [smem:$0x3FFD];
	_ =	sdelay $0x3  }
0x93: {  	_ =	strace s0  }
0x94: {  	_ =	strace $0x8FFFFFFF  }
0x95: {  	s16 =	sld [smem:$0x3FDB];
	_ =	sdelay $0x1  }
0x96: {  	s17 =	simm.s32 $_scs_section_size  }
0x97: {  	s2 =	simm.s32 $_size__tile_overlayer_lowered;
	s3 =	simm.s32 $_tile_overlayer_lowered  }
0x98: {  	s20 =	simm.s32 $0x1BFF;
	s19 =	sshll.u32 s3, $0x1;
	s0 =	sadd.s32 s17, s16  }
0x99: {  	s4 =	simm.s32 $0x0;
	s18 =	sshll.u32 s2, $0x1;
	s2 =	sadd.s32 s19, s0  }
0x9a: {  	[timem:s4], [sflag:s20] =	dma.local [hbm:s2], s18  }
0x9b: {  	_ =	swait.ge [sflag:s20], s18  }
0x9c: {  	s1 =	ssub.s32 $0x0, s18;
	[sflag:s20] =	ssyncset.done $0x0  }
0x9d: {  	[sflag:s20] =	ssyncadd.s32 s1;
	_ =	sdelay $0x1  }
0x9e: {  	s21 =	simm.s32 $0x1B8B  }
0x9f: {  	_ =	swait.ge [sflag:s21], $0x1  }
0xa0: {  	[sflag:s21] =	ssyncset.done $0x0  }
0xa1: {  	s23 =	simm.s32 $0x1B8E;
	s22 =	sld [smem:$0x3FFE];
	[sflag:s21] =	ssyncadd.s32 $0xFFFFFFFF  }
0xa2: {  	s24 =	simm.s32 $execute0_lowered;
	[smem:$0x3FD2] =	sst s23  }
0xa3: {  	s2 =	sshll.u32 s24, $0x1;
	_ =	strace $0x8000004C;
	[dreg:$0x1] =	wrdreg $0xFFFFFFFF  }
0xa4: {  	s25 =	simm.s32 $_size_execute0_lowered;
	s0 =	sadd.s32 s0, s2;
	[dreg:$0x0] =	wrdreg $0x0  }
0xa5: {  	s2 =	sshll.u32 s25, $0x1;
	[dreg:$0x2] =	wrdreg s0  }
0xa6: {  	[dreg:$0x3] =	wrdreg s2  }
0xa7: {  	[dreg:$0x4] =	wrdreg $0xC0  }
0xa8: {  	_ =	task [dreg:s4], $0x5FFFF  }
0xa9: {  	[dreg:$0x1] =	wrdreg $0xFFFFFFFF  }
0xaa: {  	[dreg:$0x0] =	wrdreg $0x60  }
0xab: {  	[dreg:$0x2] =	wrdreg s22  }
0xac: {  	[dreg:$0x3] =	wrdreg $0x9  }
0xad: {  	_ =	task.clear_ibuf [dreg:s4], $0x4FFFF;
	_ =	strace $0x9000004C  }
0xae: {  	s26 =	simm.s32 $0x9;
	_ =	strace $0x8000004E  }
0xaf: {  	_ =	swait.ge [sflag:s26], $0x1  }
0xb0: {  	[sflag:s26] =	ssyncadd.s32 $0xFFFFFFFF  }
0xb1: {  	_ =	strace $0x9000004E  }
0xb2: {  	_ =	sfence  }
0xb3: {  	s28 =	sld [smem:$0x0];
	_ =	sdelay $0x1  }
0xb4: {  	s29 =	srdreg.scid  }
0xb5: {  	s30 =	sshll.u32 s29, $0xD;
	s31 =	sshrl.u32 s29, $0x2  }
0xb6: {  	s1 =	sand.u32 $0x1, s29;
	s2 =	sand.u32 $0x4000, s30;
	s0 =	sadd.s32 s31, s28  }
0xb7: {  	s1 =	sor.u32 s2, s1;
	s0 =	sshll.u32 s0, $0x11  }
0xb8: {  	s0 =	sor.u32 s0, s1  }
0xb9: {  	s0 =	sadd.s32 $0x8F2B, s0  }
0xba: {  	[sflag:s0] =	ssyncadd.remote.s32 $0x1  }
0xbb: {  	_ =	sfence.sel $0xFFFF  }
0xbc: {  	[dreg:$0x0] =	wrdreg $0xFFFFFFFF;
	(pc) =	sbr.abs _section_cstart, $3  }
0xbd: {  	[dreg:$0x1] =	wrdreg $0xFFFFFFFF  }
0xbe: {  	_ =	task.clear_ibuf [dreg:s4], $0x2FFFF;
	_ =	strace $0x9FFFFFFF  }
0xbf: {  	(tm) =	ssettm $0x7FFFFFFF  }
tec
execute0_lowered:
.L_overlay_start_1:
0x0: {  	(tag) =	ssettag $0x1  }
0x1: {  	s0 =	stileid.u32  }
0x2: {  	s2 =	smul.u32 $0x2710, s0;
	_ =	sdelay $0x1  }
0x3: {  	s6 =	ssub.s32 $0xCF850, s2  }
0x4: {  	s1 =	smulhi.u32 $0x68DB9, s6  }
0x5: {  	s8 =	rddreg [dreg:$0x0];
	s5 =	simm.s32 $0x1;
	s10 =	simm.s32 $0x3  }
0x6: {  	s13 =	simm.s32 $0x0;
	s12 =	simm.s32 $0x0;
	s7 =	sshrl.u32 s1, $0x4  }
0x7: {  	s3 =	sadd.s32 $0x31600, s8;
	s4 =	sadd.s32 $0x65600, s8;
	s9 =	smul.u32 $0x27100, s7  }
.Ltmp0:
0x8: {  	s8 =	sadd.s32 $0x7F600, s8;
	s1 =	rddreg [dreg:$0x1];
	(pc) =	sbr.rel .LBB2_1-.Ltmp0, $4  }
0x9: {  	_ =	strace $0x8000004D;
	p0 =	sne.s32 s6, s9;
	s9 =	simm.s32 $0x1  }
0xa: {  	[sflag:s5] =	ssyncpa.u1 $0x0;
	s6 =	simm.s32 $0x2;
	s9 =	simm.s32 @!p0 $0x0  }
0xb: {  	s11 =	smov.u32 s2;
	[sflag:s6] =	ssyncpa.u1 $0x0;
	s7 =	sadd.s32 s9, s7  }
0xc: {  	vm0 =	vmmov $0xffff;
	[sflag:s10] =	ssyncpa.u1 $0x0;
	s10 =	simm.s32 $0x0;
	s9 =	sadd.s32 $0x1, s7  }
.LBB2_4:
0xd: {  	v2 =	vnsel vm1, $0x0, v2  }
0xe: {  	vm1 =	vgt.s32 v0, $0x0;
	v2 =	vmin.u32 v2, $0xCF84F  }
0xf: {  	v0 =	vnsel vm1, $0x0, v0  }
0x10: {  	v0 =	vmin.u32 v0, $0xCF84F  }
0x11: {  	[tilespmem:s18], [sflag:$0x1] =	stream.indirect_vreg.gather [hbm4b:s3+s10], $0x1, v1, vm0, $0x4038;
	[tilespmem:$0x9C40] =	vst v63  }
0x12: {  	(ifvalue) =	ssetifvalue $0x7FFFFFFF  }
0x13: {  	[tilespmem:s15], [sflag:$0x1] =	stream.indirect_vreg.gather [hbm4b:s3+s10], $0x1, v2, vm0, $0x4038;
	[tilespmem:$0x9C40] =	vst v63  }
0x14: {  	s29 =	sadd.s32 $0x10, s15;
	(ifvalue) =	ssetifvalue $0x7FFFFFFF  }
0x15: {  	[tilespmem:s29], [sflag:$0x1] =	stream.indirect_vreg.gather [hbm4b:s3+s10], $0x1, v0, vm0, $0x4038;
	[tilespmem:$0x9C40] =	vst v63  }
0x16: {  	_ =	swait.ge [sflag:s5], $0x2710  }
0x17: {  	s30 =	sshrl.u32 s13, $0x3;
	[sflag:s5] =	ssyncset.done $0x0  }
0x18: {  	s31 =	sand.u32 $0x7, s13;
	s15 =	sadd.s32 s8, s30;
	[sflag:s5] =	ssyncadd.s32 $0xFFFFD8F0  }
0x19: {  	[hbm4b:s15+s31] =	stream.linear.scatter [tilespmem:s14], [sflag:$0x3], $0x2710, $0x38;
	[tilespmem:$0x9C40] =	vst v63  }
.LBB2_5:
0x1a: {  	s15 =	sadd.s32 $0x27100, s11  }
0x1b: {  	p1 =	sgt.s32 s15, $0xCF84F  }
0x1c: {  	s15 =	smov.u32 @p1 s2;
	p1 =	sne.s32 s12, s9  }
.Ltmp1:
0x1d: {  	p0 =	slt.u32 s12, $0x2;
	(pc) =	sbr.rel @!p1 .LBB2_6-.Ltmp1, $4  }
0x1e: {  	s14 =	simm.s32 @!p0 $0x3  }
0x1f: {  	_ =	swait.ge @!p0 [sflag:s14], $0x2710  }
0x20: {  	s16 =	sadd.s32 $0x1, s12;
	s13 =	smov.u32 s11;
	[sflag:s14] =	ssyncset.done @!p0 $0x0  }
0x21: {  	s12 =	smov.u32 s16;
	s11 =	smov.u32 s15;
	[sflag:s14] =	ssyncadd.s32 @!p0 $0xFFFFD8F0  }
.LBB2_1:
0x22: {  	p0 =	sge.u32 s12, s7  }
0x23: {  	s14 =	sxor.u32 @!p0 $0xFFFFFFFF, s12  }
0x24: {  	s14 =	sand.u32 @!p0 $0x1, s14  }
0x25: {  	s14 =	smul.u32 @!p0 $0x9C40, s14  }
0x26: {  	s31 =	sadd.s32 $0xFFFFFFFF, s12;
	s15 =	sshrl.u32 @!p0 s11, $0x3  }
0x27: {  	s16 =	sand.u32 @!p0 $0x7, s11;
	s15 =	sadd.s32 @!p0 s4, s15;
	s14 =	sshrl.u32 @!p0 s14, $0x2  }
0x28: {  	[tilespmem:s14], [sflag:$0x2] =	stream.linear.gather @!p0 [hbm4b:s15+s16], $0x2710, $0x38;
	[tilespmem:$0x9C40] =	vst v63  }
0x29: {  	p0 =	sge.u32 s31, s7  }
.Ltmp2:
0x2a: {  	_ = 	snop;
	(pc) =	sbr.rel @p0 .LBB2_5-.Ltmp2, $1  }
0x2b: {  	_ =	sdelay $0x3  }
0x2c: {  	s14 =	sand.u32 $0x1, s12  }
0x2d: {  	_ =	swait.ge [sflag:s6], $0x2710;
	p0 =	seq.s32 s14, $0x1;
	s14 =	simm.s32 $0x2710  }
0x2e: {  	[sflag:s6] =	ssyncset.done $0x0;
	s14 =	simm.s32 @!p0 $0x0  }
0x2f: {  	[sflag:s6] =	ssyncadd.s32 $0xFFFFD8F0;
	(ifvalue) =	ssetifvalue $0x7FFFFFFF;
	v0 =	vld.msk [tilespmem:s14+$0x0 ss:$0x1], $0xffff;
	_ =	sdelay $0x4  }
0x30: {  	s15 =	sadd.s32 $0x10, s14;
	vm1 =	vgt.s32 v0, $0x0  }
0x31: {  	v2 =	vld.msk [tilespmem:s15+$0x0 ss:$0x1], $0xffff;
	v1 =	vnsel vm1, $0x0, v0  }
0x32: {  	v1 =	vmin.u32 v1, $0xCF84F;
	_ =	sdelay $0x2  }
0x33: {  	s17 =	simm.s32 $0x20;
	s14 =	sadd.s32 $0x4E20, s14;
	s16 =	sadd.s32 $0x10, s15  }
0x34: {  	s15 =	sadd.s32 $0x10, s14;
	s18 =	smov.u32 s14;
	v0 =	vld.msk [tilespmem:s16+$0x0 ss:$0x1], $0xffff;
	vm1 =	vgt.s32 v2, $0x0;
	(ifvalue) =	ssetifvalue $0x7FFFFFFF  }
.LBB2_3:
0x35: {  	[tilespmem:s18], [sflag:$0x1] =	stream.indirect_vreg.gather [hbm4b:s3+s10], $0x1, v1, vm0, $0x4038;
	[tilespmem:$0x9C40] =	vst v63  }
0x36: {  	s17 =	sadd.s32 $0x10, s17  }
0x37: {  	v2 =	vnsel vm1, $0x0, v2;
	p0 =	slt.u32 s17, $0x2700  }
.Ltmp3:
0x38: {  	s18 =	smov.u32 s15;
	v1 =	vmin.u32 v2, $0xCF84F;
	(pc) =	sbr.rel @p0 .LBB2_3-.Ltmp3, $3  }
0x39: {  	_ =	sdelay $0x1  }
0x3a: {  	s16 =	sadd.s32 $0x10, s16  }
0x3b: {  	vm1 =	vgt.s32 v0, $0x0;
	s15 =	sadd.s32 $0x10, s15;
	v2 =	vmov v0;
	(ifvalue) =	ssetifvalue $0x7FFFFFFF;
	v0 =	vld.msk [tilespmem:s16+$0x0 ss:$0x1], $0xffff  }
.Ltmp4:
0x3c: {  	_ = 	snop;
	(pc) =	sbr.rel .LBB2_4-.Ltmp4, $1  }
0x3d: {  	_ =	sdelay $0x3  }
.LBB2_6:
0x3e: {  	_ =	sfence.sel $0x180000  }
0x3f: {  	s2 =	simm.s32 $0x2;
	[bflag:$0x0] =	sbarrier.arrive $0xFFFF  }
0x40: {  	s30 =	simm.s32 $0x3;
	[sflag:s2] =	ssyncpa.u1 $0x1  }
0x41: {  	s31 =	simm.s32 $0x1;
	[sflag:s30] =	ssyncpa.u1 $0x1  }
0x42: {  	[sflag:s31] =	ssyncpa.u1 $0x1  }
0x43: {  	p0 =	sne.s32 s0, $0x0;
	_ =	strace $0x9000004D  }
0x44: {  	s0 =	sadd.s32 @!p0 $0x100000, s1;
	[bflag:$0x2] =	sbarrier.arrive $0xFFFF  }
0x45: {  	[sflag:s0] =	ssyncadd.tile.s32 @!p0 $0x1;
	_ =	shalt  }
.Lfunc_end2:
_tile_overlayer_lowered:
.L_overlay_start_2:
0x46: {  	(tag) =	ssettag $0x2  }
0x47: {  	s0 =	rddreg [dreg:$0x0];
	s2 =	stileid.u32  }
0x48: {  	s1 =	rddreg [dreg:$0x1];
	p0 =	sne.s32 s2, $0x0  }
0x49: {  	s3 =	rddreg [dreg:$0x2];
	[bflag:$0x3] =	sbarrier.arrive $0xFFFF;
	s2 =	simm.s32 @!p0 $0x1C01  }
0x4a: {  	[timem:s3], [sflag:s2] =	dma.local @!p0 [hbm:s0], s1  }
0x4b: {  	s0 =	simm.s32 @!p0 $0x1  }
0x4c: {  	_ =	swait.ge @!p0 [sflag:s0], s1  }
0x4d: {  	s1 =	ssub.s32 @!p0 $0x0, s1;
	[sflag:s0] =	ssyncset.done @!p0 $0x0  }
0x4e: {  	[sflag:s0] =	ssyncadd.s32 @!p0 s1  }
0x4f: {  	[bflag:$0x3] =	sbarrier.arrive $0xFFFF  }
0x50: {  	_ =	shalt  }

// kernel: gather_offload_async_start.2
scs
__scs_entry_jumppad:
0x0: {  	(pc) =	sbr.rel $0x88, $3  }
0x1: {  	(tag) =	ssettag $0x0;
	lr =	simm.s32 $0x1  }
0x2: {  	[smem:$0x3F95] =	sst lr;
	_ =	strace $0xD0000000  }
0x3: {  	_ = 	snop  }
0x4: {  	_ = 	snop  }
0x5: {  	_ = 	snop  }
0x6: {  	_ = 	snop  }
0x7: {  	_ = 	snop  }
__scs_overlays_trampoline_lowered:
0x8: {  	[smem:$0x3FA4] =	sst s0  }
0x9: {  	[smem:$0x3FA5] =	sst s1  }
0xa: {  	[smem:$0x3FA6] =	sst s2  }
0xb: {  	[smem:$0x3FA7] =	sst s3  }
0xc: {  	[smem:$0x3FA8] =	sst s4  }
0xd: {  	[smem:$0x3FA9] =	sst s5  }
0xe: {  	[smem:$0x3FAA] =	sst s6  }
0xf: {  	[smem:$0x3FAB] =	sst s7  }
0x10: {  	[smem:$0x3FAC] =	sst s8  }
0x11: {  	[smem:$0x3FAD] =	sst s9;
	s0 =	simm.s32 @!p0 $0x0  }
0x12: {  	s1 =	sld [smem:$0x3F93];
	s0 =	simm.s32 @p0 $0x1  }
0x13: {  	[smem:$0x3FAE] =	sst s0;
	s0 =	simm.s32 @!p1 $0x0  }
0x14: {  	s2 =	sld [smem:$0x3F92];
	s0 =	simm.s32 @p1 $0x1  }
0x15: {  	[smem:$0x3FAF] =	sst s0;
	s0 =	simm.s32 @!p2 $0x0  }
0x16: {  	s3 =	sld [smem:$0x3FDB];
	s0 =	simm.s32 @p2 $0x1  }
0x17: {  	s4 =	simm.s32 $0x1BF5;
	[smem:$0x3FB1] =	sst s0  }
0x18: {  	s0 =	sld [smem:$0x3F94];
	_ =	swait.ge [sflag:s4], $0x0  }
0x19: {  	s7 =	sld [smem:$0x3F95]  }
0x1a: {  	s8 =	sadd.s32 $0xFFFFE003, lr  }
0x1b: {  	s9 =	sadd.s32 $0xFFFFFEF7, lr;
	s5 =	simm.s32 $0xFFFFFFFF;
	p2 =	slt.u32 s8, $0xFFFFF086  }
0x1c: {  	p1 =	slt.u32 s9, $0xF7A;
	s5 =	simm.s32 @!p2 $0x0  }
0x1d: {  	s5 =	simm.s32 @p1 $0x1;
	p0 =	seq.s32 s7, s2  }
0x1e: {  	s7 =	smul.u32 @!p0 $0xF7A, s2;
	p2 =	seq.s32 @!p0 s5, $0x0  }
0x1f: {  	s9 =	smul.u32 $0xF7A, s1;
	s8 =	simm.s32 @!p0 $0x1BF5;
	p2 =	por !p2, p0  }
0x20: {  	[sflag:s8] =	ssyncset.s32 @!p0 $0xFFFFF086;
	s6 =	sadd.s32 @!p0 s3, s7;
	s7 =	simm.s32 @!p0 $0x108  }
0x21: {  	s3 =	sadd.s32 s3, s9;
	s6 =	sadd.s32 @!p0 $0x88, s6;
	s7 =	simm.s32 @p2 $0x1082  }
0x22: {  	[simem:s7], [sflag:s8] =	dma.local @!p0 [hbm:s6], $0xF7A  }
0x23: {  	s9 =	sor.u32 $0xD0000000, s2;
	s6 =	simm.s32 $0x108;
	_ =	swait.ge @!p0 [sflag:s8], $0x0  }
0x24: {  	s3 =	sadd.s32 $0x88, s3;
	s6 =	simm.s32 @!p1 $0x1082;
	[sflag:s4] =	ssyncset.s32 $0xFFFFF086  }
0x25: {  	[simem:s6], [sflag:s4] =	dma.local [hbm:s3], $0xF7A  }
0x26: {  	[smem:$0x3F95] =	sst s1;
	(tag) =	ssettag s2;
	_ =	strace s9  }
0x27: {  	s1 =	sld [smem:$0x3FA5]  }
0x28: {  	s2 =	sld [smem:$0x3FA6]  }
0x29: {  	s4 =	sld [smem:$0x3FA8]  }
0x2a: {  	p0 =	seq.s32 s5, $0x0;
	s5 =	sld [smem:$0x3FA9]  }
0x2b: {  	s6 =	sld [smem:$0x3FAA]  }
0x2c: {  	s7 =	sld [smem:$0x3FAB]  }
0x2d: {  	s3 =	simm.s32 $0x108;
	s8 =	sld [smem:$0x3FAC]  }
0x2e: {  	s3 =	simm.s32 @!p0 $0x1082;
	s9 =	sld [smem:$0x3FAD]  }
0x2f: {  	lr =	sadd.s32 s0, s3;
	s0 =	sld [smem:$0x3FA4]  }
0x30: {  	s3 =	sld [smem:$0x3FA7]  }
0x31: {  	[smem:$0x3FB0] =	sst s10  }
0x32: {  	s10 =	sld [smem:$0x3FAE];
	_ =	sdelay $0x3  }
0x33: {  	p0 =	seq.s32 s10, $0x1;
	s10 =	sld [smem:$0x3FB0];
	_ =	sdelay $0x3  }
0x34: {  	[smem:$0x3FB0] =	sst s10  }
0x35: {  	s10 =	sld [smem:$0x3FAF];
	_ =	sdelay $0x3  }
0x36: {  	p1 =	seq.s32 s10, $0x1;
	s10 =	sld [smem:$0x3FB0];
	_ =	sdelay $0x3  }
0x37: {  	[smem:$0x3FB0] =	sst s10  }
0x38: {  	s10 =	sld [smem:$0x3FB1]  }
0x39: {  	_ = 	snop;
	(pc) =	sbr.ind lr, $3  }
0x3a: {  	_ = 	snop  }
0x3b: {  	_ = 	snop  }
0x3c: {  	p2 =	seq.s32 s10, $0x1;
	s10 =	sld [smem:$0x3FB0]  }
0x3d: {  	_ =	shalt  }
0x3e: {  	_ =	shalt  }
0x3f: {  	_ =	shalt  }
0x40: {  	_ =	shalt  }
0x41: {  	_ =	shalt  }
0x42: {  	_ =	shalt  }
0x43: {  	_ =	shalt  }
0x44: {  	_ =	shalt  }
0x45: {  	_ =	shalt  }
0x46: {  	_ =	shalt  }
0x47: {  	_ =	shalt  }
0x48: {  	_ =	shalt  }
0x49: {  	_ =	shalt  }
0x4a: {  	_ =	shalt  }
0x4b: {  	_ =	shalt  }
0x4c: {  	_ =	shalt  }
0x4d: {  	_ =	shalt  }
0x4e: {  	_ =	shalt  }
0x4f: {  	_ =	shalt  }
0x50: {  	_ =	shalt  }
0x51: {  	_ =	shalt  }
0x52: {  	_ =	shalt  }
0x53: {  	_ =	shalt  }
0x54: {  	_ =	shalt  }
0x55: {  	_ =	shalt  }
0x56: {  	_ =	shalt  }
0x57: {  	_ =	shalt  }
0x58: {  	_ =	shalt  }
0x59: {  	_ =	shalt  }
0x5a: {  	_ =	shalt  }
0x5b: {  	_ =	shalt  }
0x5c: {  	_ =	shalt  }
0x5d: {  	_ =	shalt  }
0x5e: {  	_ =	shalt  }
0x5f: {  	_ =	shalt  }
0x60: {  	_ =	shalt  }
0x61: {  	_ =	shalt  }
0x62: {  	_ =	shalt  }
0x63: {  	_ =	shalt  }
0x64: {  	_ =	shalt  }
0x65: {  	_ =	shalt  }
0x66: {  	_ =	shalt  }
0x67: {  	_ =	shalt  }
0x68: {  	_ =	shalt  }
0x69: {  	_ =	shalt  }
0x6a: {  	_ =	shalt  }
0x6b: {  	_ =	shalt  }
0x6c: {  	_ =	shalt  }
0x6d: {  	_ =	shalt  }
0x6e: {  	_ =	shalt  }
0x6f: {  	_ =	shalt  }
0x70: {  	_ =	shalt  }
0x71: {  	_ =	shalt  }
0x72: {  	_ =	shalt  }
0x73: {  	_ =	shalt  }
0x74: {  	_ =	shalt  }
0x75: {  	_ =	shalt  }
0x76: {  	_ =	shalt  }
0x77: {  	_ =	shalt  }
0x78: {  	_ =	shalt  }
0x79: {  	_ =	shalt  }
0x7a: {  	_ =	shalt  }
0x7b: {  	_ =	shalt  }
0x7c: {  	_ =	shalt  }
0x7d: {  	_ =	shalt  }
0x7e: {  	_ =	shalt  }
0x7f: {  	_ =	shalt  }
0x80: {  	_ =	shalt  }
0x81: {  	_ =	shalt  }
0x82: {  	_ =	shalt  }
0x83: {  	_ =	shalt  }
0x84: {  	_ =	shalt  }
0x85: {  	_ =	shalt  }
0x86: {  	_ =	shalt  }
0x87: {  	_ =	shalt  }
.Lfunc_end0:
.L_simem_size_0:
called_computation.3_lowered:
.L_overlay_start_0:
0x88: {  	s0 =	sld [smem:$0x3FD9]  }
0x89: {  	s1 =	sld [smem:$0x3FFE];
	_ =	sdelay $0x3  }
0x8a: {  	s0 =	sadd.s32 s1, s0  }
0x8b: {  	[smem:$0x3FBC] =	sst s0  }
0x8c: {  	_ = 	snop  }
0x8d: {  	(tm) =	ssettm $0x1  }
0x8e: {  	s15 =	sld [smem:$0x3FFB];
	_ =	sdelay $0x3  }
0x8f: {  	_ =	strace s15  }
0x90: {  	s0 =	sld [smem:$0x3FFC];
	_ =	sdelay $0x3  }
0x91: {  	_ =	strace s0  }
0x92: {  	s0 =	sld [smem:$0x3FFD];
	_ =	sdelay $0x3  }
0x93: {  	_ =	strace s0  }
0x94: {  	_ =	strace $0x8FFFFFFF  }
0x95: {  	s16 =	sld [smem:$0x3FDB];
	_ =	sdelay $0x1  }
0x96: {  	s17 =	simm.s32 $_scs_section_size  }
0x97: {  	s2 =	simm.s32 $_size__tile_overlayer_lowered;
	s3 =	simm.s32 $_tile_overlayer_lowered  }
0x98: {  	s20 =	simm.s32 $0x1BFF;
	s19 =	sshll.u32 s3, $0x1;
	s0 =	sadd.s32 s17, s16  }
0x99: {  	s4 =	simm.s32 $0x0;
	s18 =	sshll.u32 s2, $0x1;
	s2 =	sadd.s32 s19, s0  }
0x9a: {  	[timem:s4], [sflag:s20] =	dma.local [hbm:s2], s18  }
0x9b: {  	_ =	swait.ge [sflag:s20], s18  }
0x9c: {  	s1 =	ssub.s32 $0x0, s18;
	[sflag:s20] =	ssyncset.done $0x0  }
0x9d: {  	[sflag:s20] =	ssyncadd.s32 s1;
	_ =	sdelay $0x1  }
0x9e: {  	s21 =	simm.s32 $0x1B8B  }
0x9f: {  	_ =	swait.ge [sflag:s21], $0x1  }
0xa0: {  	[sflag:s21] =	ssyncset.done $0x0  }
0xa1: {  	s23 =	simm.s32 $0x1B8E;
	s22 =	sld [smem:$0x3FFE];
	[sflag:s21] =	ssyncadd.s32 $0xFFFFFFFF  }
0xa2: {  	s24 =	simm.s32 $execute0_lowered;
	[smem:$0x3FD2] =	sst s23  }
0xa3: {  	s2 =	sshll.u32 s24, $0x1;
	_ =	strace $0x80000055;
	[dreg:$0x1] =	wrdreg $0xFFFFFFFF  }
0xa4: {  	s25 =	simm.s32 $_size_execute0_lowered;
	s0 =	sadd.s32 s0, s2;
	[dreg:$0x0] =	wrdreg $0x0  }
0xa5: {  	s2 =	sshll.u32 s25, $0x1;
	[dreg:$0x2] =	wrdreg s0  }
0xa6: {  	[dreg:$0x3] =	wrdreg s2  }
0xa7: {  	[dreg:$0x4] =	wrdreg $0xC0  }
0xa8: {  	_ =	task [dreg:s4], $0x5FFFF  }
0xa9: {  	[dreg:$0x1] =	wrdreg $0xFFFFFFFF  }
0xaa: {  	[dreg:$0x0] =	wrdreg $0x60  }
0xab: {  	[dreg:$0x2] =	wrdreg s22  }
0xac: {  	[dreg:$0x3] =	wrdreg $0x9  }
0xad: {  	_ =	task.clear_ibuf [dreg:s4], $0x4FFFF;
	_ =	strace $0x90000055  }
0xae: {  	s26 =	simm.s32 $0x9;
	_ =	strace $0x80000057  }
0xaf: {  	_ =	swait.ge [sflag:s26], $0x1  }
0xb0: {  	[sflag:s26] =	ssyncadd.s32 $0xFFFFFFFF  }
0xb1: {  	_ =	strace $0x90000057  }
0xb2: {  	_ =	sfence  }
0xb3: {  	s28 =	sld [smem:$0x0];
	_ =	sdelay $0x1  }
0xb4: {  	s29 =	srdreg.scid  }
0xb5: {  	s30 =	sshll.u32 s29, $0xD;
	s31 =	sshrl.u32 s29, $0x2  }
0xb6: {  	s1 =	sand.u32 $0x1, s29;
	s2 =	sand.u32 $0x4000, s30;
	s0 =	sadd.s32 s31, s28  }
0xb7: {  	s1 =	sor.u32 s2, s1;
	s0 =	sshll.u32 s0, $0x11  }
0xb8: {  	s0 =	sor.u32 s0, s1  }
0xb9: {  	s0 =	sadd.s32 $0x8F2B, s0  }
0xba: {  	[sflag:s0] =	ssyncadd.remote.s32 $0x1  }
0xbb: {  	_ =	sfence.sel $0xFFFF  }
0xbc: {  	[dreg:$0x0] =	wrdreg $0xFFFFFFFF;
	(pc) =	sbr.abs _section_cstart, $3  }
0xbd: {  	[dreg:$0x1] =	wrdreg $0xFFFFFFFF  }
0xbe: {  	_ =	task.clear_ibuf [dreg:s4], $0x2FFFF;
	_ =	strace $0x9FFFFFFF  }
0xbf: {  	(tm) =	ssettm $0x7FFFFFFF  }
tec
execute0_lowered:
.L_overlay_start_1:
0x0: {  	(tag) =	ssettag $0x1  }
0x1: {  	s0 =	stileid.u32  }
0x2: {  	s2 =	smul.u32 $0x2710, s0;
	_ =	sdelay $0x1  }
0x3: {  	s6 =	ssub.s32 $0xCF850, s2  }
0x4: {  	s1 =	smulhi.u32 $0x68DB9, s6  }
0x5: {  	s8 =	rddreg [dreg:$0x0];
	s5 =	simm.s32 $0x1;
	s10 =	simm.s32 $0x3  }
0x6: {  	s13 =	simm.s32 $0x0;
	s12 =	simm.s32 $0x0;
	s7 =	sshrl.u32 s1, $0x4  }
0x7: {  	s3 =	sadd.s32 $0x4B600, s8;
	s4 =	sadd.s32 $0x65600, s8;
	s9 =	smul.u32 $0x27100, s7  }
.Ltmp0:
0x8: {  	s8 =	sadd.s32 $0x200, s8;
	s1 =	rddreg [dreg:$0x1];
	(pc) =	sbr.rel .LBB2_1-.Ltmp0, $4  }
0x9: {  	_ =	strace $0x80000056;
	p0 =	sne.s32 s6, s9;
	s9 =	simm.s32 $0x1  }
0xa: {  	[sflag:s5] =	ssyncpa.u1 $0x0;
	s6 =	simm.s32 $0x2;
	s9 =	simm.s32 @!p0 $0x0  }
0xb: {  	s11 =	smov.u32 s2;
	[sflag:s6] =	ssyncpa.u1 $0x0;
	s7 =	sadd.s32 s9, s7  }
0xc: {  	vm0 =	vmmov $0xffff;
	[sflag:s10] =	ssyncpa.u1 $0x0;
	s10 =	simm.s32 $0x0;
	s9 =	sadd.s32 $0x1, s7  }
.LBB2_4:
0xd: {  	v2 =	vnsel vm1, $0x0, v2  }
0xe: {  	vm1 =	vgt.s32 v0, $0x0;
	v2 =	vmin.u32 v2, $0xCF84F  }
0xf: {  	v0 =	vnsel vm1, $0x0, v0  }
0x10: {  	v0 =	vmin.u32 v0, $0xCF84F  }
0x11: {  	[tilespmem:s18], [sflag:$0x1] =	stream.indirect_vreg.gather [hbm4b:s3+s10], $0x1, v1, vm0, $0x4038;
	[tilespmem:$0x9C40] =	vst v63  }
0x12: {  	(ifvalue) =	ssetifvalue $0x7FFFFFFF  }
0x13: {  	[tilespmem:s15], [sflag:$0x1] =	stream.indirect_vreg.gather [hbm4b:s3+s10], $0x1, v2, vm0, $0x4038;
	[tilespmem:$0x9C40] =	vst v63  }
0x14: {  	s29 =	sadd.s32 $0x10, s15;
	(ifvalue) =	ssetifvalue $0x7FFFFFFF  }
0x15: {  	[tilespmem:s29], [sflag:$0x1] =	stream.indirect_vreg.gather [hbm4b:s3+s10], $0x1, v0, vm0, $0x4038;
	[tilespmem:$0x9C40] =	vst v63  }
0x16: {  	_ =	swait.ge [sflag:s5], $0x2710  }
0x17: {  	s30 =	sshrl.u32 s13, $0x3;
	[sflag:s5] =	ssyncset.done $0x0  }
0x18: {  	s31 =	sand.u32 $0x7, s13;
	s15 =	sadd.s32 s8, s30;
	[sflag:s5] =	ssyncadd.s32 $0xFFFFD8F0  }
0x19: {  	[hbm4b:s15+s31] =	stream.linear.scatter [tilespmem:s14], [sflag:$0x3], $0x2710, $0x38;
	[tilespmem:$0x9C40] =	vst v63  }
.LBB2_5:
0x1a: {  	s15 =	sadd.s32 $0x27100, s11  }
0x1b: {  	p1 =	sgt.s32 s15, $0xCF84F  }
0x1c: {  	s15 =	smov.u32 @p1 s2;
	p1 =	sne.s32 s12, s9  }
.Ltmp1:
0x1d: {  	p0 =	slt.u32 s12, $0x2;
	(pc) =	sbr.rel @!p1 .LBB2_6-.Ltmp1, $4  }
0x1e: {  	s14 =	simm.s32 @!p0 $0x3  }
0x1f: {  	_ =	swait.ge @!p0 [sflag:s14], $0x2710  }
0x20: {  	s16 =	sadd.s32 $0x1, s12;
	s13 =	smov.u32 s11;
	[sflag:s14] =	ssyncset.done @!p0 $0x0  }
0x21: {  	s12 =	smov.u32 s16;
	s11 =	smov.u32 s15;
	[sflag:s14] =	ssyncadd.s32 @!p0 $0xFFFFD8F0  }
.LBB2_1:
0x22: {  	p0 =	sge.u32 s12, s7  }
0x23: {  	s14 =	sxor.u32 @!p0 $0xFFFFFFFF, s12  }
0x24: {  	s14 =	sand.u32 @!p0 $0x1, s14  }
0x25: {  	s14 =	smul.u32 @!p0 $0x9C40, s14  }
0x26: {  	s31 =	sadd.s32 $0xFFFFFFFF, s12;
	s15 =	sshrl.u32 @!p0 s11, $0x3  }
0x27: {  	s16 =	sand.u32 @!p0 $0x7, s11;
	s15 =	sadd.s32 @!p0 s4, s15;
	s14 =	sshrl.u32 @!p0 s14, $0x2  }
0x28: {  	[tilespmem:s14], [sflag:$0x2] =	stream.linear.gather @!p0 [hbm4b:s15+s16], $0x2710, $0x38;
	[tilespmem:$0x9C40] =	vst v63  }
0x29: {  	p0 =	sge.u32 s31, s7  }
.Ltmp2:
0x2a: {  	_ = 	snop;
	(pc) =	sbr.rel @p0 .LBB2_5-.Ltmp2, $1  }
0x2b: {  	_ =	sdelay $0x3  }
0x2c: {  	s14 =	sand.u32 $0x1, s12  }
0x2d: {  	_ =	swait.ge [sflag:s6], $0x2710;
	p0 =	seq.s32 s14, $0x1;
	s14 =	simm.s32 $0x2710  }
0x2e: {  	[sflag:s6] =	ssyncset.done $0x0;
	s14 =	simm.s32 @!p0 $0x0  }
0x2f: {  	[sflag:s6] =	ssyncadd.s32 $0xFFFFD8F0;
	(ifvalue) =	ssetifvalue $0x7FFFFFFF;
	v0 =	vld.msk [tilespmem:s14+$0x0 ss:$0x1], $0xffff;
	_ =	sdelay $0x4  }
0x30: {  	s15 =	sadd.s32 $0x10, s14;
	vm1 =	vgt.s32 v0, $0x0  }
0x31: {  	v2 =	vld.msk [tilespmem:s15+$0x0 ss:$0x1], $0xffff;
	v1 =	vnsel vm1, $0x0, v0  }
0x32: {  	v1 =	vmin.u32 v1, $0xCF84F;
	_ =	sdelay $0x2  }
0x33: {  	s17 =	simm.s32 $0x20;
	s14 =	sadd.s32 $0x4E20, s14;
	s16 =	sadd.s32 $0x10, s15  }
0x34: {  	s15 =	sadd.s32 $0x10, s14;
	s18 =	smov.u32 s14;
	v0 =	vld.msk [tilespmem:s16+$0x0 ss:$0x1], $0xffff;
	vm1 =	vgt.s32 v2, $0x0;
	(ifvalue) =	ssetifvalue $0x7FFFFFFF  }
.LBB2_3:
0x35: {  	[tilespmem:s18], [sflag:$0x1] =	stream.indirect_vreg.gather [hbm4b:s3+s10], $0x1, v1, vm0, $0x4038;
	[tilespmem:$0x9C40] =	vst v63  }
0x36: {  	s17 =	sadd.s32 $0x10, s17  }
0x37: {  	v2 =	vnsel vm1, $0x0, v2;
	p0 =	slt.u32 s17, $0x2700  }
.Ltmp3:
0x38: {  	s18 =	smov.u32 s15;
	v1 =	vmin.u32 v2, $0xCF84F;
	(pc) =	sbr.rel @p0 .LBB2_3-.Ltmp3, $3  }
0x39: {  	_ =	sdelay $0x1  }
0x3a: {  	s16 =	sadd.s32 $0x10, s16  }
0x3b: {  	vm1 =	vgt.s32 v0, $0x0;
	s15 =	sadd.s32 $0x10, s15;
	v2 =	vmov v0;
	(ifvalue) =	ssetifvalue $0x7FFFFFFF;
	v0 =	vld.msk [tilespmem:s16+$0x0 ss:$0x1], $0xffff  }
.Ltmp4:
0x3c: {  	_ = 	snop;
	(pc) =	sbr.rel .LBB2_4-.Ltmp4, $1  }
0x3d: {  	_ =	sdelay $0x3  }
.LBB2_6:
0x3e: {  	_ =	sfence.sel $0x180000  }
0x3f: {  	s2 =	simm.s32 $0x2;
	[bflag:$0x0] =	sbarrier.arrive $0xFFFF  }
0x40: {  	s30 =	simm.s32 $0x3;
	[sflag:s2] =	ssyncpa.u1 $0x1  }
0x41: {  	s31 =	simm.s32 $0x1;
	[sflag:s30] =	ssyncpa.u1 $0x1  }
0x42: {  	[sflag:s31] =	ssyncpa.u1 $0x1  }
0x43: {  	p0 =	sne.s32 s0, $0x0;
	_ =	strace $0x90000056  }
0x44: {  	s0 =	sadd.s32 @!p0 $0x100000, s1;
	[bflag:$0x2] =	sbarrier.arrive $0xFFFF  }
0x45: {  	[sflag:s0] =	ssyncadd.tile.s32 @!p0 $0x1;
	_ =	shalt  }
.Lfunc_end2:
_tile_overlayer_lowered:
.L_overlay_start_2:
0x46: {  	(tag) =	ssettag $0x2  }
0x47: {  	s0 =	rddreg [dreg:$0x0];
	s2 =	stileid.u32  }
0x48: {  	s1 =	rddreg [dreg:$0x1];
	p0 =	sne.s32 s2, $0x0  }
0x49: {  	s3 =	rddreg [dreg:$0x2];
	[bflag:$0x3] =	sbarrier.arrive $0xFFFF;
	s2 =	simm.s32 @!p0 $0x1C01  }
0x4a: {  	[timem:s3], [sflag:s2] =	dma.local @!p0 [hbm:s0], s1  }
0x4b: {  	s0 =	simm.s32 @!p0 $0x1  }
0x4c: {  	_ =	swait.ge @!p0 [sflag:s0], s1  }
0x4d: {  	s1 =	ssub.s32 @!p0 $0x0, s1;
	[sflag:s0] =	ssyncset.done @!p0 $0x0  }
0x4e: {  	[sflag:s0] =	ssyncadd.s32 @!p0 s1  }
0x4f: {  	[bflag:$0x3] =	sbarrier.arrive $0xFFFF  }
0x50: {  	_ =	shalt  }

// kernel: gather_offload_async_start.3
scs
__scs_entry_jumppad:
0x0: {  	(pc) =	sbr.rel $0x88, $3  }
0x1: {  	(tag) =	ssettag $0x0;
	lr =	simm.s32 $0x1  }
0x2: {  	[smem:$0x3F95] =	sst lr;
	_ =	strace $0xD0000000  }
0x3: {  	_ = 	snop  }
0x4: {  	_ = 	snop  }
0x5: {  	_ = 	snop  }
0x6: {  	_ = 	snop  }
0x7: {  	_ = 	snop  }
__scs_overlays_trampoline_lowered:
0x8: {  	[smem:$0x3FA4] =	sst s0  }
0x9: {  	[smem:$0x3FA5] =	sst s1  }
0xa: {  	[smem:$0x3FA6] =	sst s2  }
0xb: {  	[smem:$0x3FA7] =	sst s3  }
0xc: {  	[smem:$0x3FA8] =	sst s4  }
0xd: {  	[smem:$0x3FA9] =	sst s5  }
0xe: {  	[smem:$0x3FAA] =	sst s6  }
0xf: {  	[smem:$0x3FAB] =	sst s7  }
0x10: {  	[smem:$0x3FAC] =	sst s8  }
0x11: {  	[smem:$0x3FAD] =	sst s9;
	s0 =	simm.s32 @!p0 $0x0  }
0x12: {  	s1 =	sld [smem:$0x3F93];
	s0 =	simm.s32 @p0 $0x1  }
0x13: {  	[smem:$0x3FAE] =	sst s0;
	s0 =	simm.s32 @!p1 $0x0  }
0x14: {  	s2 =	sld [smem:$0x3F92];
	s0 =	simm.s32 @p1 $0x1  }
0x15: {  	[smem:$0x3FAF] =	sst s0;
	s0 =	simm.s32 @!p2 $0x0  }
0x16: {  	s3 =	sld [smem:$0x3FDB];
	s0 =	simm.s32 @p2 $0x1  }
0x17: {  	s4 =	simm.s32 $0x1BF5;
	[smem:$0x3FB1] =	sst s0  }
0x18: {  	s0 =	sld [smem:$0x3F94];
	_ =	swait.ge [sflag:s4], $0x0  }
0x19: {  	s7 =	sld [smem:$0x3F95]  }
0x1a: {  	s8 =	sadd.s32 $0xFFFFE003, lr  }
0x1b: {  	s9 =	sadd.s32 $0xFFFFFEF7, lr;
	s5 =	simm.s32 $0xFFFFFFFF;
	p2 =	slt.u32 s8, $0xFFFFF086  }
0x1c: {  	p1 =	slt.u32 s9, $0xF7A;
	s5 =	simm.s32 @!p2 $0x0  }
0x1d: {  	s5 =	simm.s32 @p1 $0x1;
	p0 =	seq.s32 s7, s2  }
0x1e: {  	s7 =	smul.u32 @!p0 $0xF7A, s2;
	p2 =	seq.s32 @!p0 s5, $0x0  }
0x1f: {  	s9 =	smul.u32 $0xF7A, s1;
	s8 =	simm.s32 @!p0 $0x1BF5;
	p2 =	por !p2, p0  }
0x20: {  	[sflag:s8] =	ssyncset.s32 @!p0 $0xFFFFF086;
	s6 =	sadd.s32 @!p0 s3, s7;
	s7 =	simm.s32 @!p0 $0x108  }
0x21: {  	s3 =	sadd.s32 s3, s9;
	s6 =	sadd.s32 @!p0 $0x88, s6;
	s7 =	simm.s32 @p2 $0x1082  }
0x22: {  	[simem:s7], [sflag:s8] =	dma.local @!p0 [hbm:s6], $0xF7A  }
0x23: {  	s9 =	sor.u32 $0xD0000000, s2;
	s6 =	simm.s32 $0x108;
	_ =	swait.ge @!p0 [sflag:s8], $0x0  }
0x24: {  	s3 =	sadd.s32 $0x88, s3;
	s6 =	simm.s32 @!p1 $0x1082;
	[sflag:s4] =	ssyncset.s32 $0xFFFFF086  }
0x25: {  	[simem:s6], [sflag:s4] =	dma.local [hbm:s3], $0xF7A  }
0x26: {  	[smem:$0x3F95] =	sst s1;
	(tag) =	ssettag s2;
	_ =	strace s9  }
0x27: {  	s1 =	sld [smem:$0x3FA5]  }
0x28: {  	s2 =	sld [smem:$0x3FA6]  }
0x29: {  	s4 =	sld [smem:$0x3FA8]  }
0x2a: {  	p0 =	seq.s32 s5, $0x0;
	s5 =	sld [smem:$0x3FA9]  }
0x2b: {  	s6 =	sld [smem:$0x3FAA]  }
0x2c: {  	s7 =	sld [smem:$0x3FAB]  }
0x2d: {  	s3 =	simm.s32 $0x108;
	s8 =	sld [smem:$0x3FAC]  }
0x2e: {  	s3 =	simm.s32 @!p0 $0x1082;
	s9 =	sld [smem:$0x3FAD]  }
0x2f: {  	lr =	sadd.s32 s0, s3;
	s0 =	sld [smem:$0x3FA4]  }
0x30: {  	s3 =	sld [smem:$0x3FA7]  }
0x31: {  	[smem:$0x3FB0] =	sst s10  }
0x32: {  	s10 =	sld [smem:$0x3FAE];
	_ =	sdelay $0x3  }
0x33: {  	p0 =	seq.s32 s10, $0x1;
	s10 =	sld [smem:$0x3FB0];
	_ =	sdelay $0x3  }
0x34: {  	[smem:$0x3FB0] =	sst s10  }
0x35: {  	s10 =	sld [smem:$0x3FAF];
	_ =	sdelay $0x3  }
0x36: {  	p1 =	seq.s32 s10, $0x1;
	s10 =	sld [smem:$0x3FB0];
	_ =	sdelay $0x3  }
0x37: {  	[smem:$0x3FB0] =	sst s10  }
0x38: {  	s10 =	sld [smem:$0x3FB1]  }
0x39: {  	_ = 	snop;
	(pc) =	sbr.ind lr, $3  }
0x3a: {  	_ = 	snop  }
0x3b: {  	_ = 	snop  }
0x3c: {  	p2 =	seq.s32 s10, $0x1;
	s10 =	sld [smem:$0x3FB0]  }
0x3d: {  	_ =	shalt  }
0x3e: {  	_ =	shalt  }
0x3f: {  	_ =	shalt  }
0x40: {  	_ =	shalt  }
0x41: {  	_ =	shalt  }
0x42: {  	_ =	shalt  }
0x43: {  	_ =	shalt  }
0x44: {  	_ =	shalt  }
0x45: {  	_ =	shalt  }
0x46: {  	_ =	shalt  }
0x47: {  	_ =	shalt  }
0x48: {  	_ =	shalt  }
0x49: {  	_ =	shalt  }
0x4a: {  	_ =	shalt  }
0x4b: {  	_ =	shalt  }
0x4c: {  	_ =	shalt  }
0x4d: {  	_ =	shalt  }
0x4e: {  	_ =	shalt  }
0x4f: {  	_ =	shalt  }
0x50: {  	_ =	shalt  }
0x51: {  	_ =	shalt  }
0x52: {  	_ =	shalt  }
0x53: {  	_ =	shalt  }
0x54: {  	_ =	shalt  }
0x55: {  	_ =	shalt  }
0x56: {  	_ =	shalt  }
0x57: {  	_ =	shalt  }
0x58: {  	_ =	shalt  }
0x59: {  	_ =	shalt  }
0x5a: {  	_ =	shalt  }
0x5b: {  	_ =	shalt  }
0x5c: {  	_ =	shalt  }
0x5d: {  	_ =	shalt  }
0x5e: {  	_ =	shalt  }
0x5f: {  	_ =	shalt  }
0x60: {  	_ =	shalt  }
0x61: {  	_ =	shalt  }
0x62: {  	_ =	shalt  }
0x63: {  	_ =	shalt  }
0x64: {  	_ =	shalt  }
0x65: {  	_ =	shalt  }
0x66: {  	_ =	shalt  }
0x67: {  	_ =	shalt  }
0x68: {  	_ =	shalt  }
0x69: {  	_ =	shalt  }
0x6a: {  	_ =	shalt  }
0x6b: {  	_ =	shalt  }
0x6c: {  	_ =	shalt  }
0x6d: {  	_ =	shalt  }
0x6e: {  	_ =	shalt  }
0x6f: {  	_ =	shalt  }
0x70: {  	_ =	shalt  }
0x71: {  	_ =	shalt  }
0x72: {  	_ =	shalt  }
0x73: {  	_ =	shalt  }
0x74: {  	_ =	shalt  }
0x75: {  	_ =	shalt  }
0x76: {  	_ =	shalt  }
0x77: {  	_ =	shalt  }
0x78: {  	_ =	shalt  }
0x79: {  	_ =	shalt  }
0x7a: {  	_ =	shalt  }
0x7b: {  	_ =	shalt  }
0x7c: {  	_ =	shalt  }
0x7d: {  	_ =	shalt  }
0x7e: {  	_ =	shalt  }
0x7f: {  	_ =	shalt  }
0x80: {  	_ =	shalt  }
0x81: {  	_ =	shalt  }
0x82: {  	_ =	shalt  }
0x83: {  	_ =	shalt  }
0x84: {  	_ =	shalt  }
0x85: {  	_ =	shalt  }
0x86: {  	_ =	shalt  }
0x87: {  	_ =	shalt  }
.Lfunc_end0:
.L_simem_size_0:
called_computation.4_lowered:
.L_overlay_start_0:
0x88: {  	s2 =	sld [smem:$0x3FD9]  }
0x89: {  	s3 =	sld [smem:$0x3FFE];
	_ =	sdelay $0x1  }
0x8a: {  	s1 =	srdreg.scid  }
0x8b: {  	s0 =	sand.u32 $0x1, s1  }
0x8c: {  	s16 =	sshll.u32 s0, $0xA;
	s2 =	sadd.s32 s3, s2  }
0x8d: {  	s2 =	sadd.s32 s2, s16  }
0x8e: {  	[smem:$0x3FBC] =	sst s2  }
0x8f: {  	_ = 	snop  }
0x90: {  	(tm) =	ssettm $0x1  }
0x91: {  	s17 =	sld [smem:$0x3FFB];
	_ =	sdelay $0x3  }
0x92: {  	_ =	strace s17  }
0x93: {  	s2 =	sld [smem:$0x3FFC];
	_ =	sdelay $0x3  }
0x94: {  	_ =	strace s2  }
0x95: {  	s2 =	sld [smem:$0x3FFD];
	_ =	sdelay $0x3  }
0x96: {  	_ =	strace s2  }
0x97: {  	_ =	strace $0x8FFFFFFF  }
0x98: {  	s18 =	sld [smem:$0x3FDB];
	_ =	sdelay $0x1  }
0x99: {  	s19 =	simm.s32 $_scs_section_size  }
0x9a: {  	s4 =	simm.s32 $_size__tile_overlayer_lowered;
	s5 =	simm.s32 $_tile_overlayer_lowered  }
0x9b: {  	s22 =	simm.s32 $0x1BFF;
	s21 =	sshll.u32 s5, $0x1;
	s2 =	sadd.s32 s19, s18  }
0x9c: {  	s6 =	simm.s32 $0x0;
	s20 =	sshll.u32 s4, $0x1;
	s4 =	sadd.s32 s21, s2  }
0x9d: {  	[timem:s6], [sflag:s22] =	dma.local [hbm:s4], s20  }
0x9e: {  	_ =	swait.ge [sflag:s22], s20  }
0x9f: {  	s3 =	ssub.s32 $0x0, s20;
	[sflag:s22] =	ssyncset.done $0x0  }
0xa0: {  	[sflag:s22] =	ssyncadd.s32 s3;
	_ =	sdelay $0x1  }
0xa1: {  	s23 =	simm.s32 $0x1B8B  }
0xa2: {  	_ =	swait.ge [sflag:s23], $0x1  }
0xa3: {  	[sflag:s23] =	ssyncset.done $0x0  }
0xa4: {  	s25 =	simm.s32 $0x1B8E;
	s24 =	sld [smem:$0x3FFE];
	[sflag:s23] =	ssyncadd.s32 $0xFFFFFFFF  }
0xa5: {  	s26 =	simm.s32 $execute0_lowered;
	[smem:$0x3FD2] =	sst s25  }
0xa6: {  	s4 =	sshll.u32 s26, $0x1;
	_ =	strace $0x8000004F;
	[dreg:$0x1] =	wrdreg $0xFFFFFFFF  }
0xa7: {  	s28 =	simm.s32 $_size_execute0_lowered;
	s2 =	sadd.s32 s2, s4;
	[dreg:$0x0] =	wrdreg $0x0  }
0xa8: {  	s4 =	sshll.u32 s28, $0x1;
	[dreg:$0x2] =	wrdreg s2  }
0xa9: {  	[dreg:$0x3] =	wrdreg s4  }
0xaa: {  	[dreg:$0x4] =	wrdreg $0xC0  }
0xab: {  	_ =	task [dreg:s6], $0x5FFFF  }
0xac: {  	[dreg:$0x1] =	wrdreg $0xFFFFFFFF  }
0xad: {  	[dreg:$0x0] =	wrdreg $0x60  }
0xae: {  	[dreg:$0x2] =	wrdreg s24  }
0xaf: {  	[dreg:$0x3] =	wrdreg $0x9  }
0xb0: {  	_ =	task.clear_ibuf [dreg:s6], $0x4FFFF;
	_ =	strace $0x9000004F  }
0xb1: {  	s29 =	simm.s32 $0x9;
	_ =	strace $0x80000051  }
0xb2: {  	_ =	swait.ge [sflag:s29], $0x1  }
0xb3: {  	[sflag:s29] =	ssyncadd.s32 $0xFFFFFFFF  }
0xb4: {  	_ =	strace $0x90000051  }
0xb5: {  	_ =	sfence  }
0xb6: {  	s30 =	sld [smem:$0x0];
	_ =	sdelay $0x2  }
0xb7: {  	s31 =	sshll.u32 s1, $0xD;
	s1 =	sshrl.u32 s1, $0x2  }
0xb8: {  	s3 =	sand.u32 $0x4000, s31;
	s1 =	sadd.s32 s1, s30  }
0xb9: {  	s0 =	sor.u32 s3, s0;
	s1 =	sshll.u32 s1, $0x11  }
0xba: {  	s0 =	sor.u32 s1, s0  }
0xbb: {  	s0 =	sadd.s32 $0x8F2B, s0  }
0xbc: {  	[sflag:s0] =	ssyncadd.remote.s32 $0x1  }
0xbd: {  	_ =	sfence.sel $0xFFFF  }
0xbe: {  	[dreg:$0x0] =	wrdreg $0xFFFFFFFF;
	(pc) =	sbr.abs _section_cstart, $3  }
0xbf: {  	[dreg:$0x1] =	wrdreg $0xFFFFFFFF  }
0xc0: {  	_ =	task.clear_ibuf [dreg:s6], $0x2FFFF;
	_ =	strace $0x9FFFFFFF  }
0xc1: {  	(tm) =	ssettm $0x7FFFFFFF  }
tec
execute0_lowered:
.L_overlay_start_1:
0x0: {  	(tag) =	ssettag $0x1  }
0x1: {  	s0 =	stileid.u32;
	s1 =	srdreg.scid  }
0x2: {  	s1 =	sand.u32 $0x1, s1;
	s2 =	sshll.u32 s0, $0x1  }
0x3: {  	s1 =	sor.u32 s2, s1  }
0x4: {  	s2 =	smul.u32 $0x4040, s1;
	_ =	sdelay $0x1  }
0x5: {  	s6 =	ssub.s32 $0x101000, s2  }
0x6: {  	s31 =	smulhi.u32 $0xFF01, s6  }
0x7: {  	s8 =	rddreg [dreg:$0x0];
	s5 =	simm.s32 $0x1;
	s10 =	simm.s32 $0x3  }
0x8: {  	s13 =	simm.s32 $0x0;
	s12 =	simm.s32 $0x0;
	s7 =	sshrl.u32 s31, $0x3  }
0x9: {  	s3 =	sadd.s32 $0x7F600, s8;
	s4 =	sadd.s32 $0xE7600, s8;
	s9 =	smul.u32 $0x80800, s7  }
.Ltmp0:
0xa: {  	s8 =	sadd.s32 $0x23000, s8;
	s1 =	rddreg [dreg:$0x1];
	(pc) =	sbr.rel .LBB2_1-.Ltmp0, $4  }
0xb: {  	_ =	strace $0x80000050;
	p0 =	sne.s32 s6, s9;
	s9 =	simm.s32 $0x1  }
0xc: {  	[sflag:s5] =	ssyncpa.u1 $0x0;
	s6 =	simm.s32 $0x2;
	s9 =	simm.s32 @!p0 $0x0  }
0xd: {  	s11 =	smov.u32 s2;
	[sflag:s6] =	ssyncpa.u1 $0x0;
	s7 =	sadd.s32 s9, s7  }
0xe: {  	vm0 =	vmmov $0xffff;
	[sflag:s10] =	ssyncpa.u1 $0x0;
	s10 =	simm.s32 $0x0;
	s9 =	sadd.s32 $0x1, s7  }
.LBB2_4:
0xf: {  	v2 =	vnsel vm1, $0x0, v2  }
0x10: {  	vm1 =	vgt.s32 v0, $0x0;
	v2 =	vmin.u32 v2, $0xCF84F  }
0x11: {  	v0 =	vnsel vm1, $0x0, v0  }
0x12: {  	v0 =	vmin.u32 v0, $0xCF84F  }
0x13: {  	[tilespmem:s18], [sflag:$0x1] =	stream.indirect_vreg.gather [hbm4b:s3+s10], $0x1, v1, vm0, $0x4038;
	[tilespmem:$0x10100] =	vst v63  }
0x14: {  	(ifvalue) =	ssetifvalue $0x7FFFFFFF  }
0x15: {  	[tilespmem:s15], [sflag:$0x1] =	stream.indirect_vreg.gather [hbm4b:s3+s10], $0x1, v2, vm0, $0x4038;
	[tilespmem:$0x10100] =	vst v63  }
0x16: {  	s29 =	sadd.s32 $0x10, s15;
	(ifvalue) =	ssetifvalue $0x7FFFFFFF  }
0x17: {  	[tilespmem:s29], [sflag:$0x1] =	stream.indirect_vreg.gather [hbm4b:s3+s10], $0x1, v0, vm0, $0x4038;
	[tilespmem:$0x10100] =	vst v63  }
0x18: {  	_ =	swait.ge [sflag:s5], $0x4040  }
0x19: {  	s30 =	sshrl.u32 s13, $0x3;
	[sflag:s5] =	ssyncset.done $0x0  }
0x1a: {  	s31 =	sand.u32 $0x7, s13;
	s15 =	sadd.s32 s8, s30;
	[sflag:s5] =	ssyncadd.s32 $0xFFFFBFC0  }
0x1b: {  	[hbm4b:s15+s31] =	stream.linear.scatter [tilespmem:s14], [sflag:$0x3], $0x4040, $0x38;
	[tilespmem:$0x10100] =	vst v63  }
.LBB2_5:
0x1c: {  	s15 =	sadd.s32 $0x80800, s11  }
0x1d: {  	p1 =	sgt.s32 s15, $0x100FFF  }
0x1e: {  	s15 =	smov.u32 @p1 s2;
	p1 =	sne.s32 s12, s9  }
.Ltmp1:
0x1f: {  	p0 =	slt.u32 s12, $0x2;
	(pc) =	sbr.rel @!p1 .LBB2_6-.Ltmp1, $4  }
0x20: {  	s14 =	simm.s32 @!p0 $0x3  }
0x21: {  	_ =	swait.ge @!p0 [sflag:s14], $0x4040  }
0x22: {  	s16 =	sadd.s32 $0x1, s12;
	s13 =	smov.u32 s11;
	[sflag:s14] =	ssyncset.done @!p0 $0x0  }
0x23: {  	s12 =	smov.u32 s16;
	s11 =	smov.u32 s15;
	[sflag:s14] =	ssyncadd.s32 @!p0 $0xFFFFBFC0  }
.LBB2_1:
0x24: {  	p0 =	sge.u32 s12, s7  }
0x25: {  	s14 =	sxor.u32 @!p0 $0xFFFFFFFF, s12  }
0x26: {  	s14 =	sand.u32 @!p0 $0x1, s14  }
0x27: {  	s14 =	smul.u32 @!p0 $0x10100, s14  }
0x28: {  	s31 =	sadd.s32 $0xFFFFFFFF, s12;
	s15 =	sshrl.u32 @!p0 s11, $0x3  }
0x29: {  	s16 =	sand.u32 @!p0 $0x7, s11;
	s15 =	sadd.s32 @!p0 s4, s15;
	s14 =	sshrl.u32 @!p0 s14, $0x2  }
0x2a: {  	[tilespmem:s14], [sflag:$0x2] =	stream.linear.gather @!p0 [hbm4b:s15+s16], $0x4040, $0x38;
	[tilespmem:$0x10100] =	vst v63  }
0x2b: {  	p0 =	sge.u32 s31, s7  }
.Ltmp2:
0x2c: {  	_ = 	snop;
	(pc) =	sbr.rel @p0 .LBB2_5-.Ltmp2, $1  }
0x2d: {  	_ =	sdelay $0x3  }
0x2e: {  	s14 =	sand.u32 $0x1, s12  }
0x2f: {  	_ =	swait.ge [sflag:s6], $0x4040;
	p0 =	seq.s32 s14, $0x1;
	s14 =	simm.s32 $0x4040  }
0x30: {  	[sflag:s6] =	ssyncset.done $0x0;
	s14 =	simm.s32 @!p0 $0x0  }
0x31: {  	[sflag:s6] =	ssyncadd.s32 $0xFFFFBFC0;
	(ifvalue) =	ssetifvalue $0x7FFFFFFF;
	v0 =	vld.msk [tilespmem:s14+$0x0 ss:$0x1], $0xffff;
	_ =	sdelay $0x4  }
0x32: {  	s15 =	sadd.s32 $0x10, s14;
	vm1 =	vgt.s32 v0, $0x0  }
0x33: {  	v2 =	vld.msk [tilespmem:s15+$0x0 ss:$0x1], $0xffff;
	v1 =	vnsel vm1, $0x0, v0  }
0x34: {  	v1 =	vmin.u32 v1, $0xCF84F;
	_ =	sdelay $0x2  }
0x35: {  	s17 =	simm.s32 $0x20;
	s14 =	sor.u32 $0x8080, s14;
	s16 =	sadd.s32 $0x10, s15  }
0x36: {  	s15 =	sadd.s32 $0x10, s14;
	s18 =	smov.u32 s14;
	v0 =	vld.msk [tilespmem:s16+$0x0 ss:$0x1], $0xffff;
	vm1 =	vgt.s32 v2, $0x0;
	(ifvalue) =	ssetifvalue $0x7FFFFFFF  }
.LBB2_3:
0x37: {  	[tilespmem:s18], [sflag:$0x1] =	stream.indirect_vreg.gather [hbm4b:s3+s10], $0x1, v1, vm0, $0x4038;
	[tilespmem:$0x10100] =	vst v63  }
0x38: {  	s17 =	sadd.s32 $0x10, s17  }
0x39: {  	v2 =	vnsel vm1, $0x0, v2;
	p0 =	slt.u32 s17, $0x4030  }
.Ltmp3:
0x3a: {  	s18 =	smov.u32 s15;
	v1 =	vmin.u32 v2, $0xCF84F;
	(pc) =	sbr.rel @p0 .LBB2_3-.Ltmp3, $3  }
0x3b: {  	_ =	sdelay $0x1  }
0x3c: {  	s16 =	sadd.s32 $0x10, s16  }
0x3d: {  	vm1 =	vgt.s32 v0, $0x0;
	s15 =	sadd.s32 $0x10, s15;
	v2 =	vmov v0;
	(ifvalue) =	ssetifvalue $0x7FFFFFFF;
	v0 =	vld.msk [tilespmem:s16+$0x0 ss:$0x1], $0xffff  }
.Ltmp4:
0x3e: {  	_ = 	snop;
	(pc) =	sbr.rel .LBB2_4-.Ltmp4, $1  }
0x3f: {  	_ =	sdelay $0x3  }
.LBB2_6:
0x40: {  	_ =	sfence.sel $0x180000  }
0x41: {  	s2 =	simm.s32 $0x2;
	[bflag:$0x0] =	sbarrier.arrive $0xFFFF  }
0x42: {  	s30 =	simm.s32 $0x3;
	[sflag:s2] =	ssyncpa.u1 $0x1  }
0x43: {  	s31 =	simm.s32 $0x1;
	[sflag:s30] =	ssyncpa.u1 $0x1  }
0x44: {  	[sflag:s31] =	ssyncpa.u1 $0x1  }
0x45: {  	p0 =	sne.s32 s0, $0x0;
	_ =	strace $0x90000050  }
0x46: {  	s0 =	sadd.s32 @!p0 $0x100000, s1;
	[bflag:$0x2] =	sbarrier.arrive $0xFFFF  }
0x47: {  	[sflag:s0] =	ssyncadd.tile.s32 @!p0 $0x1;
	_ =	shalt  }
.Lfunc_end2:
_tile_overlayer_lowered:
.L_overlay_start_2:
0x48: {  	(tag) =	ssettag $0x2  }
0x49: {  	s0 =	rddreg [dreg:$0x0];
	s2 =	stileid.u32  }
0x4a: {  	s1 =	rddreg [dreg:$0x1];
	p0 =	sne.s32 s2, $0x0  }
0x4b: {  	s3 =	rddreg [dreg:$0x2];
	[bflag:$0x3] =	sbarrier.arrive $0xFFFF;
	s2 =	simm.s32 @!p0 $0x1C01  }
0x4c: {  	[timem:s3], [sflag:s2] =	dma.local @!p0 [hbm:s0], s1  }
0x4d: {  	s0 =	simm.s32 @!p0 $0x1  }
0x4e: {  	_ =	swait.ge @!p0 [sflag:s0], s1  }
0x4f: {  	s1 =	ssub.s32 @!p0 $0x0, s1;
	[sflag:s0] =	ssyncset.done @!p0 $0x0  }
0x50: {  	[sflag:s0] =	ssyncadd.s32 @!p0 s1  }
0x51: {  	[bflag:$0x3] =	sbarrier.arrive $0xFFFF  }
0x52: {  	_ =	shalt  }

// kernel: gather_offload_async_start.4
scs
__scs_entry_jumppad:
0x0: {  	(pc) =	sbr.rel $0x88, $3  }
0x1: {  	(tag) =	ssettag $0x0;
	lr =	simm.s32 $0x1  }
0x2: {  	[smem:$0x3F95] =	sst lr;
	_ =	strace $0xD0000000  }
0x3: {  	_ = 	snop  }
0x4: {  	_ = 	snop  }
0x5: {  	_ = 	snop  }
0x6: {  	_ = 	snop  }
0x7: {  	_ = 	snop  }
__scs_overlays_trampoline_lowered:
0x8: {  	[smem:$0x3FA4] =	sst s0  }
0x9: {  	[smem:$0x3FA5] =	sst s1  }
0xa: {  	[smem:$0x3FA6] =	sst s2  }
0xb: {  	[smem:$0x3FA7] =	sst s3  }
0xc: {  	[smem:$0x3FA8] =	sst s4  }
0xd: {  	[smem:$0x3FA9] =	sst s5  }
0xe: {  	[smem:$0x3FAA] =	sst s6  }
0xf: {  	[smem:$0x3FAB] =	sst s7  }
0x10: {  	[smem:$0x3FAC] =	sst s8  }
0x11: {  	[smem:$0x3FAD] =	sst s9;
	s0 =	simm.s32 @!p0 $0x0  }
0x12: {  	s1 =	sld [smem:$0x3F93];
	s0 =	simm.s32 @p0 $0x1  }
0x13: {  	[smem:$0x3FAE] =	sst s0;
	s0 =	simm.s32 @!p1 $0x0  }
0x14: {  	s2 =	sld [smem:$0x3F92];
	s0 =	simm.s32 @p1 $0x1  }
0x15: {  	[smem:$0x3FAF] =	sst s0;
	s0 =	simm.s32 @!p2 $0x0  }
0x16: {  	s3 =	sld [smem:$0x3FDB];
	s0 =	simm.s32 @p2 $0x1  }
0x17: {  	s4 =	simm.s32 $0x1BF5;
	[smem:$0x3FB1] =	sst s0  }
0x18: {  	s0 =	sld [smem:$0x3F94];
	_ =	swait.ge [sflag:s4], $0x0  }
0x19: {  	s7 =	sld [smem:$0x3F95]  }
0x1a: {  	s8 =	sadd.s32 $0xFFFFE003, lr  }
0x1b: {  	s9 =	sadd.s32 $0xFFFFFEF7, lr;
	s5 =	simm.s32 $0xFFFFFFFF;
	p2 =	slt.u32 s8, $0xFFFFF086  }
0x1c: {  	p1 =	slt.u32 s9, $0xF7A;
	s5 =	simm.s32 @!p2 $0x0  }
0x1d: {  	s5 =	simm.s32 @p1 $0x1;
	p0 =	seq.s32 s7, s2  }
0x1e: {  	s7 =	smul.u32 @!p0 $0xF7A, s2;
	p2 =	seq.s32 @!p0 s5, $0x0  }
0x1f: {  	s9 =	smul.u32 $0xF7A, s1;
	s8 =	simm.s32 @!p0 $0x1BF5;
	p2 =	por !p2, p0  }
0x20: {  	[sflag:s8] =	ssyncset.s32 @!p0 $0xFFFFF086;
	s6 =	sadd.s32 @!p0 s3, s7;
	s7 =	simm.s32 @!p0 $0x108  }
0x21: {  	s3 =	sadd.s32 s3, s9;
	s6 =	sadd.s32 @!p0 $0x88, s6;
	s7 =	simm.s32 @p2 $0x1082  }
0x22: {  	[simem:s7], [sflag:s8] =	dma.local @!p0 [hbm:s6], $0xF7A  }
0x23: {  	s9 =	sor.u32 $0xD0000000, s2;
	s6 =	simm.s32 $0x108;
	_ =	swait.ge @!p0 [sflag:s8], $0x0  }
0x24: {  	s3 =	sadd.s32 $0x88, s3;
	s6 =	simm.s32 @!p1 $0x1082;
	[sflag:s4] =	ssyncset.s32 $0xFFFFF086  }
0x25: {  	[simem:s6], [sflag:s4] =	dma.local [hbm:s3], $0xF7A  }
0x26: {  	[smem:$0x3F95] =	sst s1;
	(tag) =	ssettag s2;
	_ =	strace s9  }
0x27: {  	s1 =	sld [smem:$0x3FA5]  }
0x28: {  	s2 =	sld [smem:$0x3FA6]  }
0x29: {  	s4 =	sld [smem:$0x3FA8]  }
0x2a: {  	p0 =	seq.s32 s5, $0x0;
	s5 =	sld [smem:$0x3FA9]  }
0x2b: {  	s6 =	sld [smem:$0x3FAA]  }
0x2c: {  	s7 =	sld [smem:$0x3FAB]  }
0x2d: {  	s3 =	simm.s32 $0x108;
	s8 =	sld [smem:$0x3FAC]  }
0x2e: {  	s3 =	simm.s32 @!p0 $0x1082;
	s9 =	sld [smem:$0x3FAD]  }
0x2f: {  	lr =	sadd.s32 s0, s3;
	s0 =	sld [smem:$0x3FA4]  }
0x30: {  	s3 =	sld [smem:$0x3FA7]  }
0x31: {  	[smem:$0x3FB0] =	sst s10  }
0x32: {  	s10 =	sld [smem:$0x3FAE];
	_ =	sdelay $0x3  }
0x33: {  	p0 =	seq.s32 s10, $0x1;
	s10 =	sld [smem:$0x3FB0];
	_ =	sdelay $0x3  }
0x34: {  	[smem:$0x3FB0] =	sst s10  }
0x35: {  	s10 =	sld [smem:$0x3FAF];
	_ =	sdelay $0x3  }
0x36: {  	p1 =	seq.s32 s10, $0x1;
	s10 =	sld [smem:$0x3FB0];
	_ =	sdelay $0x3  }
0x37: {  	[smem:$0x3FB0] =	sst s10  }
0x38: {  	s10 =	sld [smem:$0x3FB1]  }
0x39: {  	_ = 	snop;
	(pc) =	sbr.ind lr, $3  }
0x3a: {  	_ = 	snop  }
0x3b: {  	_ = 	snop  }
0x3c: {  	p2 =	seq.s32 s10, $0x1;
	s10 =	sld [smem:$0x3FB0]  }
0x3d: {  	_ =	shalt  }
0x3e: {  	_ =	shalt  }
0x3f: {  	_ =	shalt  }
0x40: {  	_ =	shalt  }
0x41: {  	_ =	shalt  }
0x42: {  	_ =	shalt  }
0x43: {  	_ =	shalt  }
0x44: {  	_ =	shalt  }
0x45: {  	_ =	shalt  }
0x46: {  	_ =	shalt  }
0x47: {  	_ =	shalt  }
0x48: {  	_ =	shalt  }
0x49: {  	_ =	shalt  }
0x4a: {  	_ =	shalt  }
0x4b: {  	_ =	shalt  }
0x4c: {  	_ =	shalt  }
0x4d: {  	_ =	shalt  }
0x4e: {  	_ =	shalt  }
0x4f: {  	_ =	shalt  }
0x50: {  	_ =	shalt  }
0x51: {  	_ =	shalt  }
0x52: {  	_ =	shalt  }
0x53: {  	_ =	shalt  }
0x54: {  	_ =	shalt  }
0x55: {  	_ =	shalt  }
0x56: {  	_ =	shalt  }
0x57: {  	_ =	shalt  }
0x58: {  	_ =	shalt  }
0x59: {  	_ =	shalt  }
0x5a: {  	_ =	shalt  }
0x5b: {  	_ =	shalt  }
0x5c: {  	_ =	shalt  }
0x5d: {  	_ =	shalt  }
0x5e: {  	_ =	shalt  }
0x5f: {  	_ =	shalt  }
0x60: {  	_ =	shalt  }
0x61: {  	_ =	shalt  }
0x62: {  	_ =	shalt  }
0x63: {  	_ =	shalt  }
0x64: {  	_ =	shalt  }
0x65: {  	_ =	shalt  }
0x66: {  	_ =	shalt  }
0x67: {  	_ =	shalt  }
0x68: {  	_ =	shalt  }
0x69: {  	_ =	shalt  }
0x6a: {  	_ =	shalt  }
0x6b: {  	_ =	shalt  }
0x6c: {  	_ =	shalt  }
0x6d: {  	_ =	shalt  }
0x6e: {  	_ =	shalt  }
0x6f: {  	_ =	shalt  }
0x70: {  	_ =	shalt  }
0x71: {  	_ =	shalt  }
0x72: {  	_ =	shalt  }
0x73: {  	_ =	shalt  }
0x74: {  	_ =	shalt  }
0x75: {  	_ =	shalt  }
0x76: {  	_ =	shalt  }
0x77: {  	_ =	shalt  }
0x78: {  	_ =	shalt  }
0x79: {  	_ =	shalt  }
0x7a: {  	_ =	shalt  }
0x7b: {  	_ =	shalt  }
0x7c: {  	_ =	shalt  }
0x7d: {  	_ =	shalt  }
0x7e: {  	_ =	shalt  }
0x7f: {  	_ =	shalt  }
0x80: {  	_ =	shalt  }
0x81: {  	_ =	shalt  }
0x82: {  	_ =	shalt  }
0x83: {  	_ =	shalt  }
0x84: {  	_ =	shalt  }
0x85: {  	_ =	shalt  }
0x86: {  	_ =	shalt  }
0x87: {  	_ =	shalt  }
.Lfunc_end0:
.L_simem_size_0:
called_computation.5_lowered:
.L_overlay_start_0:
0x88: {  	s2 =	sld [smem:$0x3FD9]  }
0x89: {  	s3 =	sld [smem:$0x3FFE];
	_ =	sdelay $0x1  }
0x8a: {  	s1 =	srdreg.scid  }
0x8b: {  	s0 =	sand.u32 $0x1, s1  }
0x8c: {  	s16 =	sshll.u32 s0, $0xA;
	s2 =	sadd.s32 s3, s2  }
0x8d: {  	s2 =	sadd.s32 s2, s16  }
0x8e: {  	[smem:$0x3FBC] =	sst s2  }
0x8f: {  	_ = 	snop  }
0x90: {  	(tm) =	ssettm $0x1  }
0x91: {  	s17 =	sld [smem:$0x3FFB];
	_ =	sdelay $0x3  }
0x92: {  	_ =	strace s17  }
0x93: {  	s2 =	sld [smem:$0x3FFC];
	_ =	sdelay $0x3  }
0x94: {  	_ =	strace s2  }
0x95: {  	s2 =	sld [smem:$0x3FFD];
	_ =	sdelay $0x3  }
0x96: {  	_ =	strace s2  }
0x97: {  	_ =	strace $0x8FFFFFFF  }
0x98: {  	s18 =	sld [smem:$0x3FDB];
	_ =	sdelay $0x1  }
0x99: {  	s19 =	simm.s32 $_scs_section_size  }
0x9a: {  	s4 =	simm.s32 $_size__tile_overlayer_lowered;
	s5 =	simm.s32 $_tile_overlayer_lowered  }
0x9b: {  	s22 =	simm.s32 $0x1BFF;
	s21 =	sshll.u32 s5, $0x1;
	s2 =	sadd.s32 s19, s18  }
0x9c: {  	s6 =	simm.s32 $0x0;
	s20 =	sshll.u32 s4, $0x1;
	s4 =	sadd.s32 s21, s2  }
0x9d: {  	[timem:s6], [sflag:s22] =	dma.local [hbm:s4], s20  }
0x9e: {  	_ =	swait.ge [sflag:s22], s20  }
0x9f: {  	s3 =	ssub.s32 $0x0, s20;
	[sflag:s22] =	ssyncset.done $0x0  }
0xa0: {  	[sflag:s22] =	ssyncadd.s32 s3;
	_ =	sdelay $0x1  }
0xa1: {  	s23 =	simm.s32 $0x1B8B  }
0xa2: {  	_ =	swait.ge [sflag:s23], $0x1  }
0xa3: {  	[sflag:s23] =	ssyncset.done $0x0  }
0xa4: {  	s25 =	simm.s32 $0x1B8E;
	s24 =	sld [smem:$0x3FFE];
	[sflag:s23] =	ssyncadd.s32 $0xFFFFFFFF  }
0xa5: {  	s26 =	simm.s32 $execute0_lowered;
	[smem:$0x3FD2] =	sst s25  }
0xa6: {  	s4 =	sshll.u32 s26, $0x1;
	_ =	strace $0x80000058;
	[dreg:$0x1] =	wrdreg $0xFFFFFFFF  }
0xa7: {  	s28 =	simm.s32 $_size_execute0_lowered;
	s2 =	sadd.s32 s2, s4;
	[dreg:$0x0] =	wrdreg $0x0  }
0xa8: {  	s4 =	sshll.u32 s28, $0x1;
	[dreg:$0x2] =	wrdreg s2  }
0xa9: {  	[dreg:$0x3] =	wrdreg s4  }
0xaa: {  	[dreg:$0x4] =	wrdreg $0xC0  }
0xab: {  	_ =	task [dreg:s6], $0x5FFFF  }
0xac: {  	[dreg:$0x1] =	wrdreg $0xFFFFFFFF  }
0xad: {  	[dreg:$0x0] =	wrdreg $0x60  }
0xae: {  	[dreg:$0x2] =	wrdreg s24  }
0xaf: {  	[dreg:$0x3] =	wrdreg $0x9  }
0xb0: {  	_ =	task.clear_ibuf [dreg:s6], $0x4FFFF;
	_ =	strace $0x90000058  }
0xb1: {  	s29 =	simm.s32 $0x9;
	_ =	strace $0x8000005A  }
0xb2: {  	_ =	swait.ge [sflag:s29], $0x1  }
0xb3: {  	[sflag:s29] =	ssyncadd.s32 $0xFFFFFFFF  }
0xb4: {  	_ =	strace $0x9000005A  }
0xb5: {  	_ =	sfence  }
0xb6: {  	s30 =	sld [smem:$0x0];
	_ =	sdelay $0x2  }
0xb7: {  	s31 =	sshll.u32 s1, $0xD;
	s1 =	sshrl.u32 s1, $0x2  }
0xb8: {  	s3 =	sand.u32 $0x4000, s31;
	s1 =	sadd.s32 s1, s30  }
0xb9: {  	s0 =	sor.u32 s3, s0;
	s1 =	sshll.u32 s1, $0x11  }
0xba: {  	s0 =	sor.u32 s1, s0  }
0xbb: {  	s0 =	sadd.s32 $0x8F2B, s0  }
0xbc: {  	[sflag:s0] =	ssyncadd.remote.s32 $0x1  }
0xbd: {  	_ =	sfence.sel $0xFFFF  }
0xbe: {  	[dreg:$0x0] =	wrdreg $0xFFFFFFFF;
	(pc) =	sbr.abs _section_cstart, $3  }
0xbf: {  	[dreg:$0x1] =	wrdreg $0xFFFFFFFF  }
0xc0: {  	_ =	task.clear_ibuf [dreg:s6], $0x2FFFF;
	_ =	strace $0x9FFFFFFF  }
0xc1: {  	(tm) =	ssettm $0x7FFFFFFF  }
tec
execute0_lowered:
.L_overlay_start_1:
0x0: {  	(tag) =	ssettag $0x1  }
0x1: {  	s0 =	stileid.u32;
	s1 =	srdreg.scid  }
0x2: {  	s1 =	sand.u32 $0x1, s1;
	s2 =	sshll.u32 s0, $0x1  }
0x3: {  	s1 =	sor.u32 s2, s1  }
0x4: {  	s2 =	smul.u32 $0x4040, s1;
	_ =	sdelay $0x1  }
0x5: {  	s6 =	ssub.s32 $0x101000, s2  }
0x6: {  	s31 =	smulhi.u32 $0xFF01, s6  }
0x7: {  	s8 =	rddreg [dreg:$0x0];
	s5 =	simm.s32 $0x1;
	s10 =	simm.s32 $0x3  }
0x8: {  	s13 =	simm.s32 $0x0;
	s12 =	simm.s32 $0x0;
	s7 =	sshrl.u32 s31, $0x3  }
0x9: {  	s3 =	sadd.s32 $0x200, s8;
	s4 =	sadd.s32 $0xE7600, s8;
	s9 =	smul.u32 $0x80800, s7  }
.Ltmp0:
0xa: {  	s8 =	sadd.s32 $0x43200, s8;
	s1 =	rddreg [dreg:$0x1];
	(pc) =	sbr.rel .LBB2_1-.Ltmp0, $4  }
0xb: {  	_ =	strace $0x80000059;
	p0 =	sne.s32 s6, s9;
	s9 =	simm.s32 $0x1  }
0xc: {  	[sflag:s5] =	ssyncpa.u1 $0x0;
	s6 =	simm.s32 $0x2;
	s9 =	simm.s32 @!p0 $0x0  }
0xd: {  	s11 =	smov.u32 s2;
	[sflag:s6] =	ssyncpa.u1 $0x0;
	s7 =	sadd.s32 s9, s7  }
0xe: {  	vm0 =	vmmov $0xffff;
	[sflag:s10] =	ssyncpa.u1 $0x0;
	s10 =	simm.s32 $0x0;
	s9 =	sadd.s32 $0x1, s7  }
.LBB2_4:
0xf: {  	v2 =	vnsel vm1, $0x0, v2  }
0x10: {  	vm1 =	vgt.s32 v0, $0x0;
	v2 =	vmin.u32 v2, $0xCF84F  }
0x11: {  	v0 =	vnsel vm1, $0x0, v0  }
0x12: {  	v0 =	vmin.u32 v0, $0xCF84F  }
0x13: {  	[tilespmem:s18], [sflag:$0x1] =	stream.indirect_vreg.gather [hbm4b:s3+s10], $0x1, v1, vm0, $0x4038;
	[tilespmem:$0x10100] =	vst v63  }
0x14: {  	(ifvalue) =	ssetifvalue $0x7FFFFFFF  }
0x15: {  	[tilespmem:s15], [sflag:$0x1] =	stream.indirect_vreg.gather [hbm4b:s3+s10], $0x1, v2, vm0, $0x4038;
	[tilespmem:$0x10100] =	vst v63  }
0x16: {  	s29 =	sadd.s32 $0x10, s15;
	(ifvalue) =	ssetifvalue $0x7FFFFFFF  }
0x17: {  	[tilespmem:s29], [sflag:$0x1] =	stream.indirect_vreg.gather [hbm4b:s3+s10], $0x1, v0, vm0, $0x4038;
	[tilespmem:$0x10100] =	vst v63  }
0x18: {  	_ =	swait.ge [sflag:s5], $0x4040  }
0x19: {  	s30 =	sshrl.u32 s13, $0x3;
	[sflag:s5] =	ssyncset.done $0x0  }
0x1a: {  	s31 =	sand.u32 $0x7, s13;
	s15 =	sadd.s32 s8, s30;
	[sflag:s5] =	ssyncadd.s32 $0xFFFFBFC0  }
0x1b: {  	[hbm4b:s15+s31] =	stream.linear.scatter [tilespmem:s14], [sflag:$0x3], $0x4040, $0x38;
	[tilespmem:$0x10100] =	vst v63  }
.LBB2_5:
0x1c: {  	s15 =	sadd.s32 $0x80800, s11  }
0x1d: {  	p1 =	sgt.s32 s15, $0x100FFF  }
0x1e: {  	s15 =	smov.u32 @p1 s2;
	p1 =	sne.s32 s12, s9  }
.Ltmp1:
0x1f: {  	p0 =	slt.u32 s12, $0x2;
	(pc) =	sbr.rel @!p1 .LBB2_6-.Ltmp1, $4  }
0x20: {  	s14 =	simm.s32 @!p0 $0x3  }
0x21: {  	_ =	swait.ge @!p0 [sflag:s14], $0x4040  }
0x22: {  	s16 =	sadd.s32 $0x1, s12;
	s13 =	smov.u32 s11;
	[sflag:s14] =	ssyncset.done @!p0 $0x0  }
0x23: {  	s12 =	smov.u32 s16;
	s11 =	smov.u32 s15;
	[sflag:s14] =	ssyncadd.s32 @!p0 $0xFFFFBFC0  }
.LBB2_1:
0x24: {  	p0 =	sge.u32 s12, s7  }
0x25: {  	s14 =	sxor.u32 @!p0 $0xFFFFFFFF, s12  }
0x26: {  	s14 =	sand.u32 @!p0 $0x1, s14  }
0x27: {  	s14 =	smul.u32 @!p0 $0x10100, s14  }
0x28: {  	s31 =	sadd.s32 $0xFFFFFFFF, s12;
	s15 =	sshrl.u32 @!p0 s11, $0x3  }
0x29: {  	s16 =	sand.u32 @!p0 $0x7, s11;
	s15 =	sadd.s32 @!p0 s4, s15;
	s14 =	sshrl.u32 @!p0 s14, $0x2  }
0x2a: {  	[tilespmem:s14], [sflag:$0x2] =	stream.linear.gather @!p0 [hbm4b:s15+s16], $0x4040, $0x38;
	[tilespmem:$0x10100] =	vst v63  }
0x2b: {  	p0 =	sge.u32 s31, s7  }
.Ltmp2:
0x2c: {  	_ = 	snop;
	(pc) =	sbr.rel @p0 .LBB2_5-.Ltmp2, $1  }
0x2d: {  	_ =	sdelay $0x3  }
0x2e: {  	s14 =	sand.u32 $0x1, s12  }
0x2f: {  	_ =	swait.ge [sflag:s6], $0x4040;
	p0 =	seq.s32 s14, $0x1;
	s14 =	simm.s32 $0x4040  }
0x30: {  	[sflag:s6] =	ssyncset.done $0x0;
	s14 =	simm.s32 @!p0 $0x0  }
0x31: {  	[sflag:s6] =	ssyncadd.s32 $0xFFFFBFC0;
	(ifvalue) =	ssetifvalue $0x7FFFFFFF;
	v0 =	vld.msk [tilespmem:s14+$0x0 ss:$0x1], $0xffff;
	_ =	sdelay $0x4  }
0x32: {  	s15 =	sadd.s32 $0x10, s14;
	vm1 =	vgt.s32 v0, $0x0  }
0x33: {  	v2 =	vld.msk [tilespmem:s15+$0x0 ss:$0x1], $0xffff;
	v1 =	vnsel vm1, $0x0, v0  }
0x34: {  	v1 =	vmin.u32 v1, $0xCF84F;
	_ =	sdelay $0x2  }
0x35: {  	s17 =	simm.s32 $0x20;
	s14 =	sor.u32 $0x8080, s14;
	s16 =	sadd.s32 $0x10, s15  }
0x36: {  	s15 =	sadd.s32 $0x10, s14;
	s18 =	smov.u32 s14;
	v0 =	vld.msk [tilespmem:s16+$0x0 ss:$0x1], $0xffff;
	vm1 =	vgt.s32 v2, $0x0;
	(ifvalue) =	ssetifvalue $0x7FFFFFFF  }
.LBB2_3:
0x37: {  	[tilespmem:s18], [sflag:$0x1] =	stream.indirect_vreg.gather [hbm4b:s3+s10], $0x1, v1, vm0, $0x4038;
	[tilespmem:$0x10100] =	vst v63  }
0x38: {  	s17 =	sadd.s32 $0x10, s17  }
0x39: {  	v2 =	vnsel vm1, $0x0, v2;
	p0 =	slt.u32 s17, $0x4030  }
.Ltmp3:
0x3a: {  	s18 =	smov.u32 s15;
	v1 =	vmin.u32 v2, $0xCF84F;
	(pc) =	sbr.rel @p0 .LBB2_3-.Ltmp3, $3  }
0x3b: {  	_ =	sdelay $0x1  }
0x3c: {  	s16 =	sadd.s32 $0x10, s16  }
0x3d: {  	vm1 =	vgt.s32 v0, $0x0;
	s15 =	sadd.s32 $0x10, s15;
	v2 =	vmov v0;
	(ifvalue) =	ssetifvalue $0x7FFFFFFF;
	v0 =	vld.msk [tilespmem:s16+$0x0 ss:$0x1], $0xffff  }
.Ltmp4:
0x3e: {  	_ = 	snop;
	(pc) =	sbr.rel .LBB2_4-.Ltmp4, $1  }
0x3f: {  	_ =	sdelay $0x3  }
.LBB2_6:
0x40: {  	_ =	sfence.sel $0x180000  }
0x41: {  	s2 =	simm.s32 $0x2;
	[bflag:$0x0] =	sbarrier.arrive $0xFFFF  }
0x42: {  	s30 =	simm.s32 $0x3;
	[sflag:s2] =	ssyncpa.u1 $0x1  }
0x43: {  	s31 =	simm.s32 $0x1;
	[sflag:s30] =	ssyncpa.u1 $0x1  }
0x44: {  	[sflag:s31] =	ssyncpa.u1 $0x1  }
0x45: {  	p0 =	sne.s32 s0, $0x0;
	_ =	strace $0x90000059  }
0x46: {  	s0 =	sadd.s32 @!p0 $0x100000, s1;
	[bflag:$0x2] =	sbarrier.arrive $0xFFFF  }
0x47: {  	[sflag:s0] =	ssyncadd.tile.s32 @!p0 $0x1;
	_ =	shalt  }
.Lfunc_end2:
_tile_overlayer_lowered:
.L_overlay_start_2:
0x48: {  	(tag) =	ssettag $0x2  }
0x49: {  	s0 =	rddreg [dreg:$0x0];
	s2 =	stileid.u32  }
0x4a: {  	s1 =	rddreg [dreg:$0x1];
	p0 =	sne.s32 s2, $0x0  }
0x4b: {  	s3 =	rddreg [dreg:$0x2];
	[bflag:$0x3] =	sbarrier.arrive $0xFFFF;
	s2 =	simm.s32 @!p0 $0x1C01  }
0x4c: {  	[timem:s3], [sflag:s2] =	dma.local @!p0 [hbm:s0], s1  }
0x4d: {  	s0 =	simm.s32 @!p0 $0x1  }
0x4e: {  	_ =	swait.ge @!p0 [sflag:s0], s1  }
0x4f: {  	s1 =	ssub.s32 @!p0 $0x0, s1;
	[sflag:s0] =	ssyncset.done @!p0 $0x0  }
0x50: {  	[sflag:s0] =	ssyncadd.s32 @!p0 s1  }
0x51: {  	[bflag:$0x3] =	sbarrier.arrive $0xFFFF  }
0x52: {  	_ =	shalt  }

// kernel: gather_offload_async_start.5
scs
__scs_entry_jumppad:
0x0: {  	(pc) =	sbr.rel $0x88, $3  }
0x1: {  	(tag) =	ssettag $0x0;
	lr =	simm.s32 $0x1  }
0x2: {  	[smem:$0x3F95] =	sst lr;
	_ =	strace $0xD0000000  }
0x3: {  	_ = 	snop  }
0x4: {  	_ = 	snop  }
0x5: {  	_ = 	snop  }
0x6: {  	_ = 	snop  }
0x7: {  	_ = 	snop  }
__scs_overlays_trampoline_lowered:
0x8: {  	[smem:$0x3FA4] =	sst s0  }
0x9: {  	[smem:$0x3FA5] =	sst s1  }
0xa: {  	[smem:$0x3FA6] =	sst s2  }
0xb: {  	[smem:$0x3FA7] =	sst s3  }
0xc: {  	[smem:$0x3FA8] =	sst s4  }
0xd: {  	[smem:$0x3FA9] =	sst s5  }
0xe: {  	[smem:$0x3FAA] =	sst s6  }
0xf: {  	[smem:$0x3FAB] =	sst s7  }
0x10: {  	[smem:$0x3FAC] =	sst s8  }
0x11: {  	[smem:$0x3FAD] =	sst s9;
	s0 =	simm.s32 @!p0 $0x0  }
0x12: {  	s1 =	sld [smem:$0x3F93];
	s0 =	simm.s32 @p0 $0x1  }
0x13: {  	[smem:$0x3FAE] =	sst s0;
	s0 =	simm.s32 @!p1 $0x0  }
0x14: {  	s2 =	sld [smem:$0x3F92];
	s0 =	simm.s32 @p1 $0x1  }
0x15: {  	[smem:$0x3FAF] =	sst s0;
	s0 =	simm.s32 @!p2 $0x0  }
0x16: {  	s3 =	sld [smem:$0x3FDB];
	s0 =	simm.s32 @p2 $0x1  }
0x17: {  	s4 =	simm.s32 $0x1BF5;
	[smem:$0x3FB1] =	sst s0  }
0x18: {  	s0 =	sld [smem:$0x3F94];
	_ =	swait.ge [sflag:s4], $0x0  }
0x19: {  	s7 =	sld [smem:$0x3F95]  }
0x1a: {  	s8 =	sadd.s32 $0xFFFFE003, lr  }
0x1b: {  	s9 =	sadd.s32 $0xFFFFFEF7, lr;
	s5 =	simm.s32 $0xFFFFFFFF;
	p2 =	slt.u32 s8, $0xFFFFF086  }
0x1c: {  	p1 =	slt.u32 s9, $0xF7A;
	s5 =	simm.s32 @!p2 $0x0  }
0x1d: {  	s5 =	simm.s32 @p1 $0x1;
	p0 =	seq.s32 s7, s2  }
0x1e: {  	s7 =	smul.u32 @!p0 $0xF7A, s2;
	p2 =	seq.s32 @!p0 s5, $0x0  }
0x1f: {  	s9 =	smul.u32 $0xF7A, s1;
	s8 =	simm.s32 @!p0 $0x1BF5;
	p2 =	por !p2, p0  }
0x20: {  	[sflag:s8] =	ssyncset.s32 @!p0 $0xFFFFF086;
	s6 =	sadd.s32 @!p0 s3, s7;
	s7 =	simm.s32 @!p0 $0x108  }
0x21: {  	s3 =	sadd.s32 s3, s9;
	s6 =	sadd.s32 @!p0 $0x88, s6;
	s7 =	simm.s32 @p2 $0x1082  }
0x22: {  	[simem:s7], [sflag:s8] =	dma.local @!p0 [hbm:s6], $0xF7A  }
0x23: {  	s9 =	sor.u32 $0xD0000000, s2;
	s6 =	simm.s32 $0x108;
	_ =	swait.ge @!p0 [sflag:s8], $0x0  }
0x24: {  	s3 =	sadd.s32 $0x88, s3;
	s6 =	simm.s32 @!p1 $0x1082;
	[sflag:s4] =	ssyncset.s32 $0xFFFFF086  }
0x25: {  	[simem:s6], [sflag:s4] =	dma.local [hbm:s3], $0xF7A  }
0x26: {  	[smem:$0x3F95] =	sst s1;
	(tag) =	ssettag s2;
	_ =	strace s9  }
0x27: {  	s1 =	sld [smem:$0x3FA5]  }
0x28: {  	s2 =	sld [smem:$0x3FA6]  }
0x29: {  	s4 =	sld [smem:$0x3FA8]  }
0x2a: {  	p0 =	seq.s32 s5, $0x0;
	s5 =	sld [smem:$0x3FA9]  }
0x2b: {  	s6 =	sld [smem:$0x3FAA]  }
0x2c: {  	s7 =	sld [smem:$0x3FAB]  }
0x2d: {  	s3 =	simm.s32 $0x108;
	s8 =	sld [smem:$0x3FAC]  }
0x2e: {  	s3 =	simm.s32 @!p0 $0x1082;
	s9 =	sld [smem:$0x3FAD]  }
0x2f: {  	lr =	sadd.s32 s0, s3;
	s0 =	sld [smem:$0x3FA4]  }
0x30: {  	s3 =	sld [smem:$0x3FA7]  }
0x31: {  	[smem:$0x3FB0] =	sst s10  }
0x32: {  	s10 =	sld [smem:$0x3FAE];
	_ =	sdelay $0x3  }
0x33: {  	p0 =	seq.s32 s10, $0x1;
	s10 =	sld [smem:$0x3FB0];
	_ =	sdelay $0x3  }
0x34: {  	[smem:$0x3FB0] =	sst s10  }
0x35: {  	s10 =	sld [smem:$0x3FAF];
	_ =	sdelay $0x3  }
0x36: {  	p1 =	seq.s32 s10, $0x1;
	s10 =	sld [smem:$0x3FB0];
	_ =	sdelay $0x3  }
0x37: {  	[smem:$0x3FB0] =	sst s10  }
0x38: {  	s10 =	sld [smem:$0x3FB1]  }
0x39: {  	_ = 	snop;
	(pc) =	sbr.ind lr, $3  }
0x3a: {  	_ = 	snop  }
0x3b: {  	_ = 	snop  }
0x3c: {  	p2 =	seq.s32 s10, $0x1;
	s10 =	sld [smem:$0x3FB0]  }
0x3d: {  	_ =	shalt  }
0x3e: {  	_ =	shalt  }
0x3f: {  	_ =	shalt  }
0x40: {  	_ =	shalt  }
0x41: {  	_ =	shalt  }
0x42: {  	_ =	shalt  }
0x43: {  	_ =	shalt  }
0x44: {  	_ =	shalt  }
0x45: {  	_ =	shalt  }
0x46: {  	_ =	shalt  }
0x47: {  	_ =	shalt  }
0x48: {  	_ =	shalt  }
0x49: {  	_ =	shalt  }
0x4a: {  	_ =	shalt  }
0x4b: {  	_ =	shalt  }
0x4c: {  	_ =	shalt  }
0x4d: {  	_ =	shalt  }
0x4e: {  	_ =	shalt  }
0x4f: {  	_ =	shalt  }
0x50: {  	_ =	shalt  }
0x51: {  	_ =	shalt  }
0x52: {  	_ =	shalt  }
0x53: {  	_ =	shalt  }
0x54: {  	_ =	shalt  }
0x55: {  	_ =	shalt  }
0x56: {  	_ =	shalt  }
0x57: {  	_ =	shalt  }
0x58: {  	_ =	shalt  }
0x59: {  	_ =	shalt  }
0x5a: {  	_ =	shalt  }
0x5b: {  	_ =	shalt  }
0x5c: {  	_ =	shalt  }
0x5d: {  	_ =	shalt  }
0x5e: {  	_ =	shalt  }
0x5f: {  	_ =	shalt  }
0x60: {  	_ =	shalt  }
0x61: {  	_ =	shalt  }
0x62: {  	_ =	shalt  }
0x63: {  	_ =	shalt  }
0x64: {  	_ =	shalt  }
0x65: {  	_ =	shalt  }
0x66: {  	_ =	shalt  }
0x67: {  	_ =	shalt  }
0x68: {  	_ =	shalt  }
0x69: {  	_ =	shalt  }
0x6a: {  	_ =	shalt  }
0x6b: {  	_ =	shalt  }
0x6c: {  	_ =	shalt  }
0x6d: {  	_ =	shalt  }
0x6e: {  	_ =	shalt  }
0x6f: {  	_ =	shalt  }
0x70: {  	_ =	shalt  }
0x71: {  	_ =	shalt  }
0x72: {  	_ =	shalt  }
0x73: {  	_ =	shalt  }
0x74: {  	_ =	shalt  }
0x75: {  	_ =	shalt  }
0x76: {  	_ =	shalt  }
0x77: {  	_ =	shalt  }
0x78: {  	_ =	shalt  }
0x79: {  	_ =	shalt  }
0x7a: {  	_ =	shalt  }
0x7b: {  	_ =	shalt  }
0x7c: {  	_ =	shalt  }
0x7d: {  	_ =	shalt  }
0x7e: {  	_ =	shalt  }
0x7f: {  	_ =	shalt  }
0x80: {  	_ =	shalt  }
0x81: {  	_ =	shalt  }
0x82: {  	_ =	shalt  }
0x83: {  	_ =	shalt  }
0x84: {  	_ =	shalt  }
0x85: {  	_ =	shalt  }
0x86: {  	_ =	shalt  }
0x87: {  	_ =	shalt  }
.Lfunc_end0:
.L_simem_size_0:
called_computation.6_lowered:
.L_overlay_start_0:
0x88: {  	s2 =	sld [smem:$0x3FD9]  }
0x89: {  	s3 =	sld [smem:$0x3FFE];
	_ =	sdelay $0x1  }
0x8a: {  	s1 =	srdreg.scid  }
0x8b: {  	s0 =	sand.u32 $0x1, s1  }
0x8c: {  	s16 =	sshll.u32 s0, $0xA;
	s2 =	sadd.s32 s3, s2  }
0x8d: {  	s2 =	sadd.s32 s2, s16  }
0x8e: {  	[smem:$0x3FBC] =	sst s2  }
0x8f: {  	_ = 	snop  }
0x90: {  	(tm) =	ssettm $0x1  }
0x91: {  	s17 =	sld [smem:$0x3FFB];
	_ =	sdelay $0x3  }
0x92: {  	_ =	strace s17  }
0x93: {  	s2 =	sld [smem:$0x3FFC];
	_ =	sdelay $0x3  }
0x94: {  	_ =	strace s2  }
0x95: {  	s2 =	sld [smem:$0x3FFD];
	_ =	sdelay $0x3  }
0x96: {  	_ =	strace s2  }
0x97: {  	_ =	strace $0x8FFFFFFF  }
0x98: {  	s18 =	sld [smem:$0x3FDB];
	_ =	sdelay $0x1  }
0x99: {  	s19 =	simm.s32 $_scs_section_size  }
0x9a: {  	s4 =	simm.s32 $_size__tile_overlayer_lowered;
	s5 =	simm.s32 $_tile_overlayer_lowered  }
0x9b: {  	s22 =	simm.s32 $0x1BFF;
	s21 =	sshll.u32 s5, $0x1;
	s2 =	sadd.s32 s19, s18  }
0x9c: {  	s6 =	simm.s32 $0x0;
	s20 =	sshll.u32 s4, $0x1;
	s4 =	sadd.s32 s21, s2  }
0x9d: {  	[timem:s6], [sflag:s22] =	dma.local [hbm:s4], s20  }
0x9e: {  	_ =	swait.ge [sflag:s22], s20  }
0x9f: {  	s3 =	ssub.s32 $0x0, s20;
	[sflag:s22] =	ssyncset.done $0x0  }
0xa0: {  	[sflag:s22] =	ssyncadd.s32 s3;
	_ =	sdelay $0x1  }
0xa1: {  	s23 =	simm.s32 $0x1B8B  }
0xa2: {  	_ =	swait.ge [sflag:s23], $0x1  }
0xa3: {  	[sflag:s23] =	ssyncset.done $0x0  }
0xa4: {  	s25 =	simm.s32 $0x1B8E;
	s24 =	sld [smem:$0x3FFE];
	[sflag:s23] =	ssyncadd.s32 $0xFFFFFFFF  }
0xa5: {  	s26 =	simm.s32 $execute0_lowered;
	[smem:$0x3FD2] =	sst s25  }
0xa6: {  	s4 =	sshll.u32 s26, $0x1;
	_ =	strace $0x80000052;
	[dreg:$0x1] =	wrdreg $0xFFFFFFFF  }
0xa7: {  	s28 =	simm.s32 $_size_execute0_lowered;
	s2 =	sadd.s32 s2, s4;
	[dreg:$0x0] =	wrdreg $0x0  }
0xa8: {  	s4 =	sshll.u32 s28, $0x1;
	[dreg:$0x2] =	wrdreg s2  }
0xa9: {  	[dreg:$0x3] =	wrdreg s4  }
0xaa: {  	[dreg:$0x4] =	wrdreg $0xC0  }
0xab: {  	_ =	task [dreg:s6], $0x5FFFF  }
0xac: {  	[dreg:$0x1] =	wrdreg $0xFFFFFFFF  }
0xad: {  	[dreg:$0x0] =	wrdreg $0x60  }
0xae: {  	[dreg:$0x2] =	wrdreg s24  }
0xaf: {  	[dreg:$0x3] =	wrdreg $0xA  }
0xb0: {  	_ =	task.clear_ibuf [dreg:s6], $0x4FFFF;
	_ =	strace $0x90000052  }
0xb1: {  	s29 =	simm.s32 $0xA;
	_ =	strace $0x80000054  }
0xb2: {  	_ =	swait.ge [sflag:s29], $0x1  }
0xb3: {  	[sflag:s29] =	ssyncadd.s32 $0xFFFFFFFF  }
0xb4: {  	_ =	strace $0x90000054  }
0xb5: {  	_ =	sfence  }
0xb6: {  	s30 =	sld [smem:$0x0];
	_ =	sdelay $0x2  }
0xb7: {  	s31 =	sshll.u32 s1, $0xD;
	s1 =	sshrl.u32 s1, $0x2  }
0xb8: {  	s3 =	sand.u32 $0x4000, s31;
	s1 =	sadd.s32 s1, s30  }
0xb9: {  	s0 =	sor.u32 s3, s0;
	s1 =	sshll.u32 s1, $0x11  }
0xba: {  	s0 =	sor.u32 s1, s0  }
0xbb: {  	s0 =	sadd.s32 $0x8F2B, s0  }
0xbc: {  	[sflag:s0] =	ssyncadd.remote.s32 $0x1  }
0xbd: {  	_ =	sfence.sel $0xFFFF  }
0xbe: {  	[dreg:$0x0] =	wrdreg $0xFFFFFFFF;
	(pc) =	sbr.abs _section_cstart, $3  }
0xbf: {  	[dreg:$0x1] =	wrdreg $0xFFFFFFFF  }
0xc0: {  	_ =	task.clear_ibuf [dreg:s6], $0x2FFFF;
	_ =	strace $0x9FFFFFFF  }
0xc1: {  	(tm) =	ssettm $0x7FFFFFFF  }
tec
execute0_lowered:
.L_overlay_start_1:
0x0: {  	(tag) =	ssettag $0x1  }
0x1: {  	s0 =	stileid.u32;
	s1 =	srdreg.scid  }
0x2: {  	s1 =	sand.u32 $0x1, s1;
	s2 =	sshll.u32 s0, $0x1  }
0x3: {  	s1 =	sor.u32 s2, s1  }
0x4: {  	s2 =	smul.u32 $0x4040, s1;
	_ =	sdelay $0x1  }
0x5: {  	s6 =	ssub.s32 $0x101000, s2  }
0x6: {  	s31 =	smulhi.u32 $0xFF01, s6  }
0x7: {  	s8 =	rddreg [dreg:$0x0];
	s5 =	simm.s32 $0x1;
	s10 =	simm.s32 $0x3  }
0x8: {  	s13 =	simm.s32 $0x0;
	s12 =	simm.s32 $0x0;
	s7 =	sshrl.u32 s31, $0x3  }
0x9: {  	s3 =	sadd.s32 $0xCD600, s8;
	s4 =	sadd.s32 $0xE7600, s8;
	s9 =	smul.u32 $0x80800, s7  }
.Ltmp0:
0xa: {  	s8 =	sadd.s32 $0x7F600, s8;
	s1 =	rddreg [dreg:$0x1];
	(pc) =	sbr.rel .LBB2_1-.Ltmp0, $4  }
0xb: {  	_ =	strace $0x80000053;
	p0 =	sne.s32 s6, s9;
	s9 =	simm.s32 $0x1  }
0xc: {  	[sflag:s5] =	ssyncpa.u1 $0x0;
	s6 =	simm.s32 $0x2;
	s9 =	simm.s32 @!p0 $0x0  }
0xd: {  	s11 =	smov.u32 s2;
	[sflag:s6] =	ssyncpa.u1 $0x0;
	s7 =	sadd.s32 s9, s7  }
0xe: {  	vm0 =	vmmov $0xffff;
	[sflag:s10] =	ssyncpa.u1 $0x0;
	s10 =	simm.s32 $0x0;
	s9 =	sadd.s32 $0x1, s7  }
.LBB2_4:
0xf: {  	v2 =	vnsel vm1, $0x0, v2  }
0x10: {  	vm1 =	vgt.s32 v0, $0x0;
	v2 =	vmin.u32 v2, $0xCF84F  }
0x11: {  	v0 =	vnsel vm1, $0x0, v0  }
0x12: {  	v0 =	vmin.u32 v0, $0xCF84F  }
0x13: {  	[tilespmem:s18], [sflag:$0x1] =	stream.indirect_vreg.gather [hbm4b:s3+s10], $0x1, v1, vm0, $0x4038;
	[tilespmem:$0x10100] =	vst v63  }
0x14: {  	(ifvalue) =	ssetifvalue $0x7FFFFFFF  }
0x15: {  	[tilespmem:s15], [sflag:$0x1] =	stream.indirect_vreg.gather [hbm4b:s3+s10], $0x1, v2, vm0, $0x4038;
	[tilespmem:$0x10100] =	vst v63  }
0x16: {  	s29 =	sadd.s32 $0x10, s15;
	(ifvalue) =	ssetifvalue $0x7FFFFFFF  }
0x17: {  	[tilespmem:s29], [sflag:$0x1] =	stream.indirect_vreg.gather [hbm4b:s3+s10], $0x1, v0, vm0, $0x4038;
	[tilespmem:$0x10100] =	vst v63  }
0x18: {  	_ =	swait.ge [sflag:s5], $0x4040  }
0x19: {  	s30 =	sshrl.u32 s13, $0x3;
	[sflag:s5] =	ssyncset.done $0x0  }
0x1a: {  	s31 =	sand.u32 $0x7, s13;
	s15 =	sadd.s32 s8, s30;
	[sflag:s5] =	ssyncadd.s32 $0xFFFFBFC0  }
0x1b: {  	[hbm4b:s15+s31] =	stream.linear.scatter [tilespmem:s14], [sflag:$0x3], $0x4040, $0x38;
	[tilespmem:$0x10100] =	vst v63  }
.LBB2_5:
0x1c: {  	s15 =	sadd.s32 $0x80800, s11  }
0x1d: {  	p1 =	sgt.s32 s15, $0x100FFF  }
0x1e: {  	s15 =	smov.u32 @p1 s2;
	p1 =	sne.s32 s12, s9  }
.Ltmp1:
0x1f: {  	p0 =	slt.u32 s12, $0x2;
	(pc) =	sbr.rel @!p1 .LBB2_6-.Ltmp1, $4  }
0x20: {  	s14 =	simm.s32 @!p0 $0x3  }
0x21: {  	_ =	swait.ge @!p0 [sflag:s14], $0x4040  }
0x22: {  	s16 =	sadd.s32 $0x1, s12;
	s13 =	smov.u32 s11;
	[sflag:s14] =	ssyncset.done @!p0 $0x0  }
0x23: {  	s12 =	smov.u32 s16;
	s11 =	smov.u32 s15;
	[sflag:s14] =	ssyncadd.s32 @!p0 $0xFFFFBFC0  }
.LBB2_1:
0x24: {  	p0 =	sge.u32 s12, s7  }
0x25: {  	s14 =	sxor.u32 @!p0 $0xFFFFFFFF, s12  }
0x26: {  	s14 =	sand.u32 @!p0 $0x1, s14  }
0x27: {  	s14 =	smul.u32 @!p0 $0x10100, s14  }
0x28: {  	s31 =	sadd.s32 $0xFFFFFFFF, s12;
	s15 =	sshrl.u32 @!p0 s11, $0x3  }
0x29: {  	s16 =	sand.u32 @!p0 $0x7, s11;
	s15 =	sadd.s32 @!p0 s4, s15;
	s14 =	sshrl.u32 @!p0 s14, $0x2  }
0x2a: {  	[tilespmem:s14], [sflag:$0x2] =	stream.linear.gather @!p0 [hbm4b:s15+s16], $0x4040, $0x38;
	[tilespmem:$0x10100] =	vst v63  }
0x2b: {  	p0 =	sge.u32 s31, s7  }
.Ltmp2:
0x2c: {  	_ = 	snop;
	(pc) =	sbr.rel @p0 .LBB2_5-.Ltmp2, $1  }
0x2d: {  	_ =	sdelay $0x3  }
0x2e: {  	s14 =	sand.u32 $0x1, s12  }
0x2f: {  	_ =	swait.ge [sflag:s6], $0x4040;
	p0 =	seq.s32 s14, $0x1;
	s14 =	simm.s32 $0x4040  }
0x30: {  	[sflag:s6] =	ssyncset.done $0x0;
	s14 =	simm.s32 @!p0 $0x0  }
0x31: {  	[sflag:s6] =	ssyncadd.s32 $0xFFFFBFC0;
	(ifvalue) =	ssetifvalue $0x7FFFFFFF;
	v0 =	vld.msk [tilespmem:s14+$0x0 ss:$0x1], $0xffff;
	_ =	sdelay $0x4  }
0x32: {  	s15 =	sadd.s32 $0x10, s14;
	vm1 =	vgt.s32 v0, $0x0  }
0x33: {  	v2 =	vld.msk [tilespmem:s15+$0x0 ss:$0x1], $0xffff;
	v1 =	vnsel vm1, $0x0, v0  }
0x34: {  	v1 =	vmin.u32 v1, $0xCF84F;
	_ =	sdelay $0x2  }
0x35: {  	s17 =	simm.s32 $0x20;
	s14 =	sor.u32 $0x8080, s14;
	s16 =	sadd.s32 $0x10, s15  }
0x36: {  	s15 =	sadd.s32 $0x10, s14;
	s18 =	smov.u32 s14;
	v0 =	vld.msk [tilespmem:s16+$0x0 ss:$0x1], $0xffff;
	vm1 =	vgt.s32 v2, $0x0;
	(ifvalue) =	ssetifvalue $0x7FFFFFFF  }
.LBB2_3:
0x37: {  	[tilespmem:s18], [sflag:$0x1] =	stream.indirect_vreg.gather [hbm4b:s3+s10], $0x1, v1, vm0, $0x4038;
	[tilespmem:$0x10100] =	vst v63  }
0x38: {  	s17 =	sadd.s32 $0x10, s17  }
0x39: {  	v2 =	vnsel vm1, $0x0, v2;
	p0 =	slt.u32 s17, $0x4030  }
.Ltmp3:
0x3a: {  	s18 =	smov.u32 s15;
	v1 =	vmin.u32 v2, $0xCF84F;
	(pc) =	sbr.rel @p0 .LBB2_3-.Ltmp3, $3  }
0x3b: {  	_ =	sdelay $0x1  }
0x3c: {  	s16 =	sadd.s32 $0x10, s16  }
0x3d: {  	vm1 =	vgt.s32 v0, $0x0;
	s15 =	sadd.s32 $0x10, s15;
	v2 =	vmov v0;
	(ifvalue) =	ssetifvalue $0x7FFFFFFF;
	v0 =	vld.msk [tilespmem:s16+$0x0 ss:$0x1], $0xffff  }
.Ltmp4:
0x3e: {  	_ = 	snop;
	(pc) =	sbr.rel .LBB2_4-.Ltmp4, $1  }
0x3f: {  	_ =	sdelay $0x3  }
.LBB2_6:
0x40: {  	_ =	sfence.sel $0x180000  }
0x41: {  	s2 =	simm.s32 $0x2;
	[bflag:$0x0] =	sbarrier.arrive $0xFFFF  }
0x42: {  	s30 =	simm.s32 $0x3;
	[sflag:s2] =	ssyncpa.u1 $0x1  }
0x43: {  	s31 =	simm.s32 $0x1;
	[sflag:s30] =	ssyncpa.u1 $0x1  }
0x44: {  	[sflag:s31] =	ssyncpa.u1 $0x1  }
0x45: {  	p0 =	sne.s32 s0, $0x0;
	_ =	strace $0x90000053  }
0x46: {  	s0 =	sadd.s32 @!p0 $0x100000, s1;
	[bflag:$0x2] =	sbarrier.arrive $0xFFFF  }
0x47: {  	[sflag:s0] =	ssyncadd.tile.s32 @!p0 $0x1;
	_ =	shalt  }
.Lfunc_end2:
_tile_overlayer_lowered:
.L_overlay_start_2:
0x48: {  	(tag) =	ssettag $0x2  }
0x49: {  	s0 =	rddreg [dreg:$0x0];
	s2 =	stileid.u32  }
0x4a: {  	s1 =	rddreg [dreg:$0x1];
	p0 =	sne.s32 s2, $0x0  }
0x4b: {  	s3 =	rddreg [dreg:$0x2];
	[bflag:$0x3] =	sbarrier.arrive $0xFFFF;
	s2 =	simm.s32 @!p0 $0x1C01  }
0x4c: {  	[timem:s3], [sflag:s2] =	dma.local @!p0 [hbm:s0], s1  }
0x4d: {  	s0 =	simm.s32 @!p0 $0x1  }
0x4e: {  	_ =	swait.ge @!p0 [sflag:s0], s1  }
0x4f: {  	s1 =	ssub.s32 @!p0 $0x0, s1;
	[sflag:s0] =	ssyncset.done @!p0 $0x0  }
0x50: {  	[sflag:s0] =	ssyncadd.s32 @!p0 s1  }
0x51: {  	[bflag:$0x3] =	sbarrier.arrive $0xFFFF  }
0x52: {  	_ =	shalt  }

// kernel: gather_offload_async_start.6
scs
__scs_entry_jumppad:
0x0: {  	(pc) =	sbr.rel $0x88, $3  }
0x1: {  	(tag) =	ssettag $0x0;
	lr =	simm.s32 $0x1  }
0x2: {  	[smem:$0x3F95] =	sst lr;
	_ =	strace $0xD0000000  }
0x3: {  	_ = 	snop  }
0x4: {  	_ = 	snop  }
0x5: {  	_ = 	snop  }
0x6: {  	_ = 	snop  }
0x7: {  	_ = 	snop  }
__scs_overlays_trampoline_lowered:
0x8: {  	[smem:$0x3FA4] =	sst s0  }
0x9: {  	[smem:$0x3FA5] =	sst s1  }
0xa: {  	[smem:$0x3FA6] =	sst s2  }
0xb: {  	[smem:$0x3FA7] =	sst s3  }
0xc: {  	[smem:$0x3FA8] =	sst s4  }
0xd: {  	[smem:$0x3FA9] =	sst s5  }
0xe: {  	[smem:$0x3FAA] =	sst s6  }
0xf: {  	[smem:$0x3FAB] =	sst s7  }
0x10: {  	[smem:$0x3FAC] =	sst s8  }
0x11: {  	[smem:$0x3FAD] =	sst s9;
	s0 =	simm.s32 @!p0 $0x0  }
0x12: {  	s1 =	sld [smem:$0x3F93];
	s0 =	simm.s32 @p0 $0x1  }
0x13: {  	[smem:$0x3FAE] =	sst s0;
	s0 =	simm.s32 @!p1 $0x0  }
0x14: {  	s2 =	sld [smem:$0x3F92];
	s0 =	simm.s32 @p1 $0x1  }
0x15: {  	[smem:$0x3FAF] =	sst s0;
	s0 =	simm.s32 @!p2 $0x0  }
0x16: {  	s3 =	sld [smem:$0x3FDB];
	s0 =	simm.s32 @p2 $0x1  }
0x17: {  	s4 =	simm.s32 $0x1BF5;
	[smem:$0x3FB1] =	sst s0  }
0x18: {  	s0 =	sld [smem:$0x3F94];
	_ =	swait.ge [sflag:s4], $0x0  }
0x19: {  	s7 =	sld [smem:$0x3F95]  }
0x1a: {  	s8 =	sadd.s32 $0xFFFFE003, lr  }
0x1b: {  	s9 =	sadd.s32 $0xFFFFFEF7, lr;
	s5 =	simm.s32 $0xFFFFFFFF;
	p2 =	slt.u32 s8, $0xFFFFF086  }
0x1c: {  	p1 =	slt.u32 s9, $0xF7A;
	s5 =	simm.s32 @!p2 $0x0  }
0x1d: {  	s5 =	simm.s32 @p1 $0x1;
	p0 =	seq.s32 s7, s2  }
0x1e: {  	s7 =	smul.u32 @!p0 $0xF7A, s2;
	p2 =	seq.s32 @!p0 s5, $0x0  }
0x1f: {  	s9 =	smul.u32 $0xF7A, s1;
	s8 =	simm.s32 @!p0 $0x1BF5;
	p2 =	por !p2, p0  }
0x20: {  	[sflag:s8] =	ssyncset.s32 @!p0 $0xFFFFF086;
	s6 =	sadd.s32 @!p0 s3, s7;
	s7 =	simm.s32 @!p0 $0x108  }
0x21: {  	s3 =	sadd.s32 s3, s9;
	s6 =	sadd.s32 @!p0 $0x88, s6;
	s7 =	simm.s32 @p2 $0x1082  }
0x22: {  	[simem:s7], [sflag:s8] =	dma.local @!p0 [hbm:s6], $0xF7A  }
0x23: {  	s9 =	sor.u32 $0xD0000000, s2;
	s6 =	simm.s32 $0x108;
	_ =	swait.ge @!p0 [sflag:s8], $0x0  }
0x24: {  	s3 =	sadd.s32 $0x88, s3;
	s6 =	simm.s32 @!p1 $0x1082;
	[sflag:s4] =	ssyncset.s32 $0xFFFFF086  }
0x25: {  	[simem:s6], [sflag:s4] =	dma.local [hbm:s3], $0xF7A  }
0x26: {  	[smem:$0x3F95] =	sst s1;
	(tag) =	ssettag s2;
	_ =	strace s9  }
0x27: {  	s1 =	sld [smem:$0x3FA5]  }
0x28: {  	s2 =	sld [smem:$0x3FA6]  }
0x29: {  	s4 =	sld [smem:$0x3FA8]  }
0x2a: {  	p0 =	seq.s32 s5, $0x0;
	s5 =	sld [smem:$0x3FA9]  }
0x2b: {  	s6 =	sld [smem:$0x3FAA]  }
0x2c: {  	s7 =	sld [smem:$0x3FAB]  }
0x2d: {  	s3 =	simm.s32 $0x108;
	s8 =	sld [smem:$0x3FAC]  }
0x2e: {  	s3 =	simm.s32 @!p0 $0x1082;
	s9 =	sld [smem:$0x3FAD]  }
0x2f: {  	lr =	sadd.s32 s0, s3;
	s0 =	sld [smem:$0x3FA4]  }
0x30: {  	s3 =	sld [smem:$0x3FA7]  }
0x31: {  	[smem:$0x3FB0] =	sst s10  }
0x32: {  	s10 =	sld [smem:$0x3FAE];
	_ =	sdelay $0x3  }
0x33: {  	p0 =	seq.s32 s10, $0x1;
	s10 =	sld [smem:$0x3FB0];
	_ =	sdelay $0x3  }
0x34: {  	[smem:$0x3FB0] =	sst s10  }
0x35: {  	s10 =	sld [smem:$0x3FAF];
	_ =	sdelay $0x3  }
0x36: {  	p1 =	seq.s32 s10, $0x1;
	s10 =	sld [smem:$0x3FB0];
	_ =	sdelay $0x3  }
0x37: {  	[smem:$0x3FB0] =	sst s10  }
0x38: {  	s10 =	sld [smem:$0x3FB1]  }
0x39: {  	_ = 	snop;
	(pc) =	sbr.ind lr, $3  }
0x3a: {  	_ = 	snop  }
0x3b: {  	_ = 	snop  }
0x3c: {  	p2 =	seq.s32 s10, $0x1;
	s10 =	sld [smem:$0x3FB0]  }
0x3d: {  	_ =	shalt  }
0x3e: {  	_ =	shalt  }
0x3f: {  	_ =	shalt  }
0x40: {  	_ =	shalt  }
0x41: {  	_ =	shalt  }
0x42: {  	_ =	shalt  }
0x43: {  	_ =	shalt  }
0x44: {  	_ =	shalt  }
0x45: {  	_ =	shalt  }
0x46: {  	_ =	shalt  }
0x47: {  	_ =	shalt  }
0x48: {  	_ =	shalt  }
0x49: {  	_ =	shalt  }
0x4a: {  	_ =	shalt  }
0x4b: {  	_ =	shalt  }
0x4c: {  	_ =	shalt  }
0x4d: {  	_ =	shalt  }
0x4e: {  	_ =	shalt  }
0x4f: {  	_ =	shalt  }
0x50: {  	_ =	shalt  }
0x51: {  	_ =	shalt  }
0x52: {  	_ =	shalt  }
0x53: {  	_ =	shalt  }
0x54: {  	_ =	shalt  }
0x55: {  	_ =	shalt  }
0x56: {  	_ =	shalt  }
0x57: {  	_ =	shalt  }
0x58: {  	_ =	shalt  }
0x59: {  	_ =	shalt  }
0x5a: {  	_ =	shalt  }
0x5b: {  	_ =	shalt  }
0x5c: {  	_ =	shalt  }
0x5d: {  	_ =	shalt  }
0x5e: {  	_ =	shalt  }
0x5f: {  	_ =	shalt  }
0x60: {  	_ =	shalt  }
0x61: {  	_ =	shalt  }
0x62: {  	_ =	shalt  }
0x63: {  	_ =	shalt  }
0x64: {  	_ =	shalt  }
0x65: {  	_ =	shalt  }
0x66: {  	_ =	shalt  }
0x67: {  	_ =	shalt  }
0x68: {  	_ =	shalt  }
0x69: {  	_ =	shalt  }
0x6a: {  	_ =	shalt  }
0x6b: {  	_ =	shalt  }
0x6c: {  	_ =	shalt  }
0x6d: {  	_ =	shalt  }
0x6e: {  	_ =	shalt  }
0x6f: {  	_ =	shalt  }
0x70: {  	_ =	shalt  }
0x71: {  	_ =	shalt  }
0x72: {  	_ =	shalt  }
0x73: {  	_ =	shalt  }
0x74: {  	_ =	shalt  }
0x75: {  	_ =	shalt  }
0x76: {  	_ =	shalt  }
0x77: {  	_ =	shalt  }
0x78: {  	_ =	shalt  }
0x79: {  	_ =	shalt  }
0x7a: {  	_ =	shalt  }
0x7b: {  	_ =	shalt  }
0x7c: {  	_ =	shalt  }
0x7d: {  	_ =	shalt  }
0x7e: {  	_ =	shalt  }
0x7f: {  	_ =	shalt  }
0x80: {  	_ =	shalt  }
0x81: {  	_ =	shalt  }
0x82: {  	_ =	shalt  }
0x83: {  	_ =	shalt  }
0x84: {  	_ =	shalt  }
0x85: {  	_ =	shalt  }
0x86: {  	_ =	shalt  }
0x87: {  	_ =	shalt  }
.Lfunc_end0:
.L_simem_size_0:
called_computation.7_lowered:
.L_overlay_start_0:
0x88: {  	s2 =	sld [smem:$0x3FD9]  }
0x89: {  	s3 =	sld [smem:$0x3FFE];
	_ =	sdelay $0x1  }
0x8a: {  	s1 =	srdreg.scid  }
0x8b: {  	s0 =	sand.u32 $0x1, s1  }
0x8c: {  	s16 =	sshll.u32 s0, $0xA;
	s2 =	sadd.s32 s3, s2  }
0x8d: {  	s2 =	sadd.s32 s2, s16  }
0x8e: {  	[smem:$0x3FBC] =	sst s2  }
0x8f: {  	_ = 	snop  }
0x90: {  	(tm) =	ssettm $0x1  }
0x91: {  	s17 =	sld [smem:$0x3FFB];
	_ =	sdelay $0x3  }
0x92: {  	_ =	strace s17  }
0x93: {  	s2 =	sld [smem:$0x3FFC];
	_ =	sdelay $0x3  }
0x94: {  	_ =	strace s2  }
0x95: {  	s2 =	sld [smem:$0x3FFD];
	_ =	sdelay $0x3  }
0x96: {  	_ =	strace s2  }
0x97: {  	_ =	strace $0x8FFFFFFF  }
0x98: {  	s18 =	sld [smem:$0x3FDB];
	_ =	sdelay $0x1  }
0x99: {  	s19 =	simm.s32 $_scs_section_size  }
0x9a: {  	s4 =	simm.s32 $_size__tile_overlayer_lowered;
	s5 =	simm.s32 $_tile_overlayer_lowered  }
0x9b: {  	s22 =	simm.s32 $0x1BFF;
	s21 =	sshll.u32 s5, $0x1;
	s2 =	sadd.s32 s19, s18  }
0x9c: {  	s6 =	simm.s32 $0x0;
	s20 =	sshll.u32 s4, $0x1;
	s4 =	sadd.s32 s21, s2  }
0x9d: {  	[timem:s6], [sflag:s22] =	dma.local [hbm:s4], s20  }
0x9e: {  	_ =	swait.ge [sflag:s22], s20  }
0x9f: {  	s3 =	ssub.s32 $0x0, s20;
	[sflag:s22] =	ssyncset.done $0x0  }
0xa0: {  	[sflag:s22] =	ssyncadd.s32 s3;
	_ =	sdelay $0x1  }
0xa1: {  	s23 =	simm.s32 $0x1B8B  }
0xa2: {  	_ =	swait.ge [sflag:s23], $0x1  }
0xa3: {  	[sflag:s23] =	ssyncset.done $0x0  }
0xa4: {  	s25 =	simm.s32 $0x1B8E;
	s24 =	sld [smem:$0x3FFE];
	[sflag:s23] =	ssyncadd.s32 $0xFFFFFFFF  }
0xa5: {  	s26 =	simm.s32 $execute0_lowered;
	[smem:$0x3FD2] =	sst s25  }
0xa6: {  	s4 =	sshll.u32 s26, $0x1;
	_ =	strace $0x8000005B;
	[dreg:$0x1] =	wrdreg $0xFFFFFFFF  }
0xa7: {  	s28 =	simm.s32 $_size_execute0_lowered;
	s2 =	sadd.s32 s2, s4;
	[dreg:$0x0] =	wrdreg $0x0  }
0xa8: {  	s4 =	sshll.u32 s28, $0x1;
	[dreg:$0x2] =	wrdreg s2  }
0xa9: {  	[dreg:$0x3] =	wrdreg s4  }
0xaa: {  	[dreg:$0x4] =	wrdreg $0xC0  }
0xab: {  	_ =	task [dreg:s6], $0x5FFFF  }
0xac: {  	[dreg:$0x1] =	wrdreg $0xFFFFFFFF  }
0xad: {  	[dreg:$0x0] =	wrdreg $0x60  }
0xae: {  	[dreg:$0x2] =	wrdreg s24  }
0xaf: {  	[dreg:$0x3] =	wrdreg $0x9  }
0xb0: {  	_ =	task.clear_ibuf [dreg:s6], $0x4FFFF;
	_ =	strace $0x9000005B  }
0xb1: {  	s29 =	simm.s32 $0x9;
	_ =	strace $0x8000005D  }
0xb2: {  	_ =	swait.ge [sflag:s29], $0x1  }
0xb3: {  	[sflag:s29] =	ssyncadd.s32 $0xFFFFFFFF  }
0xb4: {  	_ =	strace $0x9000005D  }
0xb5: {  	_ =	sfence  }
0xb6: {  	s30 =	sld [smem:$0x0];
	_ =	sdelay $0x2  }
0xb7: {  	s31 =	sshll.u32 s1, $0xD;
	s1 =	sshrl.u32 s1, $0x2  }
0xb8: {  	s3 =	sand.u32 $0x4000, s31;
	s1 =	sadd.s32 s1, s30  }
0xb9: {  	s0 =	sor.u32 s3, s0;
	s1 =	sshll.u32 s1, $0x11  }
0xba: {  	s0 =	sor.u32 s1, s0  }
0xbb: {  	s0 =	sadd.s32 $0x8F2B, s0  }
0xbc: {  	[sflag:s0] =	ssyncadd.remote.s32 $0x1  }
0xbd: {  	_ =	sfence.sel $0xFFFF  }
0xbe: {  	[dreg:$0x0] =	wrdreg $0xFFFFFFFF;
	(pc) =	sbr.abs _section_cstart, $3  }
0xbf: {  	[dreg:$0x1] =	wrdreg $0xFFFFFFFF  }
0xc0: {  	_ =	task.clear_ibuf [dreg:s6], $0x2FFFF;
	_ =	strace $0x9FFFFFFF  }
0xc1: {  	(tm) =	ssettm $0x7FFFFFFF  }
tec
execute0_lowered:
.L_overlay_start_1:
0x0: {  	(tag) =	ssettag $0x1  }
0x1: {  	s8 =	rddreg [dreg:$0x0]  }
0x2: {  	s0 =	rddreg [dreg:$0x1];
	s1 =	srdreg.scid;
	_ =	strace $0x8000005C  }
0x3: {  	s4 =	simm.s32 $0x1;
	s6 =	simm.s32 $0x2;
	s10 =	simm.s32 $0x3  }
0x4: {  	p3 =	por $0x0, $0x0;
	s11 =	simm.s32 $0x80;
	s3 =	sshll.u32 s1, $0x4  }
.Ltmp0:
0x5: {  	s1 =	stileid.u32;
	s5 =	sand.u32 $0x10, s3;
	(pc) =	sbr.rel .LBB2_1-.Ltmp0, $4  }
0x6: {  	s2 =	sadd.s32 $0x1EBA00, s8;
	[sflag:s4] =	ssyncpa.u1 $0x0;
	s5 =	sor.u32 s1, s5  }
0x7: {  	s7 =	sadd.s32 $0x373A00, s8;
	[sflag:s6] =	ssyncpa.u1 $0x0;
	s5 =	smul.u32 $0x8080, s5  }
0x8: {  	s3 =	sadd.s32 $0x9F800, s8;
	s8 =	sadd.s32 $0x107800, s8;
	[sflag:s10] =	ssyncpa.u1 $0x0  }
0x9: {  	v0 =	vlaneseq.u32;
	s10 =	simm.s32 $0x0;
	s9 =	sadd.s32 $0x8080, s5;
	s12 =	smov.u32 s5  }
.LBB2_6:
0xa: {  	s15 =	sadd.s32 s17, s15  }
0xb: {  	v2 =	vld.msk [tilespmem:s15+$0x0 ss:$0x1], $0x1;
	_ =	sdelay $0x2  }
0xc: {  	(v2sf) =	vpush v1, $0x1  }
0xd: {  	(v2sf) =	vpush v1, $0x0  }
0xe: {  	(v2sf) =	vpush v2, $0x0;
	_ =	sdelay $0xc  }
0xf: {  	p0 =	seq.s32 s18, $0x1FC;
	s15 =	simm.s32 $0x1;
	s18 =	spop (v2sf)  }
0x10: {  	s15 =	simm.s32 @!p0 $0x2;
	s18 =	simm.s32 @p1 $0xFFFFFFFF;
	s19 =	spop (v2sf)  }
0x11: {  	v1 =	vmov s15;
	p0 =	sne.s32 s19, s18;
	s18 =	simm.s32 $0x1;
	s28 =	spop (v2sf)  }
0x12: {  	vm0 =	vgt.u32 v1, v0;
	s18 =	simm.s32 @!p0 $0x0;
	s29 =	sshll.u32 s28, $0x8;
	s15 =	sshll.u32 s28, $0x7  }
0x13: {  	s16 =	sadd.s32 s18, s16;
	s19 =	sand.u32 $0xFFFFF800, s29;
	s15 =	sand.u32 $0x380, s15  }
0x14: {  	s16 =	sshll.u32 s16, $0xA;
	s15 =	sor.u32 s15, s19  }
0x15: {  	s16 =	sshra.s32 s16, $0x2;
	s15 =	sshrl.u32 s15, $0x3  }
0x16: {  	s13 =	sadd.s32 s17, s13;
	s14 =	sadd.s32 s16, s14;
	s15 =	sadd.s32 s7, s15  }
0x17: {  	[hbm:s15] =	stream.strided.scatter [tilespmem:s14], [sflag:$0x3], $0x100, s11, s11, $0x38;
	[tilespmem:$0x10200] =	vst v63  }
0x18: {  	v1 =	vld.msk [tilespmem:s13+$0x0 ss:$0x1], vm0;
	_ =	sdelay $0x4  }
0x19: {  	(v2sf) =	vpush v1, $0x1  }
0x1a: {  	(v2sf) =	vpush v1, $0x0;
	_ =	sdelay $0xb  }
0x1b: {  	s13 =	sld [smem:$0x7FC];
	_ =	sdelay $0x1  }
0x1c: {  	s30 =	spop (v2sf)  }
0x1d: {  	p3 =	seq.s32 s13, $0x1;
	s31 =	spop (v2sf)  }
.LBB2_7:
0x1e: {  	p0 =	slt.u32 s10, $0x2;
	s10 =	sadd.s32 $0x1, s10  }
0x1f: {  	p2 =	sne.s32 s10, $0x103  }
.Ltmp1:
0x20: {  	_ = 	snop;
	(pc) =	sbr.rel @!p2 .LBB2_8-.Ltmp1, $4  }
0x21: {  	s13 =	simm.s32 @!p0 $0x3  }
0x22: {  	s14 =	sadd.s32 $0x80, s12;
	_ =	swait.ge @!p0 [sflag:s13], $0x8000  }
0x23: {  	s12 =	smov.u32 s5;
	p1 =	slt.s32 s14, s9;
	[sflag:s13] =	ssyncset.done @!p0 $0x0  }
0x24: {  	p3 =	por !p3, !p3;
	s12 =	smov.u32 @p1 s14;
	[sflag:s13] =	ssyncadd.s32 @!p0 $0xFFFF8000  }
.LBB2_1:
0x25: {  	p0 =	sgt.u32 s10, $0x100  }
0x26: {  	s13 =	sxor.u32 @!p0 $0xFFFFFFFF, s10  }
0x27: {  	s14 =	sshrl.u32 @!p0 s12, $0x3;
	s13 =	sshll.u32 @!p0 s13, $0x7  }
0x28: {  	s16 =	sand.u32 @!p0 $0x7, s12;
	s15 =	sadd.s32 @!p0 s3, s14;
	s13 =	sand.u32 @!p0 $0x80, s13  }
0x29: {  	[tilespmem:s13], [sflag:$0x2] =	stream.linear.gather @!p0 [hbm4b:s15+s16], $0x80, $0x38;
	[tilespmem:$0x10200] =	vst v63  }
0x2a: {  	s31 =	sadd.s32 $0xFFFFFFFF, s10;
	s14 =	sadd.s32 @!p0 s8, s14;
	s13 =	sor.u32 @!p0 $0x100, s13  }
0x2b: {  	[tilespmem:s13], [sflag:$0x2] =	stream.linear.gather @!p0 [hbm4b:s14+s16], $0x80, $0x38;
	[tilespmem:$0x10200] =	vst v63  }
0x2c: {  	p0 =	sgt.u32 s31, $0x100  }
.Ltmp2:
0x2d: {  	_ = 	snop;
	(pc) =	sbr.rel @p0 .LBB2_7-.Ltmp2, $1  }
0x2e: {  	_ =	sdelay $0x3  }
0x2f: {  	p0 =	por $0x0, $0x0;
	s13 =	simm.s32 $0x1  }
0x30: {  	s13 =	simm.s32 @!p0 $0x2  }
0x31: {  	v1 =	vmov s13  }
0x32: {  	s14 =	simm.s32 @!p3 $0x0;
	vm0 =	vgt.u32 v1, v0  }
0x33: {  	s14 =	simm.s32 @p3 $0x1  }
0x34: {  	s13 =	simm.s32 $0x1;
	[smem:$0x7FC] =	sst s14  }
0x35: {  	s13 =	simm.s32 @!p3 $0x0;
	_ =	swait.ge [sflag:s6], $0x100  }
0x36: {  	s13 =	sshll.u32 s13, $0x7;
	[sflag:s6] =	ssyncset.done $0x0  }
0x37: {  	[sflag:s6] =	ssyncadd.s32 $0xFFFFFF00;
	s26 =	sadd.s32 $0x0, s13  }
0x38: {  	v2 =	vld.msk [tilespmem:s26+$0x0 ss:$0x1], vm0;
	_ =	sdelay $0x4  }
0x39: {  	(v2sf) =	vpush v2, $0x1  }
0x3a: {  	p1 =	por $0x0, $0x0;
	s14 =	simm.s32 $0x1;
	(v2sf) =	vpush v2, $0x0  }
0x3b: {  	s14 =	simm.s32 @!p1 $0x2  }
0x3c: {  	v1 =	vmov s14  }
0x3d: {  	vm12 =	vgt.u32 v1, v0;
	_ =	sdelay $0x3  }
0x3e: {  	p2 =	por $0x0, $0x0;
	s15 =	simm.s32 $0x1  }
0x3f: {  	s15 =	simm.s32 @!p2 $0x2;
	s28 =	sadd.s32 $0x1, s13  }
0x40: {  	v1 =	vmov s15;
	v3 =	vld.msk [tilespmem:s28+$0x0 ss:$0x1], vm12  }
0x41: {  	vm13 =	vgt.u32 v1, v0;
	_ =	sdelay $0x2  }
0x42: {  	p0 =	por p0, p0  }
0x43: {  	p0 =	por p0, p0;
	(v2sf) =	vpush v3, $0x1;
	s14 =	spop (v2sf)  }
0x44: {  	s29 =	sadd.s32 $0x2, s13;
	s14 =	simm.s32 @p0 $0xFFFFFFFF;
	s16 =	spop (v2sf)  }
0x45: {  	v1 =	vld.msk [tilespmem:s29+$0x0 ss:$0x1], vm13;
	(v2sf) =	vpush v3, $0x0;
	p0 =	seq.s32 s16, s14  }
0x46: {  	vm0 =	vgt.s32 @!p0 v2, $0x0  }
0x47: {  	v2 =	vnsel @!p0 vm0, $0x0, v2  }
0x48: {  	v2 =	vmin.u32 @!p0 v2, $0xC3FF  }
0x49: {  	(v2sf) =	vpush @!p0 v2, $0x0  }
0x4a: {  	(v2sf) =	vpush v1, $0x1  }
0x4b: {  	(v2sf) =	vpush v1, $0x0  }
0x4c: {  	s30 =	sand.u32 $0x1, s10;
	p4 =	por $0x0, $0x0;
	s17 =	simm.s32 $0x0  }
0x4d: {  	s21 =	simm.s32 $0x14;
	s19 =	simm.s32 $0x18;
	s16 =	simm.s32 $0x1  }
0x4e: {  	p2 =	por p2, p2;
	p1 =	por p1, p1;
	s16 =	simm.s32 @!p4 $0x2  }
0x4f: {  	s22 =	simm.s32 $0x1;
	p2 =	por p2, p2;
	p1 =	por p1, p1;
	v2 =	vmov s16  }
0x50: {  	s15 =	sor.u32 $0x100, s13;
	s24 =	sadd.s32 $0x3, s13;
	s14 =	sshll.u32 s30, $0xF;
	vm14 =	vgt.u32 v2, v0  }
0x51: {  	s31 =	sadd.s32 $0x4, s13;
	s14 =	sor.u32 $0x200, s14;
	s20 =	simm.s32 @!p0 $0x1  }
0x52: {  	p5 =	por p0, p0;
	p4 =	por p4, p4;
	s16 =	spop (v2sf)  }
0x53: {  	s20 =	smov.u32 @p0 s17;
	s16 =	simm.s32 @p1 $0xFFFFFFFF;
	p1 =	por $0x0, $0x0  }
0x54: {  	s17 =	simm.s32 @!p0 $0x80;
	s22 =	simm.s32 @!p1 $0x2;
	s23 =	spop (v2sf)  }
0x55: {  	s18 =	sadd.s32 @!p0 $0x0, s14;
	p5 =	por p5, p5;
	v4 =	vmov s22;
	p3 =	seq.s32 s23, s16  }
0x56: {  	vm15 =	vgt.u32 v4, v0;
	v2 =	vld.msk [tilespmem:s24+$0x0 ss:$0x1], vm14;
	s24 =	simm.s32 $0x1C;
	s16 =	sadd.s32 @!p3 $0x1, s20;
	s22 =	sshll.u32 @!p3 s20, $0xA  }
0x57: {  	vm1 =	vgt.s32 @!p3 v3, $0x0;
	s22 =	sshra.s32 @!p3 s22, $0x2;
	s16 =	smov.u32 @p3 s20;
	s20 =	simm.s32 @!p3 $0x80  }
0x58: {  	v3 =	vnsel @!p3 vm1, $0x0, v3;
	s23 =	sadd.s32 @!p3 s22, s14;
	s22 =	spop @!p0 (v2sf);
	p0 =	por p3, p3  }
0x59: {  	v3 =	vmin.u32 @!p3 v3, $0xC3FF;
	s25 =	simm.s32 @!p0 $0x0;
	s26 =	spop (v2sf);
	s28 =	sshll.u32 @!p5 s22, $0x4  }
0x5a: {  	(v2sf) =	vpush @!p3 v3, $0x0;
	s25 =	simm.s32 @p0 $0x1;
	s26 =	simm.s32 @p2 $0xFFFFFFFF;
	s29 =	spop (v2sf)  }
0x5b: {  	(v2sf) =	vpush v2, $0x1;
	s28 =	sand.u32 @!p5 $0x70, s28;
	[smem:$0x7FD] =	sst s25;
	p6 =	seq.s32 s29, s26  }
0x5c: {  	(v2sf) =	vpush v2, $0x0;
	s26 =	sshll.u32 @!p5 s22, $0x5;
	s25 =	sadd.s32 @!p5 s2, s28;
	s22 =	smov.u32 s16;
	v3 =	vld.msk [tilespmem:s31+$0x0 ss:$0x1], vm15  }
.LBB2_3:
0x5d: {  	s28 =	simm.s32 @!p3 $0x0;
	s29 =	smov.u32 s19;
	s19 =	smov.u32 s24  }
0x5e: {  	s24 =	sadd.s32 $0x4, s24;
	s30 =	smov.u32 s23;
	p0 =	por p5, p5  }
0x5f: {  	s31 =	sld [smem:$0x7FD];
	s28 =	simm.s32 @p3 $0x1;
	p3 =	por p6, p6  }
0x60: {  	p2 =	sne.s32 s24, $0x200;
	[smem:$0x7FA] =	sst s28;
	s28 =	smov.u32 s16  }
0x61: {  	vm0 =	vgt.s32 @!p6 v1, $0x0;
	s16 =	sadd.s32 @!p6 $0x1, s16;
	p6 =	por p4, p4;
	s23 =	simm.s32 @!p2 $0x0  }
0x62: {  	p4 =	por p1, p1;
	p1 =	seq.s32 s21, $0x1FC;
	s23 =	simm.s32 @p2 $0x1  }
0x63: {  	s22 =	sshll.u32 @!p3 s22, $0xA;
	[smem:$0x7FB] =	sst s23;
	s23 =	simm.s32 $0x1  }
0x64: {  	s16 =	smov.u32 @p3 s28;
	s28 =	simm.s32 @!p3 $0x80;
	s23 =	simm.s32 @!p1 $0x2  }
0x65: {  	p2 =	seq.s32 s31, $0x1;
	s31 =	sshra.s32 s21, $0x2;
	v5 =	vmov s23;
	s23 =	sand.u32 @!p0 $0x1FFF00, s26  }
0x66: {  	p5 =	por p2, p2;
	p2 =	por p3, p3;
	s25 =	sadd.s32 @!p0 s23, s25  }
0x67: {  	[tilespmem:s18], [sflag:$0x1] =	stream.strided.gather @!p0 [hbm:s25], $0x100, s17, s17, $0x38;
	[tilespmem:$0x10200] =	vst v63  }
0x68: {  	s17 =	smov.u32 s20;
	s20 =	smov.u32 s28;
	s28 =	sld [smem:$0x7FA]  }
0x69: {  	s26 =	sshra.s32 @!p3 s22, $0x2;
	s25 =	sadd.s32 s31, s13;
	s31 =	sld [smem:$0x7FB]  }
0x6a: {  	s23 =	sadd.s32 @!p3 s26, s14;
	s26 =	simm.s32 @!p2 $0x0  }
0x6b: {  	vm15 =	vgt.u32 v5, v0;
	s26 =	simm.s32 @p2 $0x1;
	p0 =	seq.s32 s28, $0x1  }
0x6c: {  	[smem:$0x7FD] =	sst s26;
	s26 =	spop @!p0 (v2sf);
	p0 =	seq.s32 s31, $0x1  }
.Ltmp3:
0x6d: {  	v4 =	vnsel @!p3 vm0, $0x0, v1;
	(pc) =	sbr.rel @p0 .LBB2_3-.Ltmp3, $4  }
0x6e: {  	v4 =	vmin.u32 @!p3 v4, $0xC3FF;
	s21 =	smov.u32 s29;
	s22 =	smov.u32 s16  }
0x6f: {  	(v2sf) =	vpush @!p3 v4, $0x0;
	s18 =	smov.u32 s30;
	s28 =	spop (v2sf);
	s29 =	sshll.u32 @!p5 s26, $0x4  }
0x70: {  	v1 =	vmov v2;
	v2 =	vmov v3;
	(v2sf) =	vpush v3, $0x1;
	s28 =	simm.s32 @p6 $0xFFFFFFFF;
	s30 =	spop (v2sf);
	s29 =	sand.u32 @!p5 $0x70, s29  }
0x71: {  	(v2sf) =	vpush v2, $0x0;
	v3 =	vld.msk [tilespmem:s25+$0x0 ss:$0x1], vm15;
	s26 =	sshll.u32 @!p5 s26, $0x5;
	p6 =	seq.s32 s30, s28;
	s25 =	sadd.s32 @!p5 s2, s29  }
0x72: {  	_ = 	snop  }
0x73: {  	vm0 =	vgt.s32 @!p6 v1, $0x0  }
0x74: {  	v1 =	vnsel @!p6 vm0, $0x0, v1  }
0x75: {  	v1 =	vmin.u32 @!p6 v1, $0xC3FF  }
0x76: {  	(v2sf) =	vpush @!p6 v1, $0x0  }
0x77: {  	(v2sf) =	vpush v3, $0x1  }
0x78: {  	p0 =	seq.s32 s21, $0x1FC;
	s24 =	simm.s32 $0x1;
	(v2sf) =	vpush v3, $0x0  }
0x79: {  	s24 =	simm.s32 @!p0 $0x2  }
0x7a: {  	v1 =	vmov s24  }
0x7b: {  	vm14 =	vgt.u32 v1, v0;
	_ =	sdelay $0x1  }
0x7c: {  	p2 =	por p4, p4  }
0x7d: {  	s31 =	sshra.s32 s21, $0x2;
	p4 =	seq.s32 s19, $0x1FC;
	s24 =	spop @!p3 (v2sf)  }
0x7e: {  	s29 =	simm.s32 $0x1;
	s21 =	sadd.s32 s31, s13;
	s28 =	spop (v2sf)  }
0x7f: {  	s29 =	simm.s32 @!p4 $0x2;
	s28 =	simm.s32 @p2 $0xFFFFFFFF;
	s30 =	spop (v2sf)  }
0x80: {  	v4 =	vmov s29;
	v1 =	vld.msk [tilespmem:s21+$0x0 ss:$0x1], vm14;
	p3 =	seq.s32 s30, s28  }
0x81: {  	vm1 =	vgt.u32 v4, v0;
	vm0 =	vgt.s32 @!p3 v2, $0x0  }
0x82: {  	v2 =	vnsel @!p3 vm0, $0x0, v2  }
0x83: {  	v2 =	vmin.u32 @!p3 v2, $0xC3FF  }
0x84: {  	p1 =	por p1, p1;
	s21 =	spop @!p6 (v2sf);
	(v2sf) =	vpush @!p3 v2, $0x0  }
0x85: {  	p1 =	por p1, p1;
	s30 =	sshra.s32 s19, $0x2;
	s28 =	spop (v2sf);
	(v2sf) =	vpush v1, $0x1  }
0x86: {  	s19 =	sadd.s32 s30, s13;
	s28 =	simm.s32 @p1 $0xFFFFFFFF;
	s31 =	spop (v2sf);
	(v2sf) =	vpush v1, $0x0  }
0x87: {  	v2 =	vld.msk [tilespmem:s19+$0x0 ss:$0x1], vm1;
	p1 =	seq.s32 s31, s28  }
0x88: {  	s30 =	sld [smem:$0x7FD];
	vm0 =	vgt.s32 @!p1 v3, $0x0  }
0x89: {  	v3 =	vnsel @!p1 vm0, $0x0, v3  }
0x8a: {  	p2 =	por p5, p5;
	v3 =	vmin.u32 @!p1 v3, $0xC3FF  }
0x8b: {  	s19 =	sand.u32 @!p2 $0x1FFF00, s26;
	p5 =	seq.s32 s30, $0x1;
	(v2sf) =	vpush @!p1 v3, $0x0  }
0x8c: {  	s19 =	sadd.s32 @!p2 s19, s25;
	p5 =	por p5, p5;
	(v2sf) =	vpush v2, $0x1  }
0x8d: {  	[tilespmem:s18], [sflag:$0x1] =	stream.strided.gather @!p2 [hbm:s19], $0x100, s17, s17, $0x38;
	(v2sf) =	vpush v2, $0x0;
	[tilespmem:$0x10200] =	vst v63  }
0x8e: {  	p0 =	por p0, p0;
	s17 =	sshll.u32 @!p5 s24, $0x4  }
0x8f: {  	s18 =	sshll.u32 @!p5 s24, $0x5;
	p2 =	por p5, p5;
	s17 =	sand.u32 @!p5 $0x70, s17  }
0x90: {  	p0 =	por p0, p0;
	s18 =	sand.u32 @!p2 $0x1FFF00, s18;
	s17 =	sadd.s32 @!p5 s2, s17  }
0x91: {  	p5 =	por p6, p6;
	s17 =	sadd.s32 @!p2 s18, s17;
	s18 =	sshll.u32 @!p6 s22, $0xA  }
0x92: {  	[tilespmem:s23], [sflag:$0x1] =	stream.strided.gather @!p2 [hbm:s17], $0x100, s20, s20, $0x38;
	[tilespmem:$0x10200] =	vst v63  }
0x93: {  	s17 =	sadd.s32 @!p6 $0x1, s16;
	p2 =	por p5, p5;
	s20 =	spop @!p3 (v2sf)  }
0x94: {  	s19 =	sshll.u32 @!p2 s21, $0x4;
	s21 =	sshll.u32 @!p2 s21, $0x5;
	s22 =	spop (v2sf)  }
0x95: {  	s19 =	sand.u32 @!p2 $0x70, s19;
	s22 =	simm.s32 @p0 $0xFFFFFFFF;
	s31 =	spop (v2sf)  }
0x96: {  	s19 =	sadd.s32 @!p2 s2, s19;
	p0 =	por p2, p2;
	p2 =	seq.s32 s31, s22  }
0x97: {  	s17 =	smov.u32 @p6 s16;
	s16 =	sshra.s32 @!p6 s18, $0x2;
	s18 =	sand.u32 @!p0 $0x1FFF00, s21;
	vm0 =	vgt.s32 @!p2 v1, $0x0  }
0x98: {  	s16 =	sadd.s32 @!p6 s16, s14;
	s21 =	simm.s32 @!p6 $0x80;
	s18 =	sadd.s32 @!p0 s18, s19;
	v1 =	vnsel @!p2 vm0, $0x0, v1  }
0x99: {  	[tilespmem:s16], [sflag:$0x1] =	stream.strided.gather @!p0 [hbm:s18], $0x100, s21, s21, $0x38;
	v1 =	vmin.u32 @!p2 v1, $0xC3FF;
	[tilespmem:$0x10200] =	vst v63  }
0x9a: {  	p4 =	por p4, p4;
	p5 =	por p3, p3;
	s18 =	spop @!p1 (v2sf);
	(v2sf) =	vpush @!p2 v1, $0x0  }
0x9b: {  	s16 =	sadd.s32 @!p3 $0x1, s17;
	p0 =	por p4, p4;
	s19 =	spop (v2sf)  }
0x9c: {  	s16 =	smov.u32 @p3 s17;
	s19 =	simm.s32 @p0 $0xFFFFFFFF;
	s24 =	spop (v2sf)  }
0x9d: {  	s17 =	sshll.u32 @!p3 s17, $0xA;
	p0 =	por p5, p5;
	p4 =	seq.s32 s24, s19  }
0x9e: {  	p6 =	por p1, p1;
	s17 =	sshra.s32 @!p3 s17, $0x2;
	s21 =	sshll.u32 @!p0 s20, $0x4;
	vm0 =	vgt.s32 @!p4 v2, $0x0  }
0x9f: {  	s20 =	sshll.u32 @!p0 s20, $0x5;
	p5 =	por p0, p0;
	s21 =	sand.u32 @!p0 $0x70, s21;
	v1 =	vnsel @!p4 vm0, $0x0, v2  }
0xa0: {  	s17 =	sadd.s32 @!p3 s17, s14;
	s20 =	sand.u32 @!p5 $0x1FFF00, s20;
	s21 =	sadd.s32 @!p0 s2, s21;
	v1 =	vmin.u32 @!p4 v1, $0xC3FF  }
0xa1: {  	s19 =	simm.s32 @!p3 $0x80;
	p0 =	por p6, p6;
	s20 =	sadd.s32 @!p5 s20, s21;
	(v2sf) =	vpush @!p4 v1, $0x0  }
0xa2: {  	[tilespmem:s17], [sflag:$0x1] =	stream.strided.gather @!p5 [hbm:s20], $0x100, s19, s19, $0x38;
	[tilespmem:$0x10200] =	vst v63  }
0xa3: {  	p3 =	por p0, p0;
	s19 =	sshll.u32 @!p0 s18, $0x4  }
0xa4: {  	s17 =	sshll.u32 @!p1 s16, $0xA;
	s18 =	sshll.u32 @!p0 s18, $0x5;
	s19 =	sand.u32 @!p0 $0x70, s19  }
0xa5: {  	s17 =	sshra.s32 @!p1 s17, $0x2;
	s18 =	sand.u32 @!p3 $0x1FFF00, s18;
	s19 =	sadd.s32 @!p0 s2, s19  }
0xa6: {  	s20 =	simm.s32 @!p1 $0x80;
	s17 =	sadd.s32 @!p1 s17, s14;
	s18 =	sadd.s32 @!p3 s18, s19  }
0xa7: {  	[tilespmem:s17], [sflag:$0x1] =	stream.strided.gather @!p3 [hbm:s18], $0x100, s20, s20, $0x38;
	[tilespmem:$0x10200] =	vst v63  }
0xa8: {  	p5 =	por p2, p2;
	s17 =	sadd.s32 @!p1 $0x1, s16  }
0xa9: {  	p0 =	por p5, p5;
	s17 =	smov.u32 @p1 s16;
	s16 =	spop @!p2 (v2sf)  }
0xaa: {  	p1 =	por p0, p0;
	s19 =	sshll.u32 @!p0 s16, $0x4  }
0xab: {  	s18 =	sshll.u32 @!p2 s17, $0xA;
	s16 =	sshll.u32 @!p0 s16, $0x5;
	s19 =	sand.u32 @!p0 $0x70, s19  }
0xac: {  	s18 =	sshra.s32 @!p2 s18, $0x2;
	s16 =	sand.u32 @!p1 $0x1FFF00, s16;
	s19 =	sadd.s32 @!p0 s2, s19  }
0xad: {  	s20 =	simm.s32 @!p2 $0x80;
	s18 =	sadd.s32 @!p2 s18, s14;
	s16 =	sadd.s32 @!p1 s16, s19  }
0xae: {  	[tilespmem:s18], [sflag:$0x1] =	stream.strided.gather @!p1 [hbm:s16], $0x100, s20, s20, $0x38;
	[tilespmem:$0x10200] =	vst v63  }
0xaf: {  	p6 =	por p4, p4;
	s16 =	sadd.s32 @!p2 $0x1, s17  }
0xb0: {  	p0 =	por p6, p6;
	s18 =	spop @!p4 (v2sf);
	s16 =	smov.u32 @p2 s17  }
0xb1: {  	s17 =	sshll.u32 @!p0 s18, $0x4;
	s19 =	sadd.s32 @!p4 $0x1, s16  }
0xb2: {  	s20 =	sshll.u32 @!p4 s16, $0xA;
	s18 =	sshll.u32 @!p0 s18, $0x5;
	s17 =	sand.u32 @!p0 $0x70, s17  }
0xb3: {  	s19 =	smov.u32 @p4 s16;
	s17 =	sadd.s32 @!p0 s2, s17;
	p0 =	por p0, p0  }
0xb4: {  	s16 =	sshra.s32 @!p4 s20, $0x2;
	s20 =	simm.s32 @!p4 $0x80;
	s18 =	sand.u32 @!p0 $0x1FFF00, s18  }
0xb5: {  	s16 =	sadd.s32 @!p4 s16, s14;
	s25 =	sshll.u32 s19, $0x8;
	s17 =	sadd.s32 @!p0 s18, s17  }
0xb6: {  	[tilespmem:s16], [sflag:$0x1] =	stream.strided.gather @!p0 [hbm:s17], $0x100, s20, s20, $0x38;
	[tilespmem:$0x10200] =	vst v63  }
0xb7: {  	s16 =	sand.u32 $0x3FFFFF00, s25  }
0xb8: {  	_ =	swait.ge [sflag:s4], s16  }
0xb9: {  	s16 =	ssub.s32 $0x0, s16;
	[sflag:s4] =	ssyncset.done $0x0  }
0xba: {  	s26 =	sadd.s32 $0x0, s15;
	[sflag:s4] =	ssyncadd.s32 s16  }
0xbb: {  	v1 =	vld.msk [tilespmem:s26+$0x0 ss:$0x1], $0x1;
	_ =	sdelay $0x4  }
0xbc: {  	(v2sf) =	vpush v1, $0x0;
	_ =	sdelay $0xc  }
0xbd: {  	p0 =	por $0x0, $0x0;
	s16 =	simm.s32 $0x1  }
0xbe: {  	s16 =	simm.s32 @!p0 $0x2  }
0xbf: {  	v1 =	vmov s16;
	s28 =	spop (v2sf)  }
0xc0: {  	vm15 =	vgt.u32 v1, v0;
	s29 =	sshll.u32 s28, $0x8;
	s17 =	sshll.u32 s28, $0x7  }
0xc1: {  	s16 =	sand.u32 $0xFFFFF800, s29;
	s17 =	sand.u32 $0x380, s17  }
0xc2: {  	s16 =	sor.u32 s17, s16  }
0xc3: {  	s30 =	sadd.s32 $0x0, s14;
	s31 =	sadd.s32 $0x0, s13;
	s16 =	sshrl.u32 s16, $0x3  }
0xc4: {  	s19 =	simm.s32 $0x8;
	s18 =	simm.s32 $0x4;
	s16 =	sadd.s32 s7, s16  }
0xc5: {  	[hbm:s16] =	stream.strided.scatter [tilespmem:s30], [sflag:$0x3], $0x100, s11, s11, $0x38;
	[tilespmem:$0x10200] =	vst v63  }
0xc6: {  	p1 =	por p0, p0;
	s17 =	simm.s32 $0x1;
	s16 =	simm.s32 $0x0;
	v1 =	vld.msk [tilespmem:s31+$0x0 ss:$0x1], vm15  }
.LBB2_5:
0xc7: {  	p2 =	sne.s32 s19, $0x1FC;
	s20 =	sadd.s32 s17, s15  }
0xc8: {  	v2 =	vld.msk [tilespmem:s20+$0x0 ss:$0x1], $0x1;
	_ =	sdelay $0x3  }
0xc9: {  	(v2sf) =	vpush v1, $0x1  }
0xca: {  	(v2sf) =	vpush v1, $0x0  }
0xcb: {  	(v2sf) =	vpush v2, $0x0;
	_ =	sdelay $0xb  }
0xcc: {  	p0 =	seq.s32 s18, $0x1FC;
	s18 =	smov.u32 s19;
	s20 =	simm.s32 $0x1  }
0xcd: {  	s20 =	simm.s32 @!p0 $0x2;
	s21 =	spop (v2sf)  }
0xce: {  	s21 =	simm.s32 @p1 $0xFFFFFFFF;
	s22 =	spop (v2sf);
	p1 =	por p0, p0  }
0xcf: {  	v1 =	vmov s20;
	s20 =	spop (v2sf);
	p0 =	sne.s32 s22, s21;
	s22 =	simm.s32 $0x1  }
0xd0: {  	vm0 =	vgt.u32 v1, v0;
	s21 =	sshll.u32 s20, $0x8;
	s20 =	sshll.u32 s20, $0x7;
	s22 =	simm.s32 @!p0 $0x0  }
0xd1: {  	s21 =	sand.u32 $0xFFFFF800, s21;
	s20 =	sand.u32 $0x380, s20;
	s16 =	sadd.s32 s22, s16  }
.Ltmp4:
0xd2: {  	s20 =	sor.u32 s20, s21;
	s21 =	sshll.u32 s16, $0xA;
	(pc) =	sbr.rel @p2 .LBB2_5-.Ltmp4, $4  }
0xd3: {  	s20 =	sshrl.u32 s20, $0x3;
	s21 =	sshra.s32 s21, $0x2  }
0xd4: {  	s22 =	sadd.s32 s17, s13;
	s21 =	sadd.s32 s21, s14;
	s20 =	sadd.s32 s7, s20  }
0xd5: {  	[hbm:s20] =	stream.strided.scatter [tilespmem:s21], [sflag:$0x3], $0x100, s11, s11, $0x38;
	[tilespmem:$0x10200] =	vst v63  }
0xd6: {  	s19 =	sadd.s32 $0x4, s19;
	s17 =	sshra.s32 s18, $0x2;
	v1 =	vld.msk [tilespmem:s22+$0x0 ss:$0x1], vm0  }
.Ltmp5:
0xd7: {  	_ = 	snop;
	(pc) =	sbr.rel .LBB2_6-.Ltmp5, $1  }
0xd8: {  	_ =	sdelay $0x3  }
.LBB2_8:
0xd9: {  	_ =	sfence.sel $0x180000  }
0xda: {  	s2 =	simm.s32 $0x2;
	[bflag:$0x0] =	sbarrier.arrive $0xFFFF  }
0xdb: {  	s30 =	simm.s32 $0x3;
	[sflag:s2] =	ssyncpa.u1 $0x1  }
0xdc: {  	s31 =	simm.s32 $0x1;
	[sflag:s30] =	ssyncpa.u1 $0x1  }
0xdd: {  	[sflag:s31] =	ssyncpa.u1 $0x1  }
0xde: {  	p0 =	sne.s32 s1, $0x0;
	_ =	strace $0x9000005C  }
0xdf: {  	s0 =	sadd.s32 @!p0 $0x100000, s0;
	[bflag:$0x2] =	sbarrier.arrive $0xFFFF  }
0xe0: {  	[sflag:s0] =	ssyncadd.tile.s32 @!p0 $0x1;
	_ =	shalt  }
.Lfunc_end2:
_tile_overlayer_lowered:
.L_overlay_start_2:
0xe1: {  	(tag) =	ssettag $0x2  }
0xe2: {  	s0 =	rddreg [dreg:$0x0];
	s2 =	stileid.u32  }
0xe3: {  	s1 =	rddreg [dreg:$0x1];
	p0 =	sne.s32 s2, $0x0  }
0xe4: {  	s3 =	rddreg [dreg:$0x2];
	[bflag:$0x3] =	sbarrier.arrive $0xFFFF;
	s2 =	simm.s32 @!p0 $0x1C01  }
0xe5: {  	[timem:s3], [sflag:s2] =	dma.local @!p0 [hbm:s0], s1  }
0xe6: {  	s0 =	simm.s32 @!p0 $0x1  }
0xe7: {  	_ =	swait.ge @!p0 [sflag:s0], s1  }
0xe8: {  	s1 =	ssub.s32 @!p0 $0x0, s1;
	[sflag:s0] =	ssyncset.done @!p0 $0x0  }
0xe9: {  	[sflag:s0] =	ssyncadd.s32 @!p0 s1  }
0xea: {  	[bflag:$0x3] =	sbarrier.arrive $0xFFFF  }
0xeb: {  	_ =	shalt  }

// kernel: gather_offload_async_start.7
scs
__scs_entry_jumppad:
0x0: {  	(pc) =	sbr.rel $0x88, $3  }
0x1: {  	(tag) =	ssettag $0x0;
	lr =	simm.s32 $0x1  }
0x2: {  	[smem:$0x3F95] =	sst lr;
	_ =	strace $0xD0000000  }
0x3: {  	_ = 	snop  }
0x4: {  	_ = 	snop  }
0x5: {  	_ = 	snop  }
0x6: {  	_ = 	snop  }
0x7: {  	_ = 	snop  }
__scs_overlays_trampoline_lowered:
0x8: {  	[smem:$0x3FA4] =	sst s0  }
0x9: {  	[smem:$0x3FA5] =	sst s1  }
0xa: {  	[smem:$0x3FA6] =	sst s2  }
0xb: {  	[smem:$0x3FA7] =	sst s3  }
0xc: {  	[smem:$0x3FA8] =	sst s4  }
0xd: {  	[smem:$0x3FA9] =	sst s5  }
0xe: {  	[smem:$0x3FAA] =	sst s6  }
0xf: {  	[smem:$0x3FAB] =	sst s7  }
0x10: {  	[smem:$0x3FAC] =	sst s8  }
0x11: {  	[smem:$0x3FAD] =	sst s9;
	s0 =	simm.s32 @!p0 $0x0  }
0x12: {  	s1 =	sld [smem:$0x3F93];
	s0 =	simm.s32 @p0 $0x1  }
0x13: {  	[smem:$0x3FAE] =	sst s0;
	s0 =	simm.s32 @!p1 $0x0  }
0x14: {  	s2 =	sld [smem:$0x3F92];
	s0 =	simm.s32 @p1 $0x1  }
0x15: {  	[smem:$0x3FAF] =	sst s0;
	s0 =	simm.s32 @!p2 $0x0  }
0x16: {  	s3 =	sld [smem:$0x3FDB];
	s0 =	simm.s32 @p2 $0x1  }
0x17: {  	s4 =	simm.s32 $0x1BF5;
	[smem:$0x3FB1] =	sst s0  }
0x18: {  	s0 =	sld [smem:$0x3F94];
	_ =	swait.ge [sflag:s4], $0x0  }
0x19: {  	s7 =	sld [smem:$0x3F95]  }
0x1a: {  	s8 =	sadd.s32 $0xFFFFE003, lr  }
0x1b: {  	s9 =	sadd.s32 $0xFFFFFEF7, lr;
	s5 =	simm.s32 $0xFFFFFFFF;
	p2 =	slt.u32 s8, $0xFFFFF086  }
0x1c: {  	p1 =	slt.u32 s9, $0xF7A;
	s5 =	simm.s32 @!p2 $0x0  }
0x1d: {  	s5 =	simm.s32 @p1 $0x1;
	p0 =	seq.s32 s7, s2  }
0x1e: {  	s7 =	smul.u32 @!p0 $0xF7A, s2;
	p2 =	seq.s32 @!p0 s5, $0x0  }
0x1f: {  	s9 =	smul.u32 $0xF7A, s1;
	s8 =	simm.s32 @!p0 $0x1BF5;
	p2 =	por !p2, p0  }
0x20: {  	[sflag:s8] =	ssyncset.s32 @!p0 $0xFFFFF086;
	s6 =	sadd.s32 @!p0 s3, s7;
	s7 =	simm.s32 @!p0 $0x108  }
0x21: {  	s3 =	sadd.s32 s3, s9;
	s6 =	sadd.s32 @!p0 $0x88, s6;
	s7 =	simm.s32 @p2 $0x1082  }
0x22: {  	[simem:s7], [sflag:s8] =	dma.local @!p0 [hbm:s6], $0xF7A  }
0x23: {  	s9 =	sor.u32 $0xD0000000, s2;
	s6 =	simm.s32 $0x108;
	_ =	swait.ge @!p0 [sflag:s8], $0x0  }
0x24: {  	s3 =	sadd.s32 $0x88, s3;
	s6 =	simm.s32 @!p1 $0x1082;
	[sflag:s4] =	ssyncset.s32 $0xFFFFF086  }
0x25: {  	[simem:s6], [sflag:s4] =	dma.local [hbm:s3], $0xF7A  }
0x26: {  	[smem:$0x3F95] =	sst s1;
	(tag) =	ssettag s2;
	_ =	strace s9  }
0x27: {  	s1 =	sld [smem:$0x3FA5]  }
0x28: {  	s2 =	sld [smem:$0x3FA6]  }
0x29: {  	s4 =	sld [smem:$0x3FA8]  }
0x2a: {  	p0 =	seq.s32 s5, $0x0;
	s5 =	sld [smem:$0x3FA9]  }
0x2b: {  	s6 =	sld [smem:$0x3FAA]  }
0x2c: {  	s7 =	sld [smem:$0x3FAB]  }
0x2d: {  	s3 =	simm.s32 $0x108;
	s8 =	sld [smem:$0x3FAC]  }
0x2e: {  	s3 =	simm.s32 @!p0 $0x1082;
	s9 =	sld [smem:$0x3FAD]  }
0x2f: {  	lr =	sadd.s32 s0, s3;
	s0 =	sld [smem:$0x3FA4]  }
0x30: {  	s3 =	sld [smem:$0x3FA7]  }
0x31: {  	[smem:$0x3FB0] =	sst s10  }
0x32: {  	s10 =	sld [smem:$0x3FAE];
	_ =	sdelay $0x3  }
0x33: {  	p0 =	seq.s32 s10, $0x1;
	s10 =	sld [smem:$0x3FB0];
	_ =	sdelay $0x3  }
0x34: {  	[smem:$0x3FB0] =	sst s10  }
0x35: {  	s10 =	sld [smem:$0x3FAF];
	_ =	sdelay $0x3  }
0x36: {  	p1 =	seq.s32 s10, $0x1;
	s10 =	sld [smem:$0x3FB0];
	_ =	sdelay $0x3  }
0x37: {  	[smem:$0x3FB0] =	sst s10  }
0x38: {  	s10 =	sld [smem:$0x3FB1]  }
0x39: {  	_ = 	snop;
	(pc) =	sbr.ind lr, $3  }
0x3a: {  	_ = 	snop  }
0x3b: {  	_ = 	snop  }
0x3c: {  	p2 =	seq.s32 s10, $0x1;
	s10 =	sld [smem:$0x3FB0]  }
0x3d: {  	_ =	shalt  }
0x3e: {  	_ =	shalt  }
0x3f: {  	_ =	shalt  }
0x40: {  	_ =	shalt  }
0x41: {  	_ =	shalt  }
0x42: {  	_ =	shalt  }
0x43: {  	_ =	shalt  }
0x44: {  	_ =	shalt  }
0x45: {  	_ =	shalt  }
0x46: {  	_ =	shalt  }
0x47: {  	_ =	shalt  }
0x48: {  	_ =	shalt  }
0x49: {  	_ =	shalt  }
0x4a: {  	_ =	shalt  }
0x4b: {  	_ =	shalt  }
0x4c: {  	_ =	shalt  }
0x4d: {  	_ =	shalt  }
0x4e: {  	_ =	shalt  }
0x4f: {  	_ =	shalt  }
0x50: {  	_ =	shalt  }
0x51: {  	_ =	shalt  }
0x52: {  	_ =	shalt  }
0x53: {  	_ =	shalt  }
0x54: {  	_ =	shalt  }
0x55: {  	_ =	shalt  }
0x56: {  	_ =	shalt  }
0x57: {  	_ =	shalt  }
0x58: {  	_ =	shalt  }
0x59: {  	_ =	shalt  }
0x5a: {  	_ =	shalt  }
0x5b: {  	_ =	shalt  }
0x5c: {  	_ =	shalt  }
0x5d: {  	_ =	shalt  }
0x5e: {  	_ =	shalt  }
0x5f: {  	_ =	shalt  }
0x60: {  	_ =	shalt  }
0x61: {  	_ =	shalt  }
0x62: {  	_ =	shalt  }
0x63: {  	_ =	shalt  }
0x64: {  	_ =	shalt  }
0x65: {  	_ =	shalt  }
0x66: {  	_ =	shalt  }
0x67: {  	_ =	shalt  }
0x68: {  	_ =	shalt  }
0x69: {  	_ =	shalt  }
0x6a: {  	_ =	shalt  }
0x6b: {  	_ =	shalt  }
0x6c: {  	_ =	shalt  }
0x6d: {  	_ =	shalt  }
0x6e: {  	_ =	shalt  }
0x6f: {  	_ =	shalt  }
0x70: {  	_ =	shalt  }
0x71: {  	_ =	shalt  }
0x72: {  	_ =	shalt  }
0x73: {  	_ =	shalt  }
0x74: {  	_ =	shalt  }
0x75: {  	_ =	shalt  }
0x76: {  	_ =	shalt  }
0x77: {  	_ =	shalt  }
0x78: {  	_ =	shalt  }
0x79: {  	_ =	shalt  }
0x7a: {  	_ =	shalt  }
0x7b: {  	_ =	shalt  }
0x7c: {  	_ =	shalt  }
0x7d: {  	_ =	shalt  }
0x7e: {  	_ =	shalt  }
0x7f: {  	_ =	shalt  }
0x80: {  	_ =	shalt  }
0x81: {  	_ =	shalt  }
0x82: {  	_ =	shalt  }
0x83: {  	_ =	shalt  }
0x84: {  	_ =	shalt  }
0x85: {  	_ =	shalt  }
0x86: {  	_ =	shalt  }
0x87: {  	_ =	shalt  }
.Lfunc_end0:
.L_simem_size_0:
called_computation.8_lowered:
.L_overlay_start_0:
0x88: {  	s2 =	sld [smem:$0x3FD9]  }
0x89: {  	s3 =	sld [smem:$0x3FFE];
	_ =	sdelay $0x1  }
0x8a: {  	s1 =	srdreg.scid  }
0x8b: {  	s0 =	sand.u32 $0x1, s1  }
0x8c: {  	s16 =	sshll.u32 s0, $0xA;
	s2 =	sadd.s32 s3, s2  }
0x8d: {  	s2 =	sadd.s32 s2, s16  }
0x8e: {  	[smem:$0x3FBC] =	sst s2  }
0x8f: {  	_ = 	snop  }
0x90: {  	(tm) =	ssettm $0x1  }
0x91: {  	s17 =	sld [smem:$0x3FFB];
	_ =	sdelay $0x3  }
0x92: {  	_ =	strace s17  }
0x93: {  	s2 =	sld [smem:$0x3FFC];
	_ =	sdelay $0x3  }
0x94: {  	_ =	strace s2  }
0x95: {  	s2 =	sld [smem:$0x3FFD];
	_ =	sdelay $0x3  }
0x96: {  	_ =	strace s2  }
0x97: {  	_ =	strace $0x8FFFFFFF  }
0x98: {  	s18 =	sld [smem:$0x3FDB];
	_ =	sdelay $0x1  }
0x99: {  	s19 =	simm.s32 $_scs_section_size  }
0x9a: {  	s4 =	simm.s32 $_size__tile_overlayer_lowered;
	s5 =	simm.s32 $_tile_overlayer_lowered  }
0x9b: {  	s22 =	simm.s32 $0x1BFF;
	s21 =	sshll.u32 s5, $0x1;
	s2 =	sadd.s32 s19, s18  }
0x9c: {  	s6 =	simm.s32 $0x0;
	s20 =	sshll.u32 s4, $0x1;
	s4 =	sadd.s32 s21, s2  }
0x9d: {  	[timem:s6], [sflag:s22] =	dma.local [hbm:s4], s20  }
0x9e: {  	_ =	swait.ge [sflag:s22], s20  }
0x9f: {  	s3 =	ssub.s32 $0x0, s20;
	[sflag:s22] =	ssyncset.done $0x0  }
0xa0: {  	[sflag:s22] =	ssyncadd.s32 s3;
	_ =	sdelay $0x1  }
0xa1: {  	s23 =	simm.s32 $0x1B8B  }
0xa2: {  	_ =	swait.ge [sflag:s23], $0x1  }
0xa3: {  	[sflag:s23] =	ssyncset.done $0x0  }
0xa4: {  	s25 =	simm.s32 $0x1B8E;
	s24 =	sld [smem:$0x3FFE];
	[sflag:s23] =	ssyncadd.s32 $0xFFFFFFFF  }
0xa5: {  	s26 =	simm.s32 $execute0_lowered;
	[smem:$0x3FD2] =	sst s25  }
0xa6: {  	s4 =	sshll.u32 s26, $0x1;
	_ =	strace $0x8000005E;
	[dreg:$0x1] =	wrdreg $0xFFFFFFFF  }
0xa7: {  	s28 =	simm.s32 $_size_execute0_lowered;
	s2 =	sadd.s32 s2, s4;
	[dreg:$0x0] =	wrdreg $0x0  }
0xa8: {  	s4 =	sshll.u32 s28, $0x1;
	[dreg:$0x2] =	wrdreg s2  }
0xa9: {  	[dreg:$0x3] =	wrdreg s4  }
0xaa: {  	[dreg:$0x4] =	wrdreg $0xC0  }
0xab: {  	_ =	task [dreg:s6], $0x5FFFF  }
0xac: {  	[dreg:$0x1] =	wrdreg $0xFFFFFFFF  }
0xad: {  	[dreg:$0x0] =	wrdreg $0x60  }
0xae: {  	[dreg:$0x2] =	wrdreg s24  }
0xaf: {  	[dreg:$0x3] =	wrdreg $0x9  }
0xb0: {  	_ =	task.clear_ibuf [dreg:s6], $0x4FFFF;
	_ =	strace $0x9000005E  }
0xb1: {  	s29 =	simm.s32 $0x9;
	_ =	strace $0x80000060  }
0xb2: {  	_ =	swait.ge [sflag:s29], $0x1  }
0xb3: {  	[sflag:s29] =	ssyncadd.s32 $0xFFFFFFFF  }
0xb4: {  	_ =	strace $0x90000060  }
0xb5: {  	_ =	sfence  }
0xb6: {  	s30 =	sld [smem:$0x0];
	_ =	sdelay $0x2  }
0xb7: {  	s31 =	sshll.u32 s1, $0xD;
	s1 =	sshrl.u32 s1, $0x2  }
0xb8: {  	s3 =	sand.u32 $0x4000, s31;
	s1 =	sadd.s32 s1, s30  }
0xb9: {  	s0 =	sor.u32 s3, s0;
	s1 =	sshll.u32 s1, $0x11  }
0xba: {  	s0 =	sor.u32 s1, s0  }
0xbb: {  	s0 =	sadd.s32 $0x8F2B, s0  }
0xbc: {  	[sflag:s0] =	ssyncadd.remote.s32 $0x1  }
0xbd: {  	_ =	sfence.sel $0xFFFF  }
0xbe: {  	[dreg:$0x0] =	wrdreg $0xFFFFFFFF;
	(pc) =	sbr.abs _section_cstart, $3  }
0xbf: {  	[dreg:$0x1] =	wrdreg $0xFFFFFFFF  }
0xc0: {  	_ =	task.clear_ibuf [dreg:s6], $0x2FFFF;
	_ =	strace $0x9FFFFFFF  }
0xc1: {  	(tm) =	ssettm $0x7FFFFFFF  }
tec
execute0_lowered:
.L_overlay_start_1:
0x0: {  	(tag) =	ssettag $0x1  }
0x1: {  	s8 =	rddreg [dreg:$0x0]  }
0x2: {  	s0 =	rddreg [dreg:$0x1];
	s1 =	srdreg.scid;
	_ =	strace $0x8000005F  }
0x3: {  	s4 =	simm.s32 $0x1;
	s6 =	simm.s32 $0x2;
	s10 =	simm.s32 $0x3  }
0x4: {  	p3 =	por $0x0, $0x0;
	s11 =	simm.s32 $0x80;
	s3 =	sshll.u32 s1, $0x4  }
.Ltmp0:
0x5: {  	s1 =	stileid.u32;
	s5 =	sand.u32 $0x10, s3;
	(pc) =	sbr.rel .LBB2_1-.Ltmp0, $4  }
0x6: {  	s2 =	sadd.s32 $0x287E00, s8;
	[sflag:s4] =	ssyncpa.u1 $0x0;
	s5 =	sor.u32 s1, s5  }
0x7: {  	s7 =	sadd.s32 $0x597E00, s8;
	[sflag:s6] =	ssyncpa.u1 $0x0;
	s5 =	smul.u32 $0x8080, s5  }
0x8: {  	s3 =	sadd.s32 $0x43200, s8;
	s8 =	sadd.s32 $0x63400, s8;
	[sflag:s10] =	ssyncpa.u1 $0x0  }
0x9: {  	v0 =	vlaneseq.u32;
	s10 =	simm.s32 $0x0;
	s9 =	sadd.s32 $0x8080, s5;
	s12 =	smov.u32 s5  }
.LBB2_6:
0xa: {  	s15 =	sadd.s32 s17, s15  }
0xb: {  	v2 =	vld.msk [tilespmem:s15+$0x0 ss:$0x1], $0x1;
	_ =	sdelay $0x2  }
0xc: {  	(v2sf) =	vpush v1, $0x1  }
0xd: {  	(v2sf) =	vpush v1, $0x0  }
0xe: {  	(v2sf) =	vpush v2, $0x0;
	_ =	sdelay $0xc  }
0xf: {  	p0 =	seq.s32 s18, $0xFC;
	s15 =	simm.s32 $0x1;
	s18 =	spop (v2sf)  }
0x10: {  	s15 =	simm.s32 @!p0 $0x2;
	s18 =	simm.s32 @p1 $0xFFFFFFFF;
	s19 =	spop (v2sf)  }
0x11: {  	v1 =	vmov s15;
	p0 =	sne.s32 s19, s18;
	s18 =	simm.s32 $0x1;
	s28 =	spop (v2sf)  }
0x12: {  	vm0 =	vgt.u32 v1, v0;
	s18 =	simm.s32 @!p0 $0x0;
	s29 =	sshll.u32 s28, $0x9;
	s15 =	sshll.u32 s28, $0x7  }
0x13: {  	s16 =	sadd.s32 s18, s16;
	s19 =	sand.u32 $0xFFFFF000, s29;
	s15 =	sand.u32 $0x380, s15  }
0x14: {  	s16 =	sshll.u32 s16, $0xB;
	s15 =	sor.u32 s15, s19  }
0x15: {  	s16 =	sshra.s32 s16, $0x2;
	s15 =	sshrl.u32 s15, $0x3  }
0x16: {  	s13 =	sadd.s32 s17, s13;
	s14 =	sadd.s32 s16, s14;
	s15 =	sadd.s32 s7, s15  }
0x17: {  	[hbm:s15] =	stream.strided.scatter [tilespmem:s14], [sflag:$0x3], $0x200, s11, s11, $0x38;
	[tilespmem:$0x10100] =	vst v63  }
0x18: {  	v1 =	vld.msk [tilespmem:s13+$0x0 ss:$0x1], vm0;
	_ =	sdelay $0x4  }
0x19: {  	(v2sf) =	vpush v1, $0x1  }
0x1a: {  	(v2sf) =	vpush v1, $0x0;
	_ =	sdelay $0xb  }
0x1b: {  	s13 =	sld [smem:$0x7FC];
	_ =	sdelay $0x1  }
0x1c: {  	s30 =	spop (v2sf)  }
0x1d: {  	p3 =	seq.s32 s13, $0x1;
	s31 =	spop (v2sf)  }
.LBB2_7:
0x1e: {  	p0 =	slt.u32 s10, $0x2;
	s10 =	sadd.s32 $0x1, s10  }
0x1f: {  	p2 =	sne.s32 s10, $0x204  }
.Ltmp1:
0x20: {  	_ = 	snop;
	(pc) =	sbr.rel @!p2 .LBB2_8-.Ltmp1, $4  }
0x21: {  	s13 =	simm.s32 @!p0 $0x3  }
0x22: {  	s14 =	sadd.s32 $0x40, s12;
	_ =	swait.ge @!p0 [sflag:s13], $0x8000  }
0x23: {  	s12 =	smov.u32 s5;
	p1 =	slt.s32 s14, s9;
	[sflag:s13] =	ssyncset.done @!p0 $0x0  }
0x24: {  	p3 =	por !p3, !p3;
	s12 =	smov.u32 @p1 s14;
	[sflag:s13] =	ssyncadd.s32 @!p0 $0xFFFF8000  }
.LBB2_1:
0x25: {  	p0 =	sgt.u32 s10, $0x201  }
0x26: {  	s13 =	sxor.u32 @!p0 $0xFFFFFFFF, s10  }
0x27: {  	s14 =	sshrl.u32 @!p0 s12, $0x3;
	s13 =	sshll.u32 @!p0 s13, $0x6  }
0x28: {  	s16 =	sand.u32 @!p0 $0x7, s12;
	s15 =	sadd.s32 @!p0 s3, s14;
	s13 =	sand.u32 @!p0 $0x40, s13  }
0x29: {  	[tilespmem:s13], [sflag:$0x2] =	stream.linear.gather @!p0 [hbm4b:s15+s16], $0x40, $0x38;
	[tilespmem:$0x10100] =	vst v63  }
0x2a: {  	s31 =	sadd.s32 $0xFFFFFFFF, s10;
	s14 =	sadd.s32 @!p0 s8, s14;
	s13 =	sor.u32 @!p0 $0x80, s13  }
0x2b: {  	[tilespmem:s13], [sflag:$0x2] =	stream.linear.gather @!p0 [hbm4b:s14+s16], $0x40, $0x38;
	[tilespmem:$0x10100] =	vst v63  }
0x2c: {  	p0 =	sgt.u32 s31, $0x201  }
.Ltmp2:
0x2d: {  	_ = 	snop;
	(pc) =	sbr.rel @p0 .LBB2_7-.Ltmp2, $1  }
0x2e: {  	_ =	sdelay $0x3  }
0x2f: {  	p0 =	por $0x0, $0x0;
	s13 =	simm.s32 $0x1  }
0x30: {  	s13 =	simm.s32 @!p0 $0x2  }
0x31: {  	v1 =	vmov s13  }
0x32: {  	s14 =	simm.s32 @!p3 $0x0;
	vm0 =	vgt.u32 v1, v0  }
0x33: {  	s14 =	simm.s32 @p3 $0x1  }
0x34: {  	s13 =	simm.s32 $0x1;
	[smem:$0x7FC] =	sst s14  }
0x35: {  	s13 =	simm.s32 @!p3 $0x0;
	_ =	swait.ge [sflag:s6], $0x80  }
0x36: {  	s13 =	sshll.u32 s13, $0x6;
	[sflag:s6] =	ssyncset.done $0x0  }
0x37: {  	[sflag:s6] =	ssyncadd.s32 $0xFFFFFF80;
	s26 =	sadd.s32 $0x0, s13  }
0x38: {  	v2 =	vld.msk [tilespmem:s26+$0x0 ss:$0x1], vm0;
	_ =	sdelay $0x4  }
0x39: {  	(v2sf) =	vpush v2, $0x1  }
0x3a: {  	p1 =	por $0x0, $0x0;
	s14 =	simm.s32 $0x1;
	(v2sf) =	vpush v2, $0x0  }
0x3b: {  	s14 =	simm.s32 @!p1 $0x2  }
0x3c: {  	v1 =	vmov s14  }
0x3d: {  	vm12 =	vgt.u32 v1, v0;
	_ =	sdelay $0x3  }
0x3e: {  	p2 =	por $0x0, $0x0;
	s15 =	simm.s32 $0x1  }
0x3f: {  	s15 =	simm.s32 @!p2 $0x2;
	s28 =	sadd.s32 $0x1, s13  }
0x40: {  	v1 =	vmov s15;
	v3 =	vld.msk [tilespmem:s28+$0x0 ss:$0x1], vm12  }
0x41: {  	vm13 =	vgt.u32 v1, v0;
	_ =	sdelay $0x2  }
0x42: {  	p0 =	por p0, p0  }
0x43: {  	p0 =	por p0, p0;
	(v2sf) =	vpush v3, $0x1;
	s14 =	spop (v2sf)  }
0x44: {  	s29 =	sadd.s32 $0x2, s13;
	s14 =	simm.s32 @p0 $0xFFFFFFFF;
	s16 =	spop (v2sf)  }
0x45: {  	v1 =	vld.msk [tilespmem:s29+$0x0 ss:$0x1], vm13;
	(v2sf) =	vpush v3, $0x0;
	p0 =	seq.s32 s16, s14  }
0x46: {  	vm0 =	vgt.s32 @!p0 v2, $0x0  }
0x47: {  	v2 =	vnsel @!p0 vm0, $0x0, v2  }
0x48: {  	v2 =	vmin.u32 @!p0 v2, $0xC3FF  }
0x49: {  	(v2sf) =	vpush @!p0 v2, $0x0  }
0x4a: {  	(v2sf) =	vpush v1, $0x1  }
0x4b: {  	(v2sf) =	vpush v1, $0x0  }
0x4c: {  	s30 =	sand.u32 $0x1, s10;
	p4 =	por $0x0, $0x0;
	s17 =	simm.s32 $0x0  }
0x4d: {  	s21 =	simm.s32 $0x14;
	s19 =	simm.s32 $0x18;
	s16 =	simm.s32 $0x1  }
0x4e: {  	p2 =	por p2, p2;
	p1 =	por p1, p1;
	s16 =	simm.s32 @!p4 $0x2  }
0x4f: {  	s22 =	simm.s32 $0x1;
	p2 =	por p2, p2;
	p1 =	por p1, p1;
	v2 =	vmov s16  }
0x50: {  	s15 =	sor.u32 $0x80, s13;
	s24 =	sadd.s32 $0x3, s13;
	s14 =	sshll.u32 s30, $0xF;
	vm14 =	vgt.u32 v2, v0  }
0x51: {  	s31 =	sadd.s32 $0x4, s13;
	s14 =	sor.u32 $0x100, s14;
	s20 =	simm.s32 @!p0 $0x1  }
0x52: {  	p5 =	por p0, p0;
	p4 =	por p4, p4;
	s16 =	spop (v2sf)  }
0x53: {  	s20 =	smov.u32 @p0 s17;
	s16 =	simm.s32 @p1 $0xFFFFFFFF;
	p1 =	por $0x0, $0x0  }
0x54: {  	s17 =	simm.s32 @!p0 $0x80;
	s22 =	simm.s32 @!p1 $0x2;
	s23 =	spop (v2sf)  }
0x55: {  	s18 =	sadd.s32 @!p0 $0x0, s14;
	p5 =	por p5, p5;
	v4 =	vmov s22;
	p3 =	seq.s32 s23, s16  }
0x56: {  	vm15 =	vgt.u32 v4, v0;
	v2 =	vld.msk [tilespmem:s24+$0x0 ss:$0x1], vm14;
	s24 =	simm.s32 $0x1C;
	s16 =	sadd.s32 @!p3 $0x1, s20;
	s22 =	sshll.u32 @!p3 s20, $0xB  }
0x57: {  	vm1 =	vgt.s32 @!p3 v3, $0x0;
	s22 =	sshra.s32 @!p3 s22, $0x2;
	s16 =	smov.u32 @p3 s20;
	s20 =	simm.s32 @!p3 $0x80  }
0x58: {  	v3 =	vnsel @!p3 vm1, $0x0, v3;
	s23 =	sadd.s32 @!p3 s22, s14;
	s22 =	spop @!p0 (v2sf);
	p0 =	por p3, p3  }
0x59: {  	v3 =	vmin.u32 @!p3 v3, $0xC3FF;
	s25 =	simm.s32 @!p0 $0x0;
	s26 =	spop (v2sf);
	s28 =	sshll.u32 @!p5 s22, $0x4  }
0x5a: {  	(v2sf) =	vpush @!p3 v3, $0x0;
	s25 =	simm.s32 @p0 $0x1;
	s26 =	simm.s32 @p2 $0xFFFFFFFF;
	s29 =	spop (v2sf)  }
0x5b: {  	(v2sf) =	vpush v2, $0x1;
	s28 =	sand.u32 @!p5 $0x70, s28;
	[smem:$0x7FD] =	sst s25;
	p6 =	seq.s32 s29, s26  }
0x5c: {  	(v2sf) =	vpush v2, $0x0;
	s26 =	sshll.u32 @!p5 s22, $0x6;
	s25 =	sadd.s32 @!p5 s2, s28;
	s22 =	smov.u32 s16;
	v3 =	vld.msk [tilespmem:s31+$0x0 ss:$0x1], vm15  }
.LBB2_3:
0x5d: {  	s28 =	simm.s32 @!p3 $0x0;
	s29 =	smov.u32 s19;
	s19 =	smov.u32 s24  }
0x5e: {  	s24 =	sadd.s32 $0x4, s24;
	s30 =	smov.u32 s23;
	p0 =	por p5, p5  }
0x5f: {  	s31 =	sld [smem:$0x7FD];
	s28 =	simm.s32 @p3 $0x1;
	p3 =	por p6, p6  }
0x60: {  	p2 =	sne.s32 s24, $0x100;
	[smem:$0x7FA] =	sst s28;
	s28 =	smov.u32 s16  }
0x61: {  	vm0 =	vgt.s32 @!p6 v1, $0x0;
	s16 =	sadd.s32 @!p6 $0x1, s16;
	p6 =	por p4, p4;
	s23 =	simm.s32 @!p2 $0x0  }
0x62: {  	p4 =	por p1, p1;
	p1 =	seq.s32 s21, $0xFC;
	s23 =	simm.s32 @p2 $0x1  }
0x63: {  	s22 =	sshll.u32 @!p3 s22, $0xB;
	[smem:$0x7FB] =	sst s23;
	s23 =	simm.s32 $0x1  }
0x64: {  	s16 =	smov.u32 @p3 s28;
	s28 =	simm.s32 @!p3 $0x80;
	s23 =	simm.s32 @!p1 $0x2  }
0x65: {  	p2 =	seq.s32 s31, $0x1;
	s31 =	sshra.s32 s21, $0x2;
	v5 =	vmov s23;
	s23 =	sand.u32 @!p0 $0x3FFE00, s26  }
0x66: {  	p5 =	por p2, p2;
	p2 =	por p3, p3;
	s25 =	sadd.s32 @!p0 s23, s25  }
0x67: {  	[tilespmem:s18], [sflag:$0x1] =	stream.strided.gather @!p0 [hbm:s25], $0x200, s17, s17, $0x38;
	[tilespmem:$0x10100] =	vst v63  }
0x68: {  	s17 =	smov.u32 s20;
	s20 =	smov.u32 s28;
	s28 =	sld [smem:$0x7FA]  }
0x69: {  	s26 =	sshra.s32 @!p3 s22, $0x2;
	s25 =	sadd.s32 s31, s13;
	s31 =	sld [smem:$0x7FB]  }
0x6a: {  	s23 =	sadd.s32 @!p3 s26, s14;
	s26 =	simm.s32 @!p2 $0x0  }
0x6b: {  	vm15 =	vgt.u32 v5, v0;
	s26 =	simm.s32 @p2 $0x1;
	p0 =	seq.s32 s28, $0x1  }
0x6c: {  	[smem:$0x7FD] =	sst s26;
	s26 =	spop @!p0 (v2sf);
	p0 =	seq.s32 s31, $0x1  }
.Ltmp3:
0x6d: {  	v4 =	vnsel @!p3 vm0, $0x0, v1;
	(pc) =	sbr.rel @p0 .LBB2_3-.Ltmp3, $4  }
0x6e: {  	v4 =	vmin.u32 @!p3 v4, $0xC3FF;
	s21 =	smov.u32 s29;
	s22 =	smov.u32 s16  }
0x6f: {  	(v2sf) =	vpush @!p3 v4, $0x0;
	s18 =	smov.u32 s30;
	s28 =	spop (v2sf);
	s29 =	sshll.u32 @!p5 s26, $0x4  }
0x70: {  	v1 =	vmov v2;
	v2 =	vmov v3;
	(v2sf) =	vpush v3, $0x1;
	s28 =	simm.s32 @p6 $0xFFFFFFFF;
	s30 =	spop (v2sf);
	s29 =	sand.u32 @!p5 $0x70, s29  }
0x71: {  	(v2sf) =	vpush v2, $0x0;
	v3 =	vld.msk [tilespmem:s25+$0x0 ss:$0x1], vm15;
	s26 =	sshll.u32 @!p5 s26, $0x6;
	p6 =	seq.s32 s30, s28;
	s25 =	sadd.s32 @!p5 s2, s29  }
0x72: {  	_ = 	snop  }
0x73: {  	vm0 =	vgt.s32 @!p6 v1, $0x0  }
0x74: {  	v1 =	vnsel @!p6 vm0, $0x0, v1  }
0x75: {  	v1 =	vmin.u32 @!p6 v1, $0xC3FF  }
0x76: {  	(v2sf) =	vpush @!p6 v1, $0x0  }
0x77: {  	(v2sf) =	vpush v3, $0x1  }
0x78: {  	p0 =	seq.s32 s21, $0xFC;
	s24 =	simm.s32 $0x1;
	(v2sf) =	vpush v3, $0x0  }
0x79: {  	s24 =	simm.s32 @!p0 $0x2  }
0x7a: {  	v1 =	vmov s24  }
0x7b: {  	vm14 =	vgt.u32 v1, v0;
	_ =	sdelay $0x1  }
0x7c: {  	p2 =	por p4, p4  }
0x7d: {  	s31 =	sshra.s32 s21, $0x2;
	p4 =	seq.s32 s19, $0xFC;
	s24 =	spop @!p3 (v2sf)  }
0x7e: {  	s29 =	simm.s32 $0x1;
	s21 =	sadd.s32 s31, s13;
	s28 =	spop (v2sf)  }
0x7f: {  	s29 =	simm.s32 @!p4 $0x2;
	s28 =	simm.s32 @p2 $0xFFFFFFFF;
	s30 =	spop (v2sf)  }
0x80: {  	v4 =	vmov s29;
	v1 =	vld.msk [tilespmem:s21+$0x0 ss:$0x1], vm14;
	p3 =	seq.s32 s30, s28  }
0x81: {  	vm1 =	vgt.u32 v4, v0;
	vm0 =	vgt.s32 @!p3 v2, $0x0  }
0x82: {  	v2 =	vnsel @!p3 vm0, $0x0, v2  }
0x83: {  	v2 =	vmin.u32 @!p3 v2, $0xC3FF  }
0x84: {  	p1 =	por p1, p1;
	s21 =	spop @!p6 (v2sf);
	(v2sf) =	vpush @!p3 v2, $0x0  }
0x85: {  	p1 =	por p1, p1;
	s30 =	sshra.s32 s19, $0x2;
	s28 =	spop (v2sf);
	(v2sf) =	vpush v1, $0x1  }
0x86: {  	s19 =	sadd.s32 s30, s13;
	s28 =	simm.s32 @p1 $0xFFFFFFFF;
	s31 =	spop (v2sf);
	(v2sf) =	vpush v1, $0x0  }
0x87: {  	v2 =	vld.msk [tilespmem:s19+$0x0 ss:$0x1], vm1;
	p1 =	seq.s32 s31, s28  }
0x88: {  	s30 =	sld [smem:$0x7FD];
	vm0 =	vgt.s32 @!p1 v3, $0x0  }
0x89: {  	v3 =	vnsel @!p1 vm0, $0x0, v3  }
0x8a: {  	p2 =	por p5, p5;
	v3 =	vmin.u32 @!p1 v3, $0xC3FF  }
0x8b: {  	s19 =	sand.u32 @!p2 $0x3FFE00, s26;
	p5 =	seq.s32 s30, $0x1;
	(v2sf) =	vpush @!p1 v3, $0x0  }
0x8c: {  	s19 =	sadd.s32 @!p2 s19, s25;
	p5 =	por p5, p5;
	(v2sf) =	vpush v2, $0x1  }
0x8d: {  	[tilespmem:s18], [sflag:$0x1] =	stream.strided.gather @!p2 [hbm:s19], $0x200, s17, s17, $0x38;
	(v2sf) =	vpush v2, $0x0;
	[tilespmem:$0x10100] =	vst v63  }
0x8e: {  	p0 =	por p0, p0;
	s17 =	sshll.u32 @!p5 s24, $0x4  }
0x8f: {  	s18 =	sshll.u32 @!p5 s24, $0x6;
	p2 =	por p5, p5;
	s17 =	sand.u32 @!p5 $0x70, s17  }
0x90: {  	p0 =	por p0, p0;
	s18 =	sand.u32 @!p2 $0x3FFE00, s18;
	s17 =	sadd.s32 @!p5 s2, s17  }
0x91: {  	p5 =	por p6, p6;
	s17 =	sadd.s32 @!p2 s18, s17;
	s18 =	sshll.u32 @!p6 s22, $0xB  }
0x92: {  	[tilespmem:s23], [sflag:$0x1] =	stream.strided.gather @!p2 [hbm:s17], $0x200, s20, s20, $0x38;
	[tilespmem:$0x10100] =	vst v63  }
0x93: {  	s17 =	sadd.s32 @!p6 $0x1, s16;
	p2 =	por p5, p5;
	s20 =	spop @!p3 (v2sf)  }
0x94: {  	s19 =	sshll.u32 @!p2 s21, $0x4;
	s21 =	sshll.u32 @!p2 s21, $0x6;
	s22 =	spop (v2sf)  }
0x95: {  	s19 =	sand.u32 @!p2 $0x70, s19;
	s22 =	simm.s32 @p0 $0xFFFFFFFF;
	s31 =	spop (v2sf)  }
0x96: {  	s19 =	sadd.s32 @!p2 s2, s19;
	p0 =	por p2, p2;
	p2 =	seq.s32 s31, s22  }
0x97: {  	s17 =	smov.u32 @p6 s16;
	s16 =	sshra.s32 @!p6 s18, $0x2;
	s18 =	sand.u32 @!p0 $0x3FFE00, s21;
	vm0 =	vgt.s32 @!p2 v1, $0x0  }
0x98: {  	s16 =	sadd.s32 @!p6 s16, s14;
	s21 =	simm.s32 @!p6 $0x80;
	s18 =	sadd.s32 @!p0 s18, s19;
	v1 =	vnsel @!p2 vm0, $0x0, v1  }
0x99: {  	[tilespmem:s16], [sflag:$0x1] =	stream.strided.gather @!p0 [hbm:s18], $0x200, s21, s21, $0x38;
	v1 =	vmin.u32 @!p2 v1, $0xC3FF;
	[tilespmem:$0x10100] =	vst v63  }
0x9a: {  	p4 =	por p4, p4;
	p5 =	por p3, p3;
	s18 =	spop @!p1 (v2sf);
	(v2sf) =	vpush @!p2 v1, $0x0  }
0x9b: {  	s16 =	sadd.s32 @!p3 $0x1, s17;
	p0 =	por p4, p4;
	s19 =	spop (v2sf)  }
0x9c: {  	s16 =	smov.u32 @p3 s17;
	s19 =	simm.s32 @p0 $0xFFFFFFFF;
	s24 =	spop (v2sf)  }
0x9d: {  	s17 =	sshll.u32 @!p3 s17, $0xB;
	p0 =	por p5, p5;
	p4 =	seq.s32 s24, s19  }
0x9e: {  	p6 =	por p1, p1;
	s17 =	sshra.s32 @!p3 s17, $0x2;
	s21 =	sshll.u32 @!p0 s20, $0x4;
	vm0 =	vgt.s32 @!p4 v2, $0x0  }
0x9f: {  	s20 =	sshll.u32 @!p0 s20, $0x6;
	p5 =	por p0, p0;
	s21 =	sand.u32 @!p0 $0x70, s21;
	v1 =	vnsel @!p4 vm0, $0x0, v2  }
0xa0: {  	s17 =	sadd.s32 @!p3 s17, s14;
	s20 =	sand.u32 @!p5 $0x3FFE00, s20;
	s21 =	sadd.s32 @!p0 s2, s21;
	v1 =	vmin.u32 @!p4 v1, $0xC3FF  }
0xa1: {  	s19 =	simm.s32 @!p3 $0x80;
	p0 =	por p6, p6;
	s20 =	sadd.s32 @!p5 s20, s21;
	(v2sf) =	vpush @!p4 v1, $0x0  }
0xa2: {  	[tilespmem:s17], [sflag:$0x1] =	stream.strided.gather @!p5 [hbm:s20], $0x200, s19, s19, $0x38;
	[tilespmem:$0x10100] =	vst v63  }
0xa3: {  	p3 =	por p0, p0;
	s19 =	sshll.u32 @!p0 s18, $0x4  }
0xa4: {  	s17 =	sshll.u32 @!p1 s16, $0xB;
	s18 =	sshll.u32 @!p0 s18, $0x6;
	s19 =	sand.u32 @!p0 $0x70, s19  }
0xa5: {  	s17 =	sshra.s32 @!p1 s17, $0x2;
	s18 =	sand.u32 @!p3 $0x3FFE00, s18;
	s19 =	sadd.s32 @!p0 s2, s19  }
0xa6: {  	s20 =	simm.s32 @!p1 $0x80;
	s17 =	sadd.s32 @!p1 s17, s14;
	s18 =	sadd.s32 @!p3 s18, s19  }
0xa7: {  	[tilespmem:s17], [sflag:$0x1] =	stream.strided.gather @!p3 [hbm:s18], $0x200, s20, s20, $0x38;
	[tilespmem:$0x10100] =	vst v63  }
0xa8: {  	p5 =	por p2, p2;
	s17 =	sadd.s32 @!p1 $0x1, s16  }
0xa9: {  	p0 =	por p5, p5;
	s17 =	smov.u32 @p1 s16;
	s16 =	spop @!p2 (v2sf)  }
0xaa: {  	p1 =	por p0, p0;
	s19 =	sshll.u32 @!p0 s16, $0x4  }
0xab: {  	s18 =	sshll.u32 @!p2 s17, $0xB;
	s16 =	sshll.u32 @!p0 s16, $0x6;
	s19 =	sand.u32 @!p0 $0x70, s19  }
0xac: {  	s18 =	sshra.s32 @!p2 s18, $0x2;
	s16 =	sand.u32 @!p1 $0x3FFE00, s16;
	s19 =	sadd.s32 @!p0 s2, s19  }
0xad: {  	s20 =	simm.s32 @!p2 $0x80;
	s18 =	sadd.s32 @!p2 s18, s14;
	s16 =	sadd.s32 @!p1 s16, s19  }
0xae: {  	[tilespmem:s18], [sflag:$0x1] =	stream.strided.gather @!p1 [hbm:s16], $0x200, s20, s20, $0x38;
	[tilespmem:$0x10100] =	vst v63  }
0xaf: {  	p6 =	por p4, p4;
	s16 =	sadd.s32 @!p2 $0x1, s17  }
0xb0: {  	p0 =	por p6, p6;
	s18 =	spop @!p4 (v2sf);
	s16 =	smov.u32 @p2 s17  }
0xb1: {  	s17 =	sshll.u32 @!p0 s18, $0x4;
	s19 =	sadd.s32 @!p4 $0x1, s16  }
0xb2: {  	s20 =	sshll.u32 @!p4 s16, $0xB;
	s18 =	sshll.u32 @!p0 s18, $0x6;
	s17 =	sand.u32 @!p0 $0x70, s17  }
0xb3: {  	s19 =	smov.u32 @p4 s16;
	s17 =	sadd.s32 @!p0 s2, s17;
	p0 =	por p0, p0  }
0xb4: {  	s16 =	sshra.s32 @!p4 s20, $0x2;
	s20 =	simm.s32 @!p4 $0x80;
	s18 =	sand.u32 @!p0 $0x3FFE00, s18  }
0xb5: {  	s16 =	sadd.s32 @!p4 s16, s14;
	s25 =	sshll.u32 s19, $0x9;
	s17 =	sadd.s32 @!p0 s18, s17  }
0xb6: {  	[tilespmem:s16], [sflag:$0x1] =	stream.strided.gather @!p0 [hbm:s17], $0x200, s20, s20, $0x38;
	[tilespmem:$0x10100] =	vst v63  }
0xb7: {  	s16 =	sand.u32 $0x3FFFFE00, s25  }
0xb8: {  	_ =	swait.ge [sflag:s4], s16  }
0xb9: {  	s16 =	ssub.s32 $0x0, s16;
	[sflag:s4] =	ssyncset.done $0x0  }
0xba: {  	s26 =	sadd.s32 $0x0, s15;
	[sflag:s4] =	ssyncadd.s32 s16  }
0xbb: {  	v1 =	vld.msk [tilespmem:s26+$0x0 ss:$0x1], $0x1;
	_ =	sdelay $0x4  }
0xbc: {  	(v2sf) =	vpush v1, $0x0;
	_ =	sdelay $0xc  }
0xbd: {  	p0 =	por $0x0, $0x0;
	s16 =	simm.s32 $0x1  }
0xbe: {  	s16 =	simm.s32 @!p0 $0x2  }
0xbf: {  	v1 =	vmov s16;
	s28 =	spop (v2sf)  }
0xc0: {  	vm15 =	vgt.u32 v1, v0;
	s29 =	sshll.u32 s28, $0x9;
	s17 =	sshll.u32 s28, $0x7  }
0xc1: {  	s16 =	sand.u32 $0xFFFFF000, s29;
	s17 =	sand.u32 $0x380, s17  }
0xc2: {  	s16 =	sor.u32 s17, s16  }
0xc3: {  	s30 =	sadd.s32 $0x0, s14;
	s31 =	sadd.s32 $0x0, s13;
	s16 =	sshrl.u32 s16, $0x3  }
0xc4: {  	s19 =	simm.s32 $0x8;
	s18 =	simm.s32 $0x4;
	s16 =	sadd.s32 s7, s16  }
0xc5: {  	[hbm:s16] =	stream.strided.scatter [tilespmem:s30], [sflag:$0x3], $0x200, s11, s11, $0x38;
	[tilespmem:$0x10100] =	vst v63  }
0xc6: {  	p1 =	por p0, p0;
	s17 =	simm.s32 $0x1;
	s16 =	simm.s32 $0x0;
	v1 =	vld.msk [tilespmem:s31+$0x0 ss:$0x1], vm15  }
.LBB2_5:
0xc7: {  	p2 =	sne.s32 s19, $0xFC;
	s20 =	sadd.s32 s17, s15  }
0xc8: {  	v2 =	vld.msk [tilespmem:s20+$0x0 ss:$0x1], $0x1;
	_ =	sdelay $0x3  }
0xc9: {  	(v2sf) =	vpush v1, $0x1  }
0xca: {  	(v2sf) =	vpush v1, $0x0  }
0xcb: {  	(v2sf) =	vpush v2, $0x0;
	_ =	sdelay $0xb  }
0xcc: {  	p0 =	seq.s32 s18, $0xFC;
	s18 =	smov.u32 s19;
	s20 =	simm.s32 $0x1  }
0xcd: {  	s20 =	simm.s32 @!p0 $0x2;
	s21 =	spop (v2sf)  }
0xce: {  	s21 =	simm.s32 @p1 $0xFFFFFFFF;
	s22 =	spop (v2sf);
	p1 =	por p0, p0  }
0xcf: {  	v1 =	vmov s20;
	s20 =	spop (v2sf);
	p0 =	sne.s32 s22, s21;
	s22 =	simm.s32 $0x1  }
0xd0: {  	vm0 =	vgt.u32 v1, v0;
	s21 =	sshll.u32 s20, $0x9;
	s20 =	sshll.u32 s20, $0x7;
	s22 =	simm.s32 @!p0 $0x0  }
0xd1: {  	s21 =	sand.u32 $0xFFFFF000, s21;
	s20 =	sand.u32 $0x380, s20;
	s16 =	sadd.s32 s22, s16  }
.Ltmp4:
0xd2: {  	s20 =	sor.u32 s20, s21;
	s21 =	sshll.u32 s16, $0xB;
	(pc) =	sbr.rel @p2 .LBB2_5-.Ltmp4, $4  }
0xd3: {  	s20 =	sshrl.u32 s20, $0x3;
	s21 =	sshra.s32 s21, $0x2  }
0xd4: {  	s22 =	sadd.s32 s17, s13;
	s21 =	sadd.s32 s21, s14;
	s20 =	sadd.s32 s7, s20  }
0xd5: {  	[hbm:s20] =	stream.strided.scatter [tilespmem:s21], [sflag:$0x3], $0x200, s11, s11, $0x38;
	[tilespmem:$0x10100] =	vst v63  }
0xd6: {  	s19 =	sadd.s32 $0x4, s19;
	s17 =	sshra.s32 s18, $0x2;
	v1 =	vld.msk [tilespmem:s22+$0x0 ss:$0x1], vm0  }
.Ltmp5:
0xd7: {  	_ = 	snop;
	(pc) =	sbr.rel .LBB2_6-.Ltmp5, $1  }
0xd8: {  	_ =	sdelay $0x3  }
.LBB2_8:
0xd9: {  	_ =	sfence.sel $0x180000  }
0xda: {  	s2 =	simm.s32 $0x2;
	[bflag:$0x0] =	sbarrier.arrive $0xFFFF  }
0xdb: {  	s30 =	simm.s32 $0x3;
	[sflag:s2] =	ssyncpa.u1 $0x1  }
0xdc: {  	s31 =	simm.s32 $0x1;
	[sflag:s30] =	ssyncpa.u1 $0x1  }
0xdd: {  	[sflag:s31] =	ssyncpa.u1 $0x1  }
0xde: {  	p0 =	sne.s32 s1, $0x0;
	_ =	strace $0x9000005F  }
0xdf: {  	s0 =	sadd.s32 @!p0 $0x100000, s0;
	[bflag:$0x2] =	sbarrier.arrive $0xFFFF  }
0xe0: {  	[sflag:s0] =	ssyncadd.tile.s32 @!p0 $0x1;
	_ =	shalt  }
.Lfunc_end2:
_tile_overlayer_lowered:
.L_overlay_start_2:
0xe1: {  	(tag) =	ssettag $0x2  }
0xe2: {  	s0 =	rddreg [dreg:$0x0];
	s2 =	stileid.u32  }
0xe3: {  	s1 =	rddreg [dreg:$0x1];
	p0 =	sne.s32 s2, $0x0  }
0xe4: {  	s3 =	rddreg [dreg:$0x2];
	[bflag:$0x3] =	sbarrier.arrive $0xFFFF;
	s2 =	simm.s32 @!p0 $0x1C01  }
0xe5: {  	[timem:s3], [sflag:s2] =	dma.local @!p0 [hbm:s0], s1  }
0xe6: {  	s0 =	simm.s32 @!p0 $0x1  }
0xe7: {  	_ =	swait.ge @!p0 [sflag:s0], s1  }
0xe8: {  	s1 =	ssub.s32 @!p0 $0x0, s1;
	[sflag:s0] =	ssyncset.done @!p0 $0x0  }
0xe9: {  	[sflag:s0] =	ssyncadd.s32 @!p0 s1  }
0xea: {  	[bflag:$0x3] =	sbarrier.arrive $0xFFFF  }
0xeb: {  	_ =	shalt  }

// kernel: gather_offload_async_start
scs
__scs_entry_jumppad:
0x0: {  	(pc) =	sbr.rel $0x88, $3  }
0x1: {  	(tag) =	ssettag $0x0;
	lr =	simm.s32 $0x1  }
0x2: {  	[smem:$0x3F95] =	sst lr;
	_ =	strace $0xD0000000  }
0x3: {  	_ = 	snop  }
0x4: {  	_ = 	snop  }
0x5: {  	_ = 	snop  }
0x6: {  	_ = 	snop  }
0x7: {  	_ = 	snop  }
__scs_overlays_trampoline_lowered:
0x8: {  	[smem:$0x3FA4] =	sst s0  }
0x9: {  	[smem:$0x3FA5] =	sst s1  }
0xa: {  	[smem:$0x3FA6] =	sst s2  }
0xb: {  	[smem:$0x3FA7] =	sst s3  }
0xc: {  	[smem:$0x3FA8] =	sst s4  }
0xd: {  	[smem:$0x3FA9] =	sst s5  }
0xe: {  	[smem:$0x3FAA] =	sst s6  }
0xf: {  	[smem:$0x3FAB] =	sst s7  }
0x10: {  	[smem:$0x3FAC] =	sst s8  }
0x11: {  	[smem:$0x3FAD] =	sst s9;
	s0 =	simm.s32 @!p0 $0x0  }
0x12: {  	s1 =	sld [smem:$0x3F93];
	s0 =	simm.s32 @p0 $0x1  }
0x13: {  	[smem:$0x3FAE] =	sst s0;
	s0 =	simm.s32 @!p1 $0x0  }
0x14: {  	s2 =	sld [smem:$0x3F92];
	s0 =	simm.s32 @p1 $0x1  }
0x15: {  	[smem:$0x3FAF] =	sst s0;
	s0 =	simm.s32 @!p2 $0x0  }
0x16: {  	s3 =	sld [smem:$0x3FDB];
	s0 =	simm.s32 @p2 $0x1  }
0x17: {  	s4 =	simm.s32 $0x1BF5;
	[smem:$0x3FB1] =	sst s0  }
0x18: {  	s0 =	sld [smem:$0x3F94];
	_ =	swait.ge [sflag:s4], $0x0  }
0x19: {  	s7 =	sld [smem:$0x3F95]  }
0x1a: {  	s8 =	sadd.s32 $0xFFFFE003, lr  }
0x1b: {  	s9 =	sadd.s32 $0xFFFFFEF7, lr;
	s5 =	simm.s32 $0xFFFFFFFF;
	p2 =	slt.u32 s8, $0xFFFFF086  }
0x1c: {  	p1 =	slt.u32 s9, $0xF7A;
	s5 =	simm.s32 @!p2 $0x0  }
0x1d: {  	s5 =	simm.s32 @p1 $0x1;
	p0 =	seq.s32 s7, s2  }
0x1e: {  	s7 =	smul.u32 @!p0 $0xF7A, s2;
	p2 =	seq.s32 @!p0 s5, $0x0  }
0x1f: {  	s9 =	smul.u32 $0xF7A, s1;
	s8 =	simm.s32 @!p0 $0x1BF5;
	p2 =	por !p2, p0  }
0x20: {  	[sflag:s8] =	ssyncset.s32 @!p0 $0xFFFFF086;
	s6 =	sadd.s32 @!p0 s3, s7;
	s7 =	simm.s32 @!p0 $0x108  }
0x21: {  	s3 =	sadd.s32 s3, s9;
	s6 =	sadd.s32 @!p0 $0x88, s6;
	s7 =	simm.s32 @p2 $0x1082  }
0x22: {  	[simem:s7], [sflag:s8] =	dma.local @!p0 [hbm:s6], $0xF7A  }
0x23: {  	s9 =	sor.u32 $0xD0000000, s2;
	s6 =	simm.s32 $0x108;
	_ =	swait.ge @!p0 [sflag:s8], $0x0  }
0x24: {  	s3 =	sadd.s32 $0x88, s3;
	s6 =	simm.s32 @!p1 $0x1082;
	[sflag:s4] =	ssyncset.s32 $0xFFFFF086  }
0x25: {  	[simem:s6], [sflag:s4] =	dma.local [hbm:s3], $0xF7A  }
0x26: {  	[smem:$0x3F95] =	sst s1;
	(tag) =	ssettag s2;
	_ =	strace s9  }
0x27: {  	s1 =	sld [smem:$0x3FA5]  }
0x28: {  	s2 =	sld [smem:$0x3FA6]  }
0x29: {  	s4 =	sld [smem:$0x3FA8]  }
0x2a: {  	p0 =	seq.s32 s5, $0x0;
	s5 =	sld [smem:$0x3FA9]  }
0x2b: {  	s6 =	sld [smem:$0x3FAA]  }
0x2c: {  	s7 =	sld [smem:$0x3FAB]  }
0x2d: {  	s3 =	simm.s32 $0x108;
	s8 =	sld [smem:$0x3FAC]  }
0x2e: {  	s3 =	simm.s32 @!p0 $0x1082;
	s9 =	sld [smem:$0x3FAD]  }
0x2f: {  	lr =	sadd.s32 s0, s3;
	s0 =	sld [smem:$0x3FA4]  }
0x30: {  	s3 =	sld [smem:$0x3FA7]  }
0x31: {  	[smem:$0x3FB0] =	sst s10  }
0x32: {  	s10 =	sld [smem:$0x3FAE];
	_ =	sdelay $0x3  }
0x33: {  	p0 =	seq.s32 s10, $0x1;
	s10 =	sld [smem:$0x3FB0];
	_ =	sdelay $0x3  }
0x34: {  	[smem:$0x3FB0] =	sst s10  }
0x35: {  	s10 =	sld [smem:$0x3FAF];
	_ =	sdelay $0x3  }
0x36: {  	p1 =	seq.s32 s10, $0x1;
	s10 =	sld [smem:$0x3FB0];
	_ =	sdelay $0x3  }
0x37: {  	[smem:$0x3FB0] =	sst s10  }
0x38: {  	s10 =	sld [smem:$0x3FB1]  }
0x39: {  	_ = 	snop;
	(pc) =	sbr.ind lr, $3  }
0x3a: {  	_ = 	snop  }
0x3b: {  	_ = 	snop  }
0x3c: {  	p2 =	seq.s32 s10, $0x1;
	s10 =	sld [smem:$0x3FB0]  }
0x3d: {  	_ =	shalt  }
0x3e: {  	_ =	shalt  }
0x3f: {  	_ =	shalt  }
0x40: {  	_ =	shalt  }
0x41: {  	_ =	shalt  }
0x42: {  	_ =	shalt  }
0x43: {  	_ =	shalt  }
0x44: {  	_ =	shalt  }
0x45: {  	_ =	shalt  }
0x46: {  	_ =	shalt  }
0x47: {  	_ =	shalt  }
0x48: {  	_ =	shalt  }
0x49: {  	_ =	shalt  }
0x4a: {  	_ =	shalt  }
0x4b: {  	_ =	shalt  }
0x4c: {  	_ =	shalt  }
0x4d: {  	_ =	shalt  }
0x4e: {  	_ =	shalt  }
0x4f: {  	_ =	shalt  }
0x50: {  	_ =	shalt  }
0x51: {  	_ =	shalt  }
0x52: {  	_ =	shalt  }
0x53: {  	_ =	shalt  }
0x54: {  	_ =	shalt  }
0x55: {  	_ =	shalt  }
0x56: {  	_ =	shalt  }
0x57: {  	_ =	shalt  }
0x58: {  	_ =	shalt  }
0x59: {  	_ =	shalt  }
0x5a: {  	_ =	shalt  }
0x5b: {  	_ =	shalt  }
0x5c: {  	_ =	shalt  }
0x5d: {  	_ =	shalt  }
0x5e: {  	_ =	shalt  }
0x5f: {  	_ =	shalt  }
0x60: {  	_ =	shalt  }
0x61: {  	_ =	shalt  }
0x62: {  	_ =	shalt  }
0x63: {  	_ =	shalt  }
0x64: {  	_ =	shalt  }
0x65: {  	_ =	shalt  }
0x66: {  	_ =	shalt  }
0x67: {  	_ =	shalt  }
0x68: {  	_ =	shalt  }
0x69: {  	_ =	shalt  }
0x6a: {  	_ =	shalt  }
0x6b: {  	_ =	shalt  }
0x6c: {  	_ =	shalt  }
0x6d: {  	_ =	shalt  }
0x6e: {  	_ =	shalt  }
0x6f: {  	_ =	shalt  }
0x70: {  	_ =	shalt  }
0x71: {  	_ =	shalt  }
0x72: {  	_ =	shalt  }
0x73: {  	_ =	shalt  }
0x74: {  	_ =	shalt  }
0x75: {  	_ =	shalt  }
0x76: {  	_ =	shalt  }
0x77: {  	_ =	shalt  }
0x78: {  	_ =	shalt  }
0x79: {  	_ =	shalt  }
0x7a: {  	_ =	shalt  }
0x7b: {  	_ =	shalt  }
0x7c: {  	_ =	shalt  }
0x7d: {  	_ =	shalt  }
0x7e: {  	_ =	shalt  }
0x7f: {  	_ =	shalt  }
0x80: {  	_ =	shalt  }
0x81: {  	_ =	shalt  }
0x82: {  	_ =	shalt  }
0x83: {  	_ =	shalt  }
0x84: {  	_ =	shalt  }
0x85: {  	_ =	shalt  }
0x86: {  	_ =	shalt  }
0x87: {  	_ =	shalt  }
.Lfunc_end0:
.L_simem_size_0:
called_computation.1_lowered:
.L_overlay_start_0:
0x88: {  	s0 =	sld [smem:$0x3FD9]  }
0x89: {  	s1 =	sld [smem:$0x3FFE];
	_ =	sdelay $0x3  }
0x8a: {  	s0 =	sadd.s32 s1, s0  }
0x8b: {  	[smem:$0x3FBC] =	sst s0  }
0x8c: {  	_ = 	snop  }
0x8d: {  	(tm) =	ssettm $0x1  }
0x8e: {  	s15 =	sld [smem:$0x3FFB];
	_ =	sdelay $0x3  }
0x8f: {  	_ =	strace s15  }
0x90: {  	s0 =	sld [smem:$0x3FFC];
	_ =	sdelay $0x3  }
0x91: {  	_ =	strace s0  }
0x92: {  	s0 =	sld [smem:$0x3FFD];
	_ =	sdelay $0x3  }
0x93: {  	_ =	strace s0  }
0x94: {  	_ =	strace $0x8FFFFFFF  }
0x95: {  	s16 =	sld [smem:$0x3FDB];
	_ =	sdelay $0x1  }
0x96: {  	s17 =	simm.s32 $_scs_section_size  }
0x97: {  	s2 =	simm.s32 $_size__tile_overlayer_lowered;
	s3 =	simm.s32 $_tile_overlayer_lowered  }
0x98: {  	s20 =	simm.s32 $0x1BFF;
	s19 =	sshll.u32 s3, $0x1;
	s0 =	sadd.s32 s17, s16  }
0x99: {  	s4 =	simm.s32 $0x0;
	s18 =	sshll.u32 s2, $0x1;
	s2 =	sadd.s32 s19, s0  }
0x9a: {  	[timem:s4], [sflag:s20] =	dma.local [hbm:s2], s18  }
0x9b: {  	_ =	swait.ge [sflag:s20], s18  }
0x9c: {  	s1 =	ssub.s32 $0x0, s18;
	[sflag:s20] =	ssyncset.done $0x0  }
0x9d: {  	[sflag:s20] =	ssyncadd.s32 s1;
	_ =	sdelay $0x1  }
0x9e: {  	s21 =	simm.s32 $0x1B8B  }
0x9f: {  	_ =	swait.ge [sflag:s21], $0x1  }
0xa0: {  	[sflag:s21] =	ssyncset.done $0x0  }
0xa1: {  	s23 =	simm.s32 $0x1B8E;
	s22 =	sld [smem:$0x3FFE];
	[sflag:s21] =	ssyncadd.s32 $0xFFFFFFFF  }
0xa2: {  	s24 =	simm.s32 $execute0_lowered;
	[smem:$0x3FD2] =	sst s23  }
0xa3: {  	s2 =	sshll.u32 s24, $0x1;
	_ =	strace $0x80000046;
	[dreg:$0x1] =	wrdreg $0xFFFFFFFF  }
0xa4: {  	s25 =	simm.s32 $_size_execute0_lowered;
	s0 =	sadd.s32 s0, s2;
	[dreg:$0x0] =	wrdreg $0x0  }
0xa5: {  	s2 =	sshll.u32 s25, $0x1;
	[dreg:$0x2] =	wrdreg s0  }
0xa6: {  	[dreg:$0x3] =	wrdreg s2  }
0xa7: {  	[dreg:$0x4] =	wrdreg $0xC0  }
0xa8: {  	_ =	task [dreg:s4], $0x5FFFF  }
0xa9: {  	[dreg:$0x1] =	wrdreg $0xFFFFFFFF  }
0xaa: {  	[dreg:$0x0] =	wrdreg $0x60  }
0xab: {  	[dreg:$0x2] =	wrdreg s22  }
0xac: {  	[dreg:$0x3] =	wrdreg $0x9  }
0xad: {  	_ =	task.clear_ibuf [dreg:s4], $0x4FFFF;
	_ =	strace $0x90000046  }
0xae: {  	s26 =	simm.s32 $0x9;
	_ =	strace $0x80000048  }
0xaf: {  	_ =	swait.ge [sflag:s26], $0x1  }
0xb0: {  	[sflag:s26] =	ssyncadd.s32 $0xFFFFFFFF  }
0xb1: {  	_ =	strace $0x90000048  }
0xb2: {  	_ =	sfence  }
0xb3: {  	s28 =	sld [smem:$0x0];
	_ =	sdelay $0x1  }
0xb4: {  	s29 =	srdreg.scid  }
0xb5: {  	s30 =	sshll.u32 s29, $0xD;
	s31 =	sshrl.u32 s29, $0x2  }
0xb6: {  	s1 =	sand.u32 $0x1, s29;
	s2 =	sand.u32 $0x4000, s30;
	s0 =	sadd.s32 s31, s28  }
0xb7: {  	s1 =	sor.u32 s2, s1;
	s0 =	sshll.u32 s0, $0x11  }
0xb8: {  	s0 =	sor.u32 s0, s1  }
0xb9: {  	s0 =	sadd.s32 $0x8F2B, s0  }
0xba: {  	[sflag:s0] =	ssyncadd.remote.s32 $0x1  }
0xbb: {  	_ =	sfence.sel $0xFFFF  }
0xbc: {  	[dreg:$0x0] =	wrdreg $0xFFFFFFFF;
	(pc) =	sbr.abs _section_cstart, $3  }
0xbd: {  	[dreg:$0x1] =	wrdreg $0xFFFFFFFF  }
0xbe: {  	_ =	task.clear_ibuf [dreg:s4], $0x2FFFF;
	_ =	strace $0x9FFFFFFF  }
0xbf: {  	(tm) =	ssettm $0x7FFFFFFF  }
tec
execute0_lowered:
.L_overlay_start_1:
0x0: {  	(tag) =	ssettag $0x1  }
0x1: {  	s0 =	stileid.u32  }
0x2: {  	s2 =	smul.u32 $0x2710, s0;
	_ =	sdelay $0x1  }
0x3: {  	s6 =	ssub.s32 $0xCF850, s2  }
0x4: {  	s1 =	smulhi.u32 $0x68DB9, s6  }
0x5: {  	s8 =	rddreg [dreg:$0x0];
	s5 =	simm.s32 $0x1;
	s10 =	simm.s32 $0x3  }
0x6: {  	s13 =	simm.s32 $0x0;
	s12 =	simm.s32 $0x0;
	s7 =	sshrl.u32 s1, $0x4  }
0x7: {  	s3 =	sadd.s32 $0x4B600, s8;
	s4 =	sadd.s32 $0x65600, s8;
	s9 =	smul.u32 $0x27100, s7  }
.Ltmp0:
0x8: {  	s8 =	sadd.s32 $0xCD600, s8;
	s1 =	rddreg [dreg:$0x1];
	(pc) =	sbr.rel .LBB2_1-.Ltmp0, $4  }
0x9: {  	_ =	strace $0x80000047;
	p0 =	sne.s32 s6, s9;
	s9 =	simm.s32 $0x1  }
0xa: {  	[sflag:s5] =	ssyncpa.u1 $0x0;
	s6 =	simm.s32 $0x2;
	s9 =	simm.s32 @!p0 $0x0  }
0xb: {  	s11 =	smov.u32 s2;
	[sflag:s6] =	ssyncpa.u1 $0x0;
	s7 =	sadd.s32 s9, s7  }
0xc: {  	vm0 =	vmmov $0xffff;
	[sflag:s10] =	ssyncpa.u1 $0x0;
	s10 =	simm.s32 $0x0;
	s9 =	sadd.s32 $0x1, s7  }
.LBB2_4:
0xd: {  	v2 =	vnsel vm1, $0x0, v2  }
0xe: {  	vm1 =	vgt.s32 v0, $0x0;
	v2 =	vmin.u32 v2, $0xCF84F  }
0xf: {  	v0 =	vnsel vm1, $0x0, v0  }
0x10: {  	v0 =	vmin.u32 v0, $0xCF84F  }
0x11: {  	[tilespmem:s18], [sflag:$0x1] =	stream.indirect_vreg.gather [hbm4b:s3+s10], $0x1, v1, vm0, $0x4038;
	[tilespmem:$0x9C40] =	vst v63  }
0x12: {  	(ifvalue) =	ssetifvalue $0x7FFFFFFF  }
0x13: {  	[tilespmem:s15], [sflag:$0x1] =	stream.indirect_vreg.gather [hbm4b:s3+s10], $0x1, v2, vm0, $0x4038;
	[tilespmem:$0x9C40] =	vst v63  }
0x14: {  	s29 =	sadd.s32 $0x10, s15;
	(ifvalue) =	ssetifvalue $0x7FFFFFFF  }
0x15: {  	[tilespmem:s29], [sflag:$0x1] =	stream.indirect_vreg.gather [hbm4b:s3+s10], $0x1, v0, vm0, $0x4038;
	[tilespmem:$0x9C40] =	vst v63  }
0x16: {  	_ =	swait.ge [sflag:s5], $0x2710  }
0x17: {  	s30 =	sshrl.u32 s13, $0x3;
	[sflag:s5] =	ssyncset.done $0x0  }
0x18: {  	s31 =	sand.u32 $0x7, s13;
	s15 =	sadd.s32 s8, s30;
	[sflag:s5] =	ssyncadd.s32 $0xFFFFD8F0  }
0x19: {  	[hbm4b:s15+s31] =	stream.linear.scatter [tilespmem:s14], [sflag:$0x3], $0x2710, $0x38;
	[tilespmem:$0x9C40] =	vst v63  }
.LBB2_5:
0x1a: {  	s15 =	sadd.s32 $0x27100, s11  }
0x1b: {  	p1 =	sgt.s32 s15, $0xCF84F  }
0x1c: {  	s15 =	smov.u32 @p1 s2;
	p1 =	sne.s32 s12, s9  }
.Ltmp1:
0x1d: {  	p0 =	slt.u32 s12, $0x2;
	(pc) =	sbr.rel @!p1 .LBB2_6-.Ltmp1, $4  }
0x1e: {  	s14 =	simm.s32 @!p0 $0x3  }
0x1f: {  	_ =	swait.ge @!p0 [sflag:s14], $0x2710  }
0x20: {  	s16 =	sadd.s32 $0x1, s12;
	s13 =	smov.u32 s11;
	[sflag:s14] =	ssyncset.done @!p0 $0x0  }
0x21: {  	s12 =	smov.u32 s16;
	s11 =	smov.u32 s15;
	[sflag:s14] =	ssyncadd.s32 @!p0 $0xFFFFD8F0  }
.LBB2_1:
0x22: {  	p0 =	sge.u32 s12, s7  }
0x23: {  	s14 =	sxor.u32 @!p0 $0xFFFFFFFF, s12  }
0x24: {  	s14 =	sand.u32 @!p0 $0x1, s14  }
0x25: {  	s14 =	smul.u32 @!p0 $0x9C40, s14  }
0x26: {  	s31 =	sadd.s32 $0xFFFFFFFF, s12;
	s15 =	sshrl.u32 @!p0 s11, $0x3  }
0x27: {  	s16 =	sand.u32 @!p0 $0x7, s11;
	s15 =	sadd.s32 @!p0 s4, s15;
	s14 =	sshrl.u32 @!p0 s14, $0x2  }
0x28: {  	[tilespmem:s14], [sflag:$0x2] =	stream.linear.gather @!p0 [hbm4b:s15+s16], $0x2710, $0x38;
	[tilespmem:$0x9C40] =	vst v63  }
0x29: {  	p0 =	sge.u32 s31, s7  }
.Ltmp2:
0x2a: {  	_ = 	snop;
	(pc) =	sbr.rel @p0 .LBB2_5-.Ltmp2, $1  }
0x2b: {  	_ =	sdelay $0x3  }
0x2c: {  	s14 =	sand.u32 $0x1, s12  }
0x2d: {  	_ =	swait.ge [sflag:s6], $0x2710;
	p0 =	seq.s32 s14, $0x1;
	s14 =	simm.s32 $0x2710  }
0x2e: {  	[sflag:s6] =	ssyncset.done $0x0;
	s14 =	simm.s32 @!p0 $0x0  }
0x2f: {  	[sflag:s6] =	ssyncadd.s32 $0xFFFFD8F0;
	(ifvalue) =	ssetifvalue $0x7FFFFFFF;
	v0 =	vld.msk [tilespmem:s14+$0x0 ss:$0x1], $0xffff;
	_ =	sdelay $0x4  }
0x30: {  	s15 =	sadd.s32 $0x10, s14;
	vm1 =	vgt.s32 v0, $0x0  }
0x31: {  	v2 =	vld.msk [tilespmem:s15+$0x0 ss:$0x1], $0xffff;
	v1 =	vnsel vm1, $0x0, v0  }
0x32: {  	v1 =	vmin.u32 v1, $0xCF84F;
	_ =	sdelay $0x2  }
0x33: {  	s17 =	simm.s32 $0x20;
	s14 =	sadd.s32 $0x4E20, s14;
	s16 =	sadd.s32 $0x10, s15  }
0x34: {  	s15 =	sadd.s32 $0x10, s14;
	s18 =	smov.u32 s14;
	v0 =	vld.msk [tilespmem:s16+$0x0 ss:$0x1], $0xffff;
	vm1 =	vgt.s32 v2, $0x0;
	(ifvalue) =	ssetifvalue $0x7FFFFFFF  }
.LBB2_3:
0x35: {  	[tilespmem:s18], [sflag:$0x1] =	stream.indirect_vreg.gather [hbm4b:s3+s10], $0x1, v1, vm0, $0x4038;
	[tilespmem:$0x9C40] =	vst v63  }
0x36: {  	s17 =	sadd.s32 $0x10, s17  }
0x37: {  	v2 =	vnsel vm1, $0x0, v2;
	p0 =	slt.u32 s17, $0x2700  }
.Ltmp3:
0x38: {  	s18 =	smov.u32 s15;
	v1 =	vmin.u32 v2, $0xCF84F;
	(pc) =	sbr.rel @p0 .LBB2_3-.Ltmp3, $3  }
0x39: {  	_ =	sdelay $0x1  }
0x3a: {  	s16 =	sadd.s32 $0x10, s16  }
0x3b: {  	vm1 =	vgt.s32 v0, $0x0;
	s15 =	sadd.s32 $0x10, s15;
	v2 =	vmov v0;
	(ifvalue) =	ssetifvalue $0x7FFFFFFF;
	v0 =	vld.msk [tilespmem:s16+$0x0 ss:$0x1], $0xffff  }
.Ltmp4:
0x3c: {  	_ = 	snop;
	(pc) =	sbr.rel .LBB2_4-.Ltmp4, $1  }
0x3d: {  	_ =	sdelay $0x3  }
.LBB2_6:
0x3e: {  	_ =	sfence.sel $0x180000  }
0x3f: {  	s2 =	simm.s32 $0x2;
	[bflag:$0x0] =	sbarrier.arrive $0xFFFF  }
0x40: {  	s30 =	simm.s32 $0x3;
	[sflag:s2] =	ssyncpa.u1 $0x1  }
0x41: {  	s31 =	simm.s32 $0x1;
	[sflag:s30] =	ssyncpa.u1 $0x1  }
0x42: {  	[sflag:s31] =	ssyncpa.u1 $0x1  }
0x43: {  	p0 =	sne.s32 s0, $0x0;
	_ =	strace $0x90000047  }
0x44: {  	s0 =	sadd.s32 @!p0 $0x100000, s1;
	[bflag:$0x2] =	sbarrier.arrive $0xFFFF  }
0x45: {  	[sflag:s0] =	ssyncadd.tile.s32 @!p0 $0x1;
	_ =	shalt  }
.Lfunc_end2:
_tile_overlayer_lowered:
.L_overlay_start_2:
0x46: {  	(tag) =	ssettag $0x2  }
0x47: {  	s0 =	rddreg [dreg:$0x0];
	s2 =	stileid.u32  }
0x48: {  	s1 =	rddreg [dreg:$0x1];
	p0 =	sne.s32 s2, $0x0  }
0x49: {  	s3 =	rddreg [dreg:$0x2];
	[bflag:$0x3] =	sbarrier.arrive $0xFFFF;
	s2 =	simm.s32 @!p0 $0x1C01  }
0x4a: {  	[timem:s3], [sflag:s2] =	dma.local @!p0 [hbm:s0], s1  }
0x4b: {  	s0 =	simm.s32 @!p0 $0x1  }
0x4c: {  	_ =	swait.ge @!p0 [sflag:s0], s1  }
0x4d: {  	s1 =	ssub.s32 @!p0 $0x0, s1;
	[sflag:s0] =	ssyncset.done @!p0 $0x0  }
0x4e: {  	[sflag:s0] =	ssyncadd.s32 @!p0 s1  }
0x4f: {  	[bflag:$0x3] =	sbarrier.arrive $0xFFFF  }
0x50: {  	_ =	shalt  }

// kernel: scatter_offload_async_start
scs
__scs_entry_jumppad:
0x0: {  	(pc) =	sbr.rel $0x88, $3  }
0x1: {  	(tag) =	ssettag $0x0;
	lr =	simm.s32 $0x1  }
0x2: {  	[smem:$0x3F95] =	sst lr;
	_ =	strace $0xD0000000  }
0x3: {  	_ = 	snop  }
0x4: {  	_ = 	snop  }
0x5: {  	_ = 	snop  }
0x6: {  	_ = 	snop  }
0x7: {  	_ = 	snop  }
__scs_overlays_trampoline_lowered:
0x8: {  	[smem:$0x3FA4] =	sst s0  }
0x9: {  	[smem:$0x3FA5] =	sst s1  }
0xa: {  	[smem:$0x3FA6] =	sst s2  }
0xb: {  	[smem:$0x3FA7] =	sst s3  }
0xc: {  	[smem:$0x3FA8] =	sst s4  }
0xd: {  	[smem:$0x3FA9] =	sst s5  }
0xe: {  	[smem:$0x3FAA] =	sst s6  }
0xf: {  	[smem:$0x3FAB] =	sst s7  }
0x10: {  	[smem:$0x3FAC] =	sst s8  }
0x11: {  	[smem:$0x3FAD] =	sst s9;
	s0 =	simm.s32 @!p0 $0x0  }
0x12: {  	s1 =	sld [smem:$0x3F93];
	s0 =	simm.s32 @p0 $0x1  }
0x13: {  	[smem:$0x3FAE] =	sst s0;
	s0 =	simm.s32 @!p1 $0x0  }
0x14: {  	s2 =	sld [smem:$0x3F92];
	s0 =	simm.s32 @p1 $0x1  }
0x15: {  	[smem:$0x3FAF] =	sst s0;
	s0 =	simm.s32 @!p2 $0x0  }
0x16: {  	s3 =	sld [smem:$0x3FDB];
	s0 =	simm.s32 @p2 $0x1  }
0x17: {  	s4 =	simm.s32 $0x1BF5;
	[smem:$0x3FB1] =	sst s0  }
0x18: {  	s0 =	sld [smem:$0x3F94];
	_ =	swait.ge [sflag:s4], $0x0  }
0x19: {  	s7 =	sld [smem:$0x3F95]  }
0x1a: {  	s8 =	sadd.s32 $0xFFFFE003, lr  }
0x1b: {  	s9 =	sadd.s32 $0xFFFFFEF7, lr;
	s5 =	simm.s32 $0xFFFFFFFF;
	p2 =	slt.u32 s8, $0xFFFFF086  }
0x1c: {  	p1 =	slt.u32 s9, $0xF7A;
	s5 =	simm.s32 @!p2 $0x0  }
0x1d: {  	s5 =	simm.s32 @p1 $0x1;
	p0 =	seq.s32 s7, s2  }
0x1e: {  	s7 =	smul.u32 @!p0 $0xF7A, s2;
	p2 =	seq.s32 @!p0 s5, $0x0  }
0x1f: {  	s9 =	smul.u32 $0xF7A, s1;
	s8 =	simm.s32 @!p0 $0x1BF5;
	p2 =	por !p2, p0  }
0x20: {  	[sflag:s8] =	ssyncset.s32 @!p0 $0xFFFFF086;
	s6 =	sadd.s32 @!p0 s3, s7;
	s7 =	simm.s32 @!p0 $0x108  }
0x21: {  	s3 =	sadd.s32 s3, s9;
	s6 =	sadd.s32 @!p0 $0x88, s6;
	s7 =	simm.s32 @p2 $0x1082  }
0x22: {  	[simem:s7], [sflag:s8] =	dma.local @!p0 [hbm:s6], $0xF7A  }
0x23: {  	s9 =	sor.u32 $0xD0000000, s2;
	s6 =	simm.s32 $0x108;
	_ =	swait.ge @!p0 [sflag:s8], $0x0  }
0x24: {  	s3 =	sadd.s32 $0x88, s3;
	s6 =	simm.s32 @!p1 $0x1082;
	[sflag:s4] =	ssyncset.s32 $0xFFFFF086  }
0x25: {  	[simem:s6], [sflag:s4] =	dma.local [hbm:s3], $0xF7A  }
0x26: {  	[smem:$0x3F95] =	sst s1;
	(tag) =	ssettag s2;
	_ =	strace s9  }
0x27: {  	s1 =	sld [smem:$0x3FA5]  }
0x28: {  	s2 =	sld [smem:$0x3FA6]  }
0x29: {  	s4 =	sld [smem:$0x3FA8]  }
0x2a: {  	p0 =	seq.s32 s5, $0x0;
	s5 =	sld [smem:$0x3FA9]  }
0x2b: {  	s6 =	sld [smem:$0x3FAA]  }
0x2c: {  	s7 =	sld [smem:$0x3FAB]  }
0x2d: {  	s3 =	simm.s32 $0x108;
	s8 =	sld [smem:$0x3FAC]  }
0x2e: {  	s3 =	simm.s32 @!p0 $0x1082;
	s9 =	sld [smem:$0x3FAD]  }
0x2f: {  	lr =	sadd.s32 s0, s3;
	s0 =	sld [smem:$0x3FA4]  }
0x30: {  	s3 =	sld [smem:$0x3FA7]  }
0x31: {  	[smem:$0x3FB0] =	sst s10  }
0x32: {  	s10 =	sld [smem:$0x3FAE];
	_ =	sdelay $0x3  }
0x33: {  	p0 =	seq.s32 s10, $0x1;
	s10 =	sld [smem:$0x3FB0];
	_ =	sdelay $0x3  }
0x34: {  	[smem:$0x3FB0] =	sst s10  }
0x35: {  	s10 =	sld [smem:$0x3FAF];
	_ =	sdelay $0x3  }
0x36: {  	p1 =	seq.s32 s10, $0x1;
	s10 =	sld [smem:$0x3FB0];
	_ =	sdelay $0x3  }
0x37: {  	[smem:$0x3FB0] =	sst s10  }
0x38: {  	s10 =	sld [smem:$0x3FB1]  }
0x39: {  	_ = 	snop;
	(pc) =	sbr.ind lr, $3  }
0x3a: {  	_ = 	snop  }
0x3b: {  	_ = 	snop  }
0x3c: {  	p2 =	seq.s32 s10, $0x1;
	s10 =	sld [smem:$0x3FB0]  }
0x3d: {  	_ =	shalt  }
0x3e: {  	_ =	shalt  }
0x3f: {  	_ =	shalt  }
0x40: {  	_ =	shalt  }
0x41: {  	_ =	shalt  }
0x42: {  	_ =	shalt  }
0x43: {  	_ =	shalt  }
0x44: {  	_ =	shalt  }
0x45: {  	_ =	shalt  }
0x46: {  	_ =	shalt  }
0x47: {  	_ =	shalt  }
0x48: {  	_ =	shalt  }
0x49: {  	_ =	shalt  }
0x4a: {  	_ =	shalt  }
0x4b: {  	_ =	shalt  }
0x4c: {  	_ =	shalt  }
0x4d: {  	_ =	shalt  }
0x4e: {  	_ =	shalt  }
0x4f: {  	_ =	shalt  }
0x50: {  	_ =	shalt  }
0x51: {  	_ =	shalt  }
0x52: {  	_ =	shalt  }
0x53: {  	_ =	shalt  }
0x54: {  	_ =	shalt  }
0x55: {  	_ =	shalt  }
0x56: {  	_ =	shalt  }
0x57: {  	_ =	shalt  }
0x58: {  	_ =	shalt  }
0x59: {  	_ =	shalt  }
0x5a: {  	_ =	shalt  }
0x5b: {  	_ =	shalt  }
0x5c: {  	_ =	shalt  }
0x5d: {  	_ =	shalt  }
0x5e: {  	_ =	shalt  }
0x5f: {  	_ =	shalt  }
0x60: {  	_ =	shalt  }
0x61: {  	_ =	shalt  }
0x62: {  	_ =	shalt  }
0x63: {  	_ =	shalt  }
0x64: {  	_ =	shalt  }
0x65: {  	_ =	shalt  }
0x66: {  	_ =	shalt  }
0x67: {  	_ =	shalt  }
0x68: {  	_ =	shalt  }
0x69: {  	_ =	shalt  }
0x6a: {  	_ =	shalt  }
0x6b: {  	_ =	shalt  }
0x6c: {  	_ =	shalt  }
0x6d: {  	_ =	shalt  }
0x6e: {  	_ =	shalt  }
0x6f: {  	_ =	shalt  }
0x70: {  	_ =	shalt  }
0x71: {  	_ =	shalt  }
0x72: {  	_ =	shalt  }
0x73: {  	_ =	shalt  }
0x74: {  	_ =	shalt  }
0x75: {  	_ =	shalt  }
0x76: {  	_ =	shalt  }
0x77: {  	_ =	shalt  }
0x78: {  	_ =	shalt  }
0x79: {  	_ =	shalt  }
0x7a: {  	_ =	shalt  }
0x7b: {  	_ =	shalt  }
0x7c: {  	_ =	shalt  }
0x7d: {  	_ =	shalt  }
0x7e: {  	_ =	shalt  }
0x7f: {  	_ =	shalt  }
0x80: {  	_ =	shalt  }
0x81: {  	_ =	shalt  }
0x82: {  	_ =	shalt  }
0x83: {  	_ =	shalt  }
0x84: {  	_ =	shalt  }
0x85: {  	_ =	shalt  }
0x86: {  	_ =	shalt  }
0x87: {  	_ =	shalt  }
.Lfunc_end0:
.L_simem_size_0:
called_computation_lowered:
.L_overlay_start_0:
0x88: {  	s0 =	sld [smem:$0x3FD9]  }
0x89: {  	s1 =	sld [smem:$0x3FFE];
	_ =	sdelay $0x3  }
0x8a: {  	s0 =	sadd.s32 s1, s0  }
0x8b: {  	[smem:$0x3FBC] =	sst s0  }
0x8c: {  	_ = 	snop  }
0x8d: {  	(tm) =	ssettm $0x1  }
0x8e: {  	s15 =	sld [smem:$0x3FFB];
	_ =	sdelay $0x3  }
0x8f: {  	_ =	strace s15  }
0x90: {  	s0 =	sld [smem:$0x3FFC];
	_ =	sdelay $0x3  }
0x91: {  	_ =	strace s0  }
0x92: {  	s0 =	sld [smem:$0x3FFD];
	_ =	sdelay $0x3  }
0x93: {  	_ =	strace s0  }
0x94: {  	_ =	strace $0x8FFFFFFF  }
0x95: {  	s16 =	sld [smem:$0x3FDB];
	_ =	sdelay $0x1  }
0x96: {  	s17 =	simm.s32 $_scs_section_size  }
0x97: {  	s2 =	simm.s32 $_size__tile_overlayer_lowered;
	s3 =	simm.s32 $_tile_overlayer_lowered  }
0x98: {  	s20 =	simm.s32 $0x1BFF;
	s19 =	sshll.u32 s3, $0x1;
	s0 =	sadd.s32 s17, s16  }
0x99: {  	s4 =	simm.s32 $0x0;
	s18 =	sshll.u32 s2, $0x1;
	s2 =	sadd.s32 s19, s0  }
0x9a: {  	[timem:s4], [sflag:s20] =	dma.local [hbm:s2], s18  }
0x9b: {  	_ =	swait.ge [sflag:s20], s18  }
0x9c: {  	s1 =	ssub.s32 $0x0, s18;
	[sflag:s20] =	ssyncset.done $0x0  }
0x9d: {  	[sflag:s20] =	ssyncadd.s32 s1;
	_ =	sdelay $0x1  }
0x9e: {  	s21 =	simm.s32 $0x1B8B  }
0x9f: {  	_ =	swait.ge [sflag:s21], $0x1  }
0xa0: {  	[sflag:s21] =	ssyncset.done $0x0  }
0xa1: {  	s23 =	simm.s32 $0x1B8E;
	s22 =	sld [smem:$0x3FFE];
	[sflag:s21] =	ssyncadd.s32 $0xFFFFFFFF  }
0xa2: {  	s24 =	simm.s32 $execute0_lowered;
	[smem:$0x3FD2] =	sst s23  }
0xa3: {  	s2 =	sshll.u32 s24, $0x1;
	_ =	strace $0x80000049;
	[dreg:$0x1] =	wrdreg $0xFFFFFFFF  }
0xa4: {  	s25 =	simm.s32 $_size_execute0_lowered;
	s0 =	sadd.s32 s0, s2;
	[dreg:$0x0] =	wrdreg $0x0  }
0xa5: {  	s2 =	sshll.u32 s25, $0x1;
	[dreg:$0x2] =	wrdreg s0  }
0xa6: {  	[dreg:$0x3] =	wrdreg s2  }
0xa7: {  	[dreg:$0x4] =	wrdreg $0xC0  }
0xa8: {  	_ =	task [dreg:s4], $0x5FFFF  }
0xa9: {  	[dreg:$0x1] =	wrdreg $0xFFFFFFFF  }
0xaa: {  	[dreg:$0x0] =	wrdreg $0x60  }
0xab: {  	[dreg:$0x2] =	wrdreg s22  }
0xac: {  	[dreg:$0x3] =	wrdreg $0x9  }
0xad: {  	_ =	task.clear_ibuf [dreg:s4], $0x4FFFF;
	_ =	strace $0x90000049  }
0xae: {  	s26 =	simm.s32 $0x9;
	_ =	strace $0x8000004B  }
0xaf: {  	_ =	swait.ge [sflag:s26], $0x1  }
0xb0: {  	[sflag:s26] =	ssyncadd.s32 $0xFFFFFFFF  }
0xb1: {  	_ =	strace $0x9000004B  }
0xb2: {  	_ =	sfence  }
0xb3: {  	s28 =	sld [smem:$0x0];
	_ =	sdelay $0x1  }
0xb4: {  	s29 =	srdreg.scid  }
0xb5: {  	s30 =	sshll.u32 s29, $0xD;
	s31 =	sshrl.u32 s29, $0x2  }
0xb6: {  	s1 =	sand.u32 $0x1, s29;
	s2 =	sand.u32 $0x4000, s30;
	s0 =	sadd.s32 s31, s28  }
0xb7: {  	s1 =	sor.u32 s2, s1;
	s0 =	sshll.u32 s0, $0x11  }
0xb8: {  	s0 =	sor.u32 s0, s1  }
0xb9: {  	s0 =	sadd.s32 $0x8F2B, s0  }
0xba: {  	[sflag:s0] =	ssyncadd.remote.s32 $0x1  }
0xbb: {  	_ =	sfence.sel $0xFFFF  }
0xbc: {  	[dreg:$0x0] =	wrdreg $0xFFFFFFFF;
	(pc) =	sbr.abs _section_cstart, $3  }
0xbd: {  	[dreg:$0x1] =	wrdreg $0xFFFFFFFF  }
0xbe: {  	_ =	task.clear_ibuf [dreg:s4], $0x2FFFF;
	_ =	strace $0x9FFFFFFF  }
0xbf: {  	(tm) =	ssettm $0x7FFFFFFF  }
tec
execute0_lowered:
.L_overlay_start_1:
0x0: {  	(tag) =	ssettag $0x1  }
0x1: {  	s0 =	rddreg [dreg:$0x0]  }
0x2: {  	s6 =	stileid.u32;
	_ =	strace $0x8000004A;
	s2 =	simm.s32 $0x1  }
0x3: {  	v1 =	vimm.s32 $0xFFFFFFFF;
	s1 =	smul.u32 $0x7, s6;
	[sflag:s2] =	ssyncpa.u1 $0x0  }
0x4: {  	s3 =	smin.u32 s6, $0xD;
	[tilespmem:$0x10] =	vst v1  }
0x5: {  	v0 =	vimm.f32 $0.0e+00;
	[tilespmem:$0x20] =	vst v1;
	s1 =	sadd.s32 s3, s1  }
0x6: {  	p0 =	slt.u32 s6, $0xD;
	[tilespmem:$0x30] =	vst v0;
	s3 =	smul.u32 $0x1A90, s1;
	s1 =	simm.s32 $0xD480  }
0x7: {  	[tilespmem:$0x40] =	vst v0;
	s1 =	simm.s32 @!p0 $0xB9F0  }
0x8: {  	[tilespmem:$0x50] =	vst v0;
	s1 =	sadd.s32 s1, s3  }
0x9: {  	[tilespmem:$0x60] =	vst v1;
	s4 =	smin.u32 s1, $0xCF850  }
0xa: {  	s7 =	simm.s32 $0x2;
	[tilespmem:$0x70] =	vst v1;
	s9 =	ssub.s32 s4, s3  }
0xb: {  	s8 =	simm.s32 $0x8;
	s31 =	simm.s32 $0x9;
	[tilespmem:$0x80] =	vst v1;
	p0 =	sgt.s32 s9, $0x0  }
0xc: {  	s16 =	simm.s32 $0x0;
	s17 =	simm.s32 $0xF0;
	v1 =	vimm.s32 $0x0;
	[tilespmem:$0xB0] =	vst v0;
	s9 =	simm.s32 @!p0 $0x0  }
0xd: {  	s18 =	simm.s32 $0xFFFFFFFF;
	s19 =	simm.s32 $0xFFFFCBE0;
	[tilespmem:$0x90] =	vst v1;
	s5 =	smulhi.u32 $0x134679AD, s9  }
0xe: {  	s20 =	simm.s32 $0xFFFFFFFE;
	[tilespmem:$0xA0] =	vst v1;
	[sflag:s7] =	ssyncpa.u1 $0x0;
	s7 =	simm.s32 $0x7  }
0xf: {  	s21 =	simm.s32 $0xF;
	[sflag:s7] =	ssyncpa.u1 $0x0;
	s10 =	sshrl.u32 s5, $0x9  }
0x10: {  	s25 =	simm.s32 $0x0;
	[sflag:s8] =	ssyncpa.u1 $0x0;
	s11 =	smul.u32 $0x1A90, s10  }
0x11: {  	s24 =	simm.s32 $0x0;
	s14 =	sshllo.u32 s6, $0x1;
	[sflag:s31] =	ssyncpa.u1 $0x0  }
.Ltmp0:
0x12: {  	s1 =	sadd.s32 $0x1AE00, s0;
	p0 =	sne.s32 s9, s11;
	(pc) =	sbr.rel .LBB2_1-.Ltmp0, $4  }
0x13: {  	s5 =	sadd.s32 $0x7F600, s0;
	s0 =	sadd.s32 $0x99600, s0;
	s2 =	simm.s32 @!p0 $0x0  }
0x14: {  	s23 =	smov.u32 s3;
	[dreg:$0x2] =	wrdreg s0;
	s9 =	sadd.s32 s2, s10  }
0x15: {  	vm0 =	vmmov $0xffff;
	v2 =	vlaneseq.u32;
	p0 =	por $0x0, $0x0;
	s10 =	sshll.u32 s6, $0x1;
	s11 =	sadd.s32 $0x1, s9  }
0x16: {  	vm1 =	vmxor vm1, vm1;
	vm2 =	vmmov $0x1;
	vm3 =	vcmask $0x3F3C;
	s12 =	sadd.s32 $0x2, s9;
	s13 =	sor.u32 $0x81, s10;
	s15 =	sor.u32 $0x80, s10  }
.LBB2_9:
0x17: {  	p1 =	slt.u32 s24, $0x3  }
0x18: {  	s0 =	simm.s32 @!p1 $0x2  }
0x19: {  	_ =	swait.ge @!p1 [sflag:s0], $0x1A90  }
0x1a: {  	[sflag:s0] =	ssyncset.done @!p1 $0x0  }
0x1b: {  	[sflag:s0] =	ssyncadd.s32 @!p1 $0xFFFFE570;
	s0 =	simm.s32 @!p1 $0x9  }
0x1c: {  	_ =	swait.ge @!p1 [sflag:s0], $0x10  }
0x1d: {  	[sflag:s0] =	ssyncset.done @!p1 $0x0  }
0x1e: {  	[sflag:s0] =	ssyncadd.s32 @!p1 $0xFFFFFFF0;
	p1 =	sne.s32 s24, s12  }
.Ltmp1:
0x1f: {  	s2 =	sadd.s32 $0x1A90, s23;
	(pc) =	sbr.rel @!p1 .LBB2_10-.Ltmp1, $4  }
0x20: {  	s6 =	smov.u32 s3;
	s31 =	sadd.s32 $0x1, s24;
	s17 =	sadd.s32 $0x1A90, s17  }
0x21: {  	s18 =	sadd.s32 $0x1, s18;
	s25 =	smov.u32 s23;
	p2 =	slt.s32 s2, s4  }
0x22: {  	p0 =	por !p0, !p0;
	s19 =	sadd.s32 $0x1A90, s19;
	s6 =	smov.u32 @p2 s2  }
0x23: {  	s20 =	sadd.s32 $0x1, s20;
	s23 =	smov.u32 s6;
	s24 =	smov.u32 s31  }
.LBB2_1:
0x24: {  	p1 =	sge.u32 s24, s9  }
0x25: {  	s0 =	smulhi.u32 @!p1 $0xAAAAAAAB, s24;
	_ =	sdelay $0x1  }
0x26: {  	s0 =	sshrl.u32 @!p1 s0, $0x1  }
0x27: {  	s0 =	smul.u32 @!p1 $0x3, s0;
	_ =	sdelay $0x1  }
0x28: {  	s0 =	ssub.s32 @!p1 s24, s0  }
0x29: {  	s0 =	smul.u32 @!p1 $0x6A40, s0;
	_ =	sdelay $0x1  }
0x2a: {  	s2 =	sshrl.u32 @!p1 s23, $0x3;
	s0 =	sshrl.u32 @!p1 s0, $0x2  }
0x2b: {  	s22 =	sand.u32 @!p1 $0x7, s23;
	s2 =	sadd.s32 @!p1 s5, s2;
	s0 =	sadd.s32 @!p1 $0x100, s0  }
0x2c: {  	[tilespmem:s0], [sflag:$0x7] =	stream.linear.gather @!p1 [hbm4b:s2+s22], $0x1A90, $0x38;
	[tilespmem:$0xF030] =	vst v63  }
0x2d: {  	s0 =	sadd.s32 $0xFFFFFFFF, s24  }
0x2e: {  	p1 =	sge.u32 s0, s9  }
.Ltmp2:
0x2f: {  	_ = 	snop;
	(pc) =	sbr.rel @p1 .LBB2_5-.Ltmp2, $1  }
0x30: {  	_ =	sdelay $0x3  }
0x31: {  	s2 =	smulhi.u32 $0xAAAAAAAB, s0;
	_ =	sdelay $0x1  }
0x32: {  	s2 =	sshrl.u32 s2, $0x1  }
0x33: {  	s2 =	smul.u32 $0x3, s2;
	_ =	sdelay $0x1  }
0x34: {  	s2 =	ssub.s32 s0, s2  }
0x35: {  	s2 =	smul.u32 $0x6A40, s2  }
0x36: {  	_ =	swait.ge [sflag:s7], $0x1A90  }
0x37: {  	[sflag:s7] =	ssyncset.done $0x0;
	s2 =	sshrl.u32 s2, $0x2  }
0x38: {  	[sflag:s7] =	ssyncadd.s32 $0xFFFFE570;
	(ifvalue) =	ssetifvalue $0xFFFFFFFF;
	v3 =	vld.msk [tilespmem:s2+$0x100 ss:$0x1], $0xffff;
	_ =	sdelay $0x2  }
0x39: {  	s30 =	smulhi.u32 $0xAAAAAAAB, s18;
	p1 =	sne.s32 s24, $0x1  }
0x3a: {  	v4 =	vimm.s32 @!p1 $0x0  }
0x3b: {  	s2 =	sshrl.u32 s30, $0x1;
	v4 =	vperm.xlane @!p1 v3, v4  }
0x3c: {  	s22 =	sshll.u32 s24, $0x4;
	s2 =	smul.u32 $0xFFFEC140, s2;
	vm4 =	vlt.u32 v3, $0xC400  }
0x3d: {  	s22 =	sand.u32 $0x10, s22;
	v3 =	vnsel vm4, $0xFFFFFFFE, v3;
	vm4 =	vlt.u32 @!p1 v4, $0xC400  }
0x3e: {  	s2 =	sshra.s32 s2, $0x2;
	[tilespmem:s22+$0x60] =	vst v3;
	v3 =	vnsel @!p1 vm4, $0xFFFFFFFE, v4  }
0x3f: {  	s28 =	sadd.s32 s2, s17;
	[tilespmem:$0x80] =	vst @!p1 v3  }
0x40: {  	v3 =	vld.msk [tilespmem:s28+$0x0 ss:$0x1], $0xffff;
	_ =	sdelay $0x4  }
0x41: {  	(xrf1) =	vunique.msk.u32 $0xffff, v3;
	_ =	sdelay $0xd  }
0x42: {  	v4 =	vimm.s32 $0xFFFFFFFF;
	v5, _, _ =	vpop (xrf1)  }
0x43: {  	vm5 =	vne.s32 v3, v4;
	vm4 =	veq.s32 v5, v2  }
0x44: {  	vm6 =	vlt.u32 v3, $0xC400;
	vm4 =	vmand vm5, vm4  }
0x45: {  	vm4 =	vmand vm6, vm4  }
0x46: {  	v4 =	vnsel vm4, $0xFFFFFFFF, v3  }
0x47: {  	s31 =	sand.u32 $0x1, s0  }
0x48: {  	s0 =	simm.s32 $0x1A90;
	p1 =	seq.s32 s31, $0x1  }
0x49: {  	s0 =	simm.s32 @!p1 $0x0  }
0x4a: {  	s26 =	sadd.s32 $0x6B30, s0;
	(ifvalue) =	ssetifvalue $0xFFFFFFFF  }
0x4b: {  	v3 =	vperm.xlane v3, v1;
	[tilespmem:s26], [sflag:$0x8] =	stream.indirect_vreg.gather [hbm4b:s1+s16], $0x1, v4, vm0, $0x4038;
	v4 =	vnsel vm6, $0xFFFFFFFE, v4;
	[tilespmem:$0xF030] =	vst v63  }
0x4c: {  	s2 =	simm.s32 $0x0;
	s22 =	sadd.s32 $0xFFFFFFF0, s28;
	[tilespmem:s28+$0x0] =	vst v4  }
.LBB2_3:
0x4d: {  	v4 =	vld.msk [tilespmem:s22+$0x0 ss:$0x1], $0xffff;
	s2 =	sadd.s32 $0x10, s2;
	v5 =	vmov v3;
	s28 =	smov.u32 s22  }
0x4e: {  	p1 =	slt.u32 s2, $0x1A80;
	_ =	sdelay $0x4  }
0x4f: {  	v3 =	vperm.xlane v4, v1;
	(xrf1) =	vunique.msk.u32 $0xffff, v4;
	_ =	sdelay $0xd  }
0x50: {  	v6, _, _ =	vpop (xrf1)  }
0x51: {  	vm5 =	vne.s32 v4, v5;
	vm4 =	veq.s32 v6, v2  }
0x52: {  	vm6 =	vlt.u32 v4, $0xC400;
	vm4 =	vmand vm5, vm4  }
0x53: {  	vm4 =	vmand vm6, vm4  }
0x54: {  	v4 =	vnsel vm4, $0xFFFFFFFF, v4  }
.Ltmp3:
0x55: {  	v5 =	vnsel vm6, $0xFFFFFFFE, v4;
	(pc) =	sbr.rel @p1 .LBB2_3-.Ltmp3, $3  }
0x56: {  	_ =	sdelay $0x1  }
0x57: {  	s22 =	sadd.s32 $0xFFFFFFF0, s22;
	s26 =	sadd.s32 $0xFFFFFFF0, s26;
	(ifvalue) =	ssetifvalue $0xFFFFFFFF  }
0x58: {  	[tilespmem:s26], [sflag:$0x8] =	stream.indirect_vreg.gather [hbm4b:s1+s16], $0x1, v4, vm0, $0x4038;
	[tilespmem:s28+$0x0] =	vst v5  }
0x59: {  	s2 =	sshrl.u32 s25, $0x3;
	s6 =	rddreg [dreg:$0x2]  }
0x5a: {  	s0 =	sadd.s32 $0x85D0, s0;
	s2 =	sadd.s32 s6, s2  }
0x5b: {  	[tilespmem:s0], [sflag:$0x8] =	stream.linear.gather [hbm:s2], $0x1A90, $0x38;
	[tilespmem:$0xF030] =	vst v63  }
.LBB2_5:
0x5c: {  	p1 =	slt.u32 s24, $0x2  }
0x5d: {  	p2 =	sge.u32 @!p1 s24, s12  }
0x5e: {  	p1 =	por p1, p2  }
.Ltmp4:
0x5f: {  	_ = 	snop;
	(pc) =	sbr.rel @p1 .LBB2_9-.Ltmp4, $1  }
0x60: {  	_ =	sdelay $0x3  }
0x61: {  	s0 =	sadd.s32 $0xFFFFFFFE, s24  }
0x62: {  	s2 =	smulhi.u32 $0xAAAAAAAB, s0;
	_ =	sdelay $0x1  }
0x63: {  	s2 =	sshrl.u32 s2, $0x1  }
0x64: {  	s2 =	smul.u32 $0x3, s2;
	_ =	sdelay $0x1  }
0x65: {  	s0 =	ssub.s32 s0, s2  }
0x66: {  	_ =	swait.ge [sflag:s8], $0x3520;
	s0 =	smul.u32 $0x1A90, s0  }
0x67: {  	p1 =	sne.s32 s24, s11;
	[sflag:s8] =	ssyncset.done $0x0  }
0x68: {  	[sflag:s8] =	ssyncadd.s32 $0xFFFFCAE0;
	s2 =	sadd.s32 @!p1 $0x1B8F, s0  }
0x69: {  	[spmem:s13] =	stream.linear.scatter @!p1 [tilespmem:s2], [sflag:$0x1], $0x1, $0x38;
	[tilespmem:$0xF030] =	vst v63  }
0x6a: {  	s2 =	simm.s32 @!p1 $0x1  }
0x6b: {  	_ =	swait.ge @!p1 [sflag:s2], $0x1  }
0x6c: {  	s22 =	sshll.u32 s24, $0x4;
	[sflag:s2] =	ssyncset.done @!p1 $0x0  }
0x6d: {  	s25 =	sand.u32 $0x10, s22;
	[sflag:s2] =	ssyncadd.s32 @!p1 $0xFFFFFFFF  }
0x6e: {  	s2 =	sxor.u32 $0x10, s25;
	v4 =	vld [tilespmem:s25+$0x10]  }
0x6f: {  	v5 =	vld [tilespmem:s2+$0x60]  }
0x70: {  	v3 =	vld [tilespmem:$0x80];
	_ =	sdelay $0x2  }
0x71: {  	(v2sf) =	vpush v4, $0x0  }
0x72: {  	(v2sf) =	vpush v5, $0x0  }
0x73: {  	(v2sf) =	vpush v3, $0x0;
	_ =	sdelay $0xc  }
0x74: {  	s6 =	spop (v2sf)  }
0x75: {  	s28 =	spop (v2sf)  }
0x76: {  	s26 =	spop (v2sf)  }
0x77: {  	p2 =	seq.s32 s6, s28;
	p3 =	seq.s32 s26, s6  }
0x78: {  	p3 =	por p2, p3  }
0x79: {  	s6 =	sand.u32 $0x1, s24;
	v4 =	vpsel p3, $0xFFFFFFFF, v4  }
0x7a: {  	s28 =	smul.u32 $0x1A90, s6;
	[tilespmem:s25+$0x10] =	vst.msk $0x1, v4  }
0x7b: {  	v4 =	vld [tilespmem:$0x30]  }
0x7c: {  	v5 =	vld [tilespmem:s28+$0x85D0]  }
0x7d: {  	v6 =	vld [tilespmem:s25+$0x40];
	_ =	sdelay $0x3  }
0x7e: {  	vm4 =	vmmov vm1;
	v5 =	vadd.f32 v5, v4  }
0x7f: {  	vm5 =	vmmov vm2;
	vm4 =	vmmov @p2 vm2;
	v4 =	vadd.f32 v6, v4  }
0x80: {  	s22 =	sshll.u32 s6, $0x4;
	vm5 =	vmmov @p3 vm1;
	[tilespmem:s28+$0x85D0] =	vst.msk vm4, v5  }
0x81: {  	[tilespmem:s22+$0xF010] =	vst.msk vm5, v4  }
0x82: {  	v4 =	vld [tilespmem:s28+$0x6B30];
	_ =	sdelay $0x3  }
0x83: {  	v5 =	vimm.f32 $0.0e+00  }
0x84: {  	v4 =	vshift.insert v4, v5, s21  }
0x85: {  	s29 =	sor.u32 $0x40, s2  }
0x86: {  	[tilespmem:s29+$0x0] =	vst.msk $0x1, v4  }
0x87: {  	[tilespmem:s28+$0x6B3F] =	vst.msk $0x1, v5  }
0x88: {  	v4 =	vld [tilespmem:s0+$0x1B80];
	_ =	sdelay $0x1  }
0x89: {  	s29 =	smulhi.u32 $0xAAAAAAAB, s20;
	s0 =	simm.s32 $0x1  }
0x8a: {  	s0 =	simm.s32 @!p0 $0x0  }
0x8b: {  	s29 =	sshrl.u32 s29, $0x1;
	s0 =	smul.u32 $0x6A40, s0  }
0x8c: {  	s29 =	smul.u32 $0xFFFEC140, s29;
	v4 =	vshift.insert v4, v1, s21  }
0x8d: {  	s0 =	sshrl.u32 s0, $0x2  }
0x8e: {  	s29 =	sshra.s32 s29, $0x2;
	s30 =	sadd.s32 $0x85D0, s0;
	[tilespmem:s2+$0x10] =	vst.msk $0x1, v4  }
0x8f: {  	s6 =	sadd.s32 s29, s19;
	v6 =	vld [tilespmem:s30+$0x0]  }
0x90: {  	v7 =	vld [tilespmem:s6+$0x0];
	_ =	sdelay $0x3  }
0x91: {  	v5 =	vadd.f32 v6, v5  }
0x92: {  	vm4 =	vne.s32 v7, $0xFFFFFFFF  }
0x93: {  	(xrf2) =	vadd.seg.scan.f32 vm4, v5;
	_ =	sdelay $0x3  }
0x94: {  	s31 =	sadd.s32 $0x50B0, s0;
	v5 =	vperm.xlane v4, v1  }
0x95: {  	v6 =	vld [tilespmem:s31+$0x0]  }
0x96: {  	vm5 =	veq.s32 v7, v3;
	vm6 =	veq.s32 v7, v5  }
0x97: {  	vm7 =	vgt.u32 v7, $0xFFFFFFFD;
	vm6 =	vmor vm6, vm5  }
0x98: {  	vm6 =	vmor vm6, vm7  }
0x99: {  	v9 =	vld [tilespmem:$0xA0];
	v7 =	vsel vm6, $0xFFFFFFFF, v7  }
0x9a: {  	v10 =	vld [tilespmem:$0x90];
	v6 =	vsel vm5, $0x0, v6;
	v8, _, _ =	vpop (xrf2)  }
0x9b: {  	v6 =	vadd.f32 v8, v6  }
0x9c: {  	s0 =	sadd.s32 $0xBAF0, s0  }
0x9d: {  	vm4 =	vmand vm4, vm3;
	[tilespmem:s0+$0x0] =	vst v6;
	(ifvalue) =	ssetifvalue $0xFFFFFFFF  }
0x9e: {  	vm6 =	veq.s32 v9, $0x1;
	[hbm4b:s1+s16] =	stream.indirect_vreg.scatter [tilespmem:s0], [sflag:$0x2], $0x1, v7, vm0, $0x4038;
	v7 =	vsel vm4, $0x0, v8;
	[tilespmem:$0xF030] =	vst v63  }
0x9f: {  	s29 =	sadd.s32 $0xF010, s22;
	s22 =	sadd.s32 $0x10, s6;
	s2 =	simm.s32 $0x0;
	vm4 =	vmor vm6, vm5;
	v6 =	vsel vm5, v8, v10;
	v7 =	vshift.insert v7, v0, s21  }
.LBB2_7:
0xa0: {  	v8 =	vld [tilespmem:s22+$0x0];
	s30 =	sadd.s32 $0x10, s30  }
0xa1: {  	s31 =	sadd.s32 $0x10, s31;
	v9 =	vld [tilespmem:s30+$0x0]  }
0xa2: {  	s2 =	sadd.s32 $0x10, s2;
	v10 =	vld [tilespmem:s31+$0x0]  }
0xa3: {  	p2 =	slt.u32 s2, $0x1A80;
	_ =	sdelay $0x2  }
0xa4: {  	v7 =	vadd.f32 v9, v7  }
0xa5: {  	vm5 =	vne.s32 v8, $0xFFFFFFFF  }
0xa6: {  	vm6 =	vmand vm5, vm3;
	(xrf2) =	vadd.seg.scan.f32 vm5, v7;
	_ =	sdelay $0x5  }
0xa7: {  	vm7 =	veq.s32 v8, v5;
	vm5 =	veq.s32 v8, v3  }
0xa8: {  	vm8 =	vgt.u32 v8, $0xFFFFFFFD;
	vm4 =	vmor vm4, vm5;
	vm7 =	vmor vm7, vm5  }
0xa9: {  	vm7 =	vmor vm7, vm8  }
0xaa: {  	v8 =	vsel vm7, $0xFFFFFFFF, v8  }
.Ltmp5:
0xab: {  	v7 =	vsel vm5, $0x0, v10;
	v9, _, _ =	vpop (xrf2);
	(pc) =	sbr.rel @p2 .LBB2_7-.Ltmp5, $4  }
0xac: {  	v6 =	vsel vm5, v9, v6;
	v10 =	vadd.f32 v9, v7;
	v7 =	vsel vm6, $0x0, v9  }
0xad: {  	s0 =	sadd.s32 $0x10, s0;
	v7 =	vshift.insert v7, v0, s21  }
0xae: {  	s22 =	sadd.s32 $0x10, s22;
	[tilespmem:s0+$0x0] =	vst v10;
	(ifvalue) =	ssetifvalue $0xFFFFFFFF  }
0xaf: {  	[hbm4b:s1+s16] =	stream.indirect_vreg.scatter [tilespmem:s0], [sflag:$0x2], $0x1, v8, vm0, $0x4038;
	[tilespmem:$0xF030] =	vst v63  }
0xb0: {  	v3 =	vld [tilespmem:s28+$0xD570];
	_ =	sdelay $0x4  }
0xb1: {  	v3 =	vshift.insert v3, v0, s21  }
0xb2: {  	s0 =	simm.s32 $0x30  }
0xb3: {  	[tilespmem:s0+$0x0] =	vst.msk $0x1, v3  }
0xb4: {  	v3 =	vsel vm4, $0x1, v1;
	[tilespmem:$0x90] =	vst v6  }
0xb5: {  	s0 =	sadd.s32 @!p1 $0xD57F, s28;
	[tilespmem:$0xA0] =	vst v3  }
0xb6: {  	[spmem:s14] =	stream.linear.scatter @!p1 [tilespmem:s0], [sflag:$0x1], $0x1, $0x38;
	[tilespmem:$0xF030] =	vst v63  }
0xb7: {  	s0 =	simm.s32 @!p1 $0x1  }
0xb8: {  	v3 =	vmctz.xlane @!p1 vm4;
	_ =	swait.ge @!p1 [sflag:s0], $0x1  }
0xb9: {  	(v2sf) =	vpush @!p1 v4, $0x0  }
0xba: {  	(v2sf) =	vpush @!p1 v3, $0x0;
	_ =	sdelay $0xd  }
0xbb: {  	s2 =	spop @!p1 (v2sf)  }
0xbc: {  	s6 =	spop @!p1 (v2sf)  }
0xbd: {  	p2 =	sne.s32 @!p1 s26, s2;
	p3 =	slt.s32 @!p1 s6, $0xF  }
0xbe: {  	[sflag:s0] =	ssyncset.done @!p1 $0x0;
	p2 =	por p2, p1;
	p3 =	por !p3, p1  }
0xbf: {  	[sflag:s0] =	ssyncadd.s32 @!p1 $0xFFFFFFFF;
	v3 =	vimm.s32 @!p2 $0xFFFFFFFF;
	s6 =	simm.s32 @p3 $0xF  }
0xc0: {  	[tilespmem:$0x80] =	vst @!p2 v3;
	s2 =	sadd.s32 @!p1 $0x90, s6  }
0xc1: {  	[spmem:s10] =	stream.linear.scatter @!p1 [tilespmem:s2], [sflag:$0x1], $0x1, $0x38;
	[tilespmem:$0xF030] =	vst v63  }
0xc2: {  	_ =	swait.ge @!p1 [sflag:s0], $0x1  }
0xc3: {  	[sflag:s0] =	ssyncset.done @!p1 $0x0  }
0xc4: {  	s2 =	simm.s32 @!p1 $0x80;
	[sflag:s0] =	ssyncadd.s32 @!p1 $0xFFFFFFFF  }
0xc5: {  	[spmem:s15] =	stream.linear.scatter @!p1 [tilespmem:s2], [sflag:$0x1], $0x1, $0x38;
	[tilespmem:$0xF030] =	vst v63  }
0xc6: {  	_ =	swait.ge @!p1 [sflag:s0], $0x1  }
0xc7: {  	[sflag:s0] =	ssyncset.done @!p1 $0x0  }
0xc8: {  	[sflag:s0] =	ssyncadd.s32 @!p1 $0xFFFFFFFF;
	(ifvalue) =	ssetifvalue $0xFFFFFFFF;
	v3 =	vld [tilespmem:s25+$0x10];
	_ =	sdelay $0x3  }
.Ltmp6:
0xc9: {  	_ = 	snop;
	(pc) =	sbr.rel .LBB2_9-.Ltmp6, $3  }
0xca: {  	_ =	sdelay $0x1  }
0xcb: {  	(ifvalue) =	ssetifvalue $0xFFFFFFFF  }
0xcc: {  	[hbm4b:s1+s16] =	stream.indirect_vreg.scatter [tilespmem:s29], [sflag:$0x9], $0x1, v3, vm0, $0x4038;
	[tilespmem:$0xF030] =	vst v63  }
.LBB2_10:
0xcd: {  	_ =	sfence.sel $0x180000  }
0xce: {  	s0 =	simm.s32 $0x7;
	[bflag:$0x0] =	sbarrier.arrive $0xFFFF  }
0xcf: {  	s26 =	simm.s32 $0x8;
	[sflag:s0] =	ssyncpa.u1 $0x1  }
0xd0: {  	s28 =	simm.s32 $0x9;
	[sflag:s26] =	ssyncpa.u1 $0x1  }
0xd1: {  	[sflag:s28] =	ssyncpa.u1 $0x1  }
0xd2: {  	_ =	sfence.stream.spmem  }
0xd3: {  	s29 =	simm.s32 $0x3;
	[bflag:$0x0] =	sbarrier.arrive $0xFFFF  }
0xd4: {  	s30 =	simm.s32 $0x4;
	[sflag:s29] =	ssyncpa.u1 $0x1  }
0xd5: {  	s31 =	simm.s32 $0x3C;
	s2 =	stileid.u32;
	[sflag:s30] =	ssyncpa.u1 $0x1  }
0xd6: {  	p0 =	sne.s32 s2, $0x0;
	[sflag:s31] =	ssyncpa.u1 $0x1  }
0xd7: {  	s0 =	simm.s32 @p0 $0x1;
	_ =	sfence @p0  }
0xd8: {  	[sflag:s0] =	ssyncpa.u1 @p0 $0x1;
	s0 =	simm.s32 @p0 $0x2  }
0xd9: {  	[sflag:s0] =	ssyncpa.u1 @p0 $0x1  }
0xda: {  	_ =	strace @p0 $0x9000004A  }
0xdb: {  	[bflag:$0x2] =	sbarrier.arrive @p0 $0xFFFF  }
0xdc: {  	_ =	shalt @p0  }
.LBB2_11:
0xdd: {  	_ =	sfence.stream.spmem;
	s0 =	simm.s32 $0x5  }
0xde: {  	s2 =	simm.s32 $0x80;
	s3 =	simm.s32 $0xC0;
	[sflag:s0] =	ssyncpa.u1 $0x0  }
0xdf: {  	[tilespmem:s3], [sflag:$0x5] =	stream.linear.gather [spmem:s2], $0x20, $0x38;
	[tilespmem:$0xF030] =	vst v63  }
0xe0: {  	s2 =	simm.s32 $0x0;
	s3 =	simm.s32 $0xE0  }
0xe1: {  	[tilespmem:s3], [sflag:$0x5] =	stream.linear.gather [spmem:s2], $0x20, $0x38;
	[tilespmem:$0xF030] =	vst v63  }
.Ltmp7:
0xe2: {  	_ = 	snop;
	(pc) =	sbr.rel .LBB2_12-.Ltmp7, $4  }
0xe3: {  	_ =	swait.ge [sflag:s0], $0x40  }
0xe4: {  	[sflag:s0] =	ssyncset.done $0x0  }
0xe5: {  	s31 =	simm.s32 $0x6;
	[sflag:s0] =	ssyncadd.s32 $0xFFFFFFC0  }
0xe6: {  	s4 =	simm.s32 $0x0;
	[sflag:s31] =	ssyncpa.u1 $0x0  }
.LBB2_17:
0xe7: {  	p0 =	sgt.u32 s5, $0xC3FF  }
0xe8: {  	s0 =	sshrl.u32 @!p0 s5, $0x3  }
0xe9: {  	s5 =	sand.u32 @!p0 $0x7, s5;
	s6 =	simm.s32 @!p0 $0xB0;
	s0 =	sadd.s32 @!p0 s1, s0  }
0xea: {  	[tilespmem:s6], [sflag:$0x6] =	stream.linear.gather @!p0 [hbm4b:s0+s5], $0x1, $0x38;
	[tilespmem:$0xF030] =	vst v63  }
0xeb: {  	s0 =	simm.s32 @!p0 $0x6  }
0xec: {  	_ =	swait.ge @!p0 [sflag:s0], $0x1  }
0xed: {  	[sflag:s0] =	ssyncset.done @!p0 $0x0  }
0xee: {  	[sflag:s0] =	ssyncadd.s32 @!p0 $0xFFFFFFFF  }
0xef: {  	v2 =	vmov @!p0 s4;
	v1 =	vld.msk @!p0 [tilespmem:$0xB0], $0x1;
	_ =	sdelay $0x3  }
0xf0: {  	s0 =	simm.s32 @!p0 $0xE0  }
0xf1: {  	[tilespmem:v2+s0+$0x0], v1 =	vst.idx.ret.add.f32.msk @!p0 $0x1, v1  }
0xf2: {  	[tilespmem:s2+$0xC0] =	vst.msk $0x1, v0  }
0xf3: {  	v0 =	vld.msk [tilespmem:s4+$0xE0], $0x1;
	_ =	sdelay $0x4  }
0xf4: {  	[tilespmem:s2+$0xE0] =	vst.msk $0x1, v0;
	s2 =	sadd.s32 $0x1, s2  }
.LBB2_19:
0xf5: {  	s4 =	sadd.s32 $0x1, s4  }
0xf6: {  	p0 =	sne.s32 s4, $0x20  }
.Ltmp8:
0xf7: {  	_ = 	snop;
	(pc) =	sbr.rel @!p0 .LBB2_20-.Ltmp8, $1  }
0xf8: {  	_ =	sdelay $0x3  }
.LBB2_12:
0xf9: {  	v0 =	vld.msk [tilespmem:s4+$0xC0], $0x1;
	_ =	sdelay $0x4  }
0xfa: {  	(v2sf) =	vpush v0, $0x0;
	_ =	sdelay $0xe  }
0xfb: {  	s5 =	spop (v2sf)  }
0xfc: {  	p0 =	seq.s32 s5, $0xFFFFFFFF  }
.Ltmp9:
0xfd: {  	_ = 	snop;
	(pc) =	sbr.rel @p0 .LBB2_19-.Ltmp9, $1  }
0xfe: {  	_ =	sdelay $0x3  }
0xff: {  	p0 =	slt.s32 s2, $0x1  }
.Ltmp10:
0x100: {  	_ = 	snop;
	(pc) =	sbr.rel @p0 .LBB2_17-.Ltmp10, $1  }
0x101: {  	_ =	sdelay $0x3  }
0x102: {  	s0 =	simm.s32 $0xC0;
	p0 =	por $0x0, $0x0  }
0x103: {  	v1 =	vld.msk @!p0 [tilespmem:s0+$0x0], $0x1;
	_ =	sdelay $0x4  }
0x104: {  	(v2sf) =	vpush @!p0 v1, $0x0;
	_ =	sdelay $0xd  }
0x105: {  	p2 =	sne.s32 s2, $0x1  }
.Ltmp11:
0x106: {  	s6 =	spop @!p0 (v2sf);
	(pc) =	sbr.rel @!p2 .LBB2_16-.Ltmp11, $4  }
0x107: {  	p1 =	seq.s32 @!p0 s5, s6  }
0x108: {  	s6 =	simm.s32 $0x0;
	p1 =	por !p1, p0  }
0x109: {  	s8 =	simm.s32 $0xFFFFFFFF;
	s6 =	simm.s32 @p1 $0xFFFFFFFF  }
0x10a: {  	s7 =	simm.s32 $0x1;
	s6 =	smov.u32 @p0 s8  }
.LBB2_15:
0x10b: {  	s8 =	smov.u32 s6;
	p0 =	sne.s32 s6, $0xFFFFFFFF  }
0x10c: {  	s0 =	sadd.s32 $0x1, s0;
	s6 =	smov.u32 s7;
	s7 =	sadd.s32 $0x1, s7  }
0x10d: {  	p1 =	sne.s32 s2, s7;
	v1 =	vld.msk @!p0 [tilespmem:s0+$0x0], $0x1;
	_ =	sdelay $0x4  }
0x10e: {  	(v2sf) =	vpush @!p0 v1, $0x0;
	_ =	sdelay $0xe  }
.Ltmp12:
0x10f: {  	s9 =	spop @!p0 (v2sf);
	(pc) =	sbr.rel @p1 .LBB2_15-.Ltmp12, $4  }
0x110: {  	p2 =	seq.s32 @!p0 s5, s9  }
0x111: {  	p2 =	por !p2, p0  }
0x112: {  	s6 =	simm.s32 @p2 $0xFFFFFFFF  }
0x113: {  	s6 =	smov.u32 @p0 s8  }
.LBB2_16:
0x114: {  	p0 =	sne.s32 s6, $0xFFFFFFFF  }
.Ltmp13:
0x115: {  	_ = 	snop;
	(pc) =	sbr.rel @!p0 .LBB2_17-.Ltmp13, $1  }
0x116: {  	_ =	sdelay $0x3  }
0x117: {  	v0 =	vld.msk [tilespmem:s4+$0xE0], $0x1;
	v1 =	vmov s6  }
.Ltmp14:
0x118: {  	_ = 	snop;
	(pc) =	sbr.rel .LBB2_19-.Ltmp14, $2  }
0x119: {  	_ =	sdelay $0x2  }
0x11a: {  	[tilespmem:v1+s3+$0x0], v0 =	vst.idx.ret.add.f32.msk $0x1, v0  }
.LBB2_20:
0x11b: {  	p0 =	slt.s32 s2, $0x1  }
.Ltmp15:
0x11c: {  	_ = 	snop;
	(pc) =	sbr.rel @p0 .LBB2_24-.Ltmp15, $3  }
0x11d: {  	_ =	sdelay $0x1  }
0x11e: {  	s0 =	simm.s32 $0x6  }
0x11f: {  	s3 =	simm.s32 $0x0;
	[sflag:s0] =	ssyncpa.u1 $0x1  }
0x120: {  	s0 =	simm.s32 $0xC0  }
0x121: {  	v0 =	vld.msk [tilespmem:s0+$0x0], $0x1;
	_ =	sdelay $0x4  }
0x122: {  	(v2sf) =	vpush v0, $0x0;
	_ =	sdelay $0xe  }
0x123: {  	s2 =	sadd.s32 $0xFFFFFFFF, s2;
	s4 =	spop (v2sf)  }
0x124: {  	p1 =	sne.s32 s2, $0x0;
	p0 =	sgt.u32 s4, $0xC3FF  }
.Ltmp16:
0x125: {  	s5 =	sshrl.u32 @!p0 s4, $0x3;
	(pc) =	sbr.rel @!p1 .LBB2_23-.Ltmp16, $4  }
0x126: {  	s0 =	simm.s32 $0xE0;
	s4 =	sand.u32 @!p0 $0x7, s4;
	s5 =	sadd.s32 @!p0 s1, s5  }
0x127: {  	[hbm4b:s5+s4] =	stream.linear.scatter @!p0 [tilespmem:s0], [sflag:$0x5], $0x1, $0x38;
	[tilespmem:$0xF030] =	vst v63  }
0x128: {  	s5 =	simm.s32 $0x0  }
0x129: {  	s4 =	simm.s32 $0xC1;
	s5 =	simm.s32 @!p0 $0x4  }
.LBB2_22:
0x12a: {  	v0 =	vld.msk [tilespmem:s4+$0x0], $0x1;
	s2 =	sadd.s32 $0xFFFFFFFF, s2;
	s3 =	sadd.s32 s3, s5  }
0x12b: {  	p0 =	sne.s32 s2, $0x0;
	_ =	sdelay $0x3  }
0x12c: {  	(v2sf) =	vpush v0, $0x0;
	_ =	sdelay $0xe  }
.Ltmp17:
0x12d: {  	s6 =	spop (v2sf);
	(pc) =	sbr.rel @p0 .LBB2_22-.Ltmp17, $4  }
0x12e: {  	s5 =	simm.s32 $0x0;
	p1 =	sgt.u32 s6, $0xC3FF  }
0x12f: {  	s0 =	sadd.s32 $0x1, s0;
	s5 =	simm.s32 @!p1 $0x4;
	s7 =	sshrl.u32 @!p1 s6, $0x3  }
0x130: {  	s4 =	sadd.s32 $0x1, s4;
	s6 =	sand.u32 @!p1 $0x7, s6;
	s7 =	sadd.s32 @!p1 s1, s7  }
0x131: {  	[hbm4b:s7+s6] =	stream.linear.scatter @!p1 [tilespmem:s0], [sflag:$0x5], $0x1, $0x38;
	[tilespmem:$0xF030] =	vst v63  }
.LBB2_23:
0x132: {  	s0 =	sadd.s32 s3, s5  }
0x133: {  	s3 =	sshrl.u32 s0, $0x2  }
.LBB2_24:
0x134: {  	s0 =	simm.s32 $0x5  }
0x135: {  	_ =	swait.ge [sflag:s0], s3  }
0x136: {  	s1 =	ssub.s32 $0x0, s3;
	[sflag:s0] =	ssyncset.done $0x0  }
0x137: {  	[sflag:s0] =	ssyncadd.s32 s1  }
0x138: {  	[sflag:s0] =	ssyncpa.u1 $0x1  }
0x139: {  	s29 =	simm.s32 $0x1;
	_ =	sfence  }
0x13a: {  	s30 =	simm.s32 $0x2;
	[sflag:s29] =	ssyncpa.u1 $0x1  }
0x13b: {  	[sflag:s30] =	ssyncpa.u1 $0x1  }
0x13c: {  	_ =	strace $0x9000004A  }
0x13d: {  	[bflag:$0x2] =	sbarrier.arrive $0xFFFF  }
0x13e: {  	s31 =	rddreg [dreg:$0x1]  }
0x13f: {  	s0 =	sadd.s32 $0x100000, s31  }
0x140: {  	[sflag:s0] =	ssyncadd.tile.s32 $0x1;
	_ =	shalt  }
.Lfunc_end2:
_tile_overlayer_lowered:
.L_overlay_start_2:
0x141: {  	(tag) =	ssettag $0x2  }
0x142: {  	s0 =	rddreg [dreg:$0x0];
	s2 =	stileid.u32  }
0x143: {  	s1 =	rddreg [dreg:$0x1];
	p0 =	sne.s32 s2, $0x0  }
0x144: {  	s3 =	rddreg [dreg:$0x2];
	[bflag:$0x3] =	sbarrier.arrive $0xFFFF;
	s2 =	simm.s32 @!p0 $0x1C01  }
0x145: {  	[timem:s3], [sflag:s2] =	dma.local @!p0 [hbm:s0], s1  }
0x146: {  	s0 =	simm.s32 @!p0 $0x1  }
0x147: {  	_ =	swait.ge @!p0 [sflag:s0], s1  }
0x148: {  	s1 =	ssub.s32 @!p0 $0x0, s1;
	[sflag:s0] =	ssyncset.done @!p0 $0x0  }
0x149: {  	[sflag:s0] =	ssyncadd.s32 @!p0 s1  }
0x14a: {  	[bflag:$0x3] =	sbarrier.arrive $0xFFFF  }
0x14b: {  	_ =	shalt  }

</sc_bundles>
